<compile_context>
chip_gen: v7x
topology: tpu7x:2x2x1
jax: 0.10.2.dev20260603
libtpu: 0.0.44.dev20260713+nightly
codegen_flags: <defaults>
</compile_context>

<pallas_src>
import functools

import jax
import jax.numpy as jnp
from jax import lax
from jax.experimental import pallas as pl
from jax.experimental.pallas import tpu as pltpu
from jax.experimental.pallas import tpu_sc as plsc

N = 10000
E = 320000
DIN = 128
D2 = 256
DOUT = 128

NC = 2
NS = 16
NW = NC * NS
K = 128
NCH = E // K
CHW = NCH // NW
NEX = NCH - CHW * NW
N_PAD = 10240
RPT = N_PAD // NS

_mesh = plsc.VectorSubcoreMesh(
    core_axis_name="c", subcore_axis_name="s", num_cores=NC, num_subcores=NS)


@functools.partial(
    pl.kernel,
    out_type=jax.ShapeDtypeStruct((NC, N_PAD), jnp.float32),
    mesh=_mesh,
    scratch_types=[
        pltpu.VMEM((2, K), jnp.int32),
        pltpu.VMEM((2, K), jnp.int32),
        pltpu.VMEM((2, K), jnp.int32),
        pltpu.VMEM((2, K), jnp.int32),
        pltpu.VMEM((2, K), jnp.int32),
        pltpu.VMEM((2, K), jnp.int32),
        pltpu.VMEM((K,), jnp.float32),
        pltpu.VMEM((RPT,), jnp.float32),
        pltpu.VMEM_SHARED((N_PAD,), jnp.float32),
        pltpu.SemaphoreType.DMA,
        pltpu.SemaphoreType.DMA,
        pltpu.SemaphoreType.DMA,
        pltpu.SemaphoreType.DMA,
        pltpu.SemaphoreType.DMA,
        pltpu.SemaphoreType.DMA,
        pltpu.SemaphoreType.DMA,
        pltpu.SemaphoreType.DMA,
    ],
)
def _deg_kernel(edge_hbm, out_hbm, e0, e1, e2, e3, e4, e5, ones_v, zbuf, acc,
                si0, si1, si2, si3, si4, si5, ss0, ss1):
    c = lax.axis_index("c")
    s = lax.axis_index("s")
    wid = s * NC + c
    r0 = s * RPT
    idb = (e0, e1, e2, e3, e4, e5)
    semi = (si0, si1, si2, si3, si4, si5)
    sems = (ss0, ss1)
    for j in range(K // 16):
        ones_v[pl.ds(j * 16, 16)] = jnp.ones((16,), jnp.float32)
    for j in range(RPT // 16):
        zbuf[pl.ds(j * 16, 16)] = jnp.zeros((16,), jnp.float32)
    pltpu.sync_copy(zbuf, acc.at[pl.ds(r0, RPT)])
    plsc.subcore_barrier()

    def start_idx(ci, ib):
        pltpu.async_copy(edge_hbm.at[:, pl.ds((wid + 32 * ci) * K, K)],
                         idb[ib], semi[ib])

    def wait_idx(ib):
        pltpu.make_async_copy(edge_hbm.at[:, pl.ds(0, K)], idb[ib],
                              semi[ib]).wait()

    def start_sc(ib, sb):
        pltpu.async_copy(ones_v, acc.at[idb[ib].at[1]], sems[sb], add=True)

    def wait_sc(sb):
        pltpu.make_async_copy(ones_v, acc.at[idb[0].at[1]], sems[sb]).wait()

    for ci in range(3):
        start_idx(ci, ci)
    for ci in range(6):
        wait_idx(ci)
        if ci >= 2:
            wait_sc(ci % 2)
        start_sc(ci, ci % 2)
        start_idx(ci + 3, (ci + 3) % 6)

    def group(g, carry):
        cc = 6 * g
        for j in range(6):
            wait_idx(j)
            wait_sc(j % 2)
            start_sc(j, j % 2)
            start_idx(cc + j + 9, (j + 3) % 6)
        return carry

    lax.fori_loop(0, (CHW - 12) // 6, group, 0)
    cc = CHW - 12
    for j in range(6):
        wait_idx(j)
        wait_sc(j % 2)
        start_sc(j, j % 2)
        if j < 3:
            start_idx(cc + j + 9, (j + 3) % 6)
    wait_sc(0)
    wait_sc(1)

    @pl.when(wid < NEX)
    def _():
        pltpu.sync_copy(edge_hbm.at[:, pl.ds((wid + 32 * CHW) * K, K)], e0)
        pltpu.sync_copy(ones_v, acc.at[e0.at[1]], add=True)

    plsc.subcore_barrier()
    pltpu.sync_copy(acc.at[pl.ds(r0, RPT)], out_hbm.at[c, pl.ds(r0, RPT)])


@functools.partial(
    pl.kernel,
    out_type=jax.ShapeDtypeStruct((NC, N_PAD, DIN), jnp.float32),
    mesh=_mesh,
    scratch_types=[
        pltpu.VMEM((2, K), jnp.int32),
        pltpu.VMEM((2, K), jnp.int32),
        pltpu.VMEM((2, K), jnp.int32),
        pltpu.VMEM((2, K), jnp.int32),
        pltpu.VMEM((K, DIN), jnp.float32),
        pltpu.VMEM((K, DIN), jnp.float32),
        pltpu.VMEM_SHARED((N_PAD, DIN), jnp.float32),
        pltpu.SemaphoreType.DMA,
        pltpu.SemaphoreType.DMA,
        pltpu.SemaphoreType.DMA,
        pltpu.SemaphoreType.DMA,
        pltpu.SemaphoreType.DMA,
        pltpu.SemaphoreType.DMA,
    ],
)
def _scatter_kernel(edge_hbm, y_hbm, out_hbm,
                    e0, e1, e2, e3, rows0, rows1, acc,
                    si0, si1, si2, si3, sg0, sg1):
    c = lax.axis_index("c")
    s = lax.axis_index("s")
    wid = s * NC + c
    r0 = s * RPT
    idb = (e0, e1, e2, e3)
    semi = (si0, si1, si2, si3)
    rows = (rows0, rows1)
    semg = (sg0, sg1)

    def zfill(r, carry):
        for j in range(DIN // 16):
            rows0[r, pl.ds(j * 16, 16)] = jnp.zeros((16,), jnp.float32)
        return carry

    lax.fori_loop(0, K, zfill, 0)
    for t in range(RPT // K):
        pltpu.sync_copy(rows0, acc.at[pl.ds(r0 + t * K, K), :])
    plsc.subcore_barrier()

    def start_idx(ci, ib):
        pltpu.async_copy(edge_hbm.at[:, pl.ds((wid + 32 * ci) * K, K)],
                         idb[ib], semi[ib])

    def wait_idx(ib):
        pltpu.make_async_copy(edge_hbm.at[:, pl.ds(0, K)], idb[ib],
                              semi[ib]).wait()

    def start_gather(ib, rb):
        pltpu.async_copy(y_hbm.at[idb[ib].at[0]], rows[rb], semg[rb])

    def wait_gather(rb):
        pltpu.make_async_copy(y_hbm.at[idb[0].at[0]], rows[rb],
                              semg[rb]).wait()

    def scatter_add(ib, rb):
        pltpu.sync_copy(rows[rb], acc.at[idb[ib].at[1]], add=True)

    start_idx(0, 0)
    start_idx(1, 1)
    wait_idx(0)
    start_gather(0, 0)
    start_idx(2, 2)
    wait_idx(1)
    start_gather(1, 1)
    wait_gather(0)
    scatter_add(0, 0)
    start_idx(3, 3)

    def group(g, carry):
        cc = 4 * g
        for j in range(4):
            ib = (j + 2) % 4
            rb = j % 2
            wait_idx(ib)
            start_gather(ib, rb)
            wait_gather(1 - rb)
            scatter_add((j + 1) % 4, 1 - rb)
            start_idx(cc + j + 4, j)
        return carry

    lax.fori_loop(0, (CHW - 6) // 4, group, 0)
    cc = CHW - 6
    for j in range(4):
        ib = (j + 2) % 4
        rb = j % 2
        wait_idx(ib)
        start_gather(ib, rb)
        wait_gather(1 - rb)
        scatter_add((j + 1) % 4, 1 - rb)
        if j < 2:
            start_idx(cc + j + 4, j)
    wait_gather(1)
    scatter_add(1, 1)

    @pl.when(wid < NEX)
    def _():
        pltpu.sync_copy(edge_hbm.at[:, pl.ds((wid + 32 * CHW) * K, K)], e0)
        pltpu.async_copy(y_hbm.at[e0.at[0]], rows0, sg0).wait()
        pltpu.sync_copy(rows0, acc.at[e0.at[1]], add=True)

    plsc.subcore_barrier()
    pltpu.sync_copy(acc.at[pl.ds(r0, RPT), :],
                    out_hbm.at[c, pl.ds(r0, RPT), :])


def _prep_body(degp_ref, x_ref, y_ref, dinv_ref):
    d1 = degp_ref[0] + degp_ref[1] + 1.0
    dinv1 = lax.rsqrt(d1)
    dinv_ref[...] = dinv1
    dcol = jnp.reshape(dinv1, (N_PAD, 1))
    y_ref[pl.ds(0, N), :] = x_ref[...] * dcol[0:N]
    y_ref[pl.ds(N, N_PAD - N), :] = jnp.zeros((N_PAD - N, DIN), jnp.float32)


def _prep(deg_partials, x):
    return pl.pallas_call(
        _prep_body,
        out_shape=(
            jax.ShapeDtypeStruct((N_PAD, DIN), jnp.float32),
            jax.ShapeDtypeStruct((N_PAD,), jnp.float32),
        ),
    )(deg_partials, x)


_NBLK = 16
_BR = N_PAD // _NBLK


def _final_body(p_ref, x_ref, dinv_ref, w1_ref, b1_ref,
                f1w_ref, f1b_ref, f2w_ref, f2b_ref,
                f3w_ref, f3b_ref, f4w_ref, f4b_ref,
                o1_ref, o2_ref, o3_ref, o4_ref, gacc_ref):
    i = pl.program_id(0)
    dv = jnp.reshape(dinv_ref[pl.ds(i * _BR, _BR)], (_BR, 1))
    sv = dv * (p_ref[0] + p_ref[1]) + (dv * dv) * x_ref[...]
    t = jnp.dot(sv, w1_ref[...], preferred_element_type=jnp.float32)
    t = jnp.maximum(t + b1_ref[...], 0.0)
    rows = i * _BR + lax.broadcasted_iota(jnp.int32, (_BR, 1), 0)
    t = jnp.where(rows < N, t, 0.0)

    @pl.when(i == 0)
    def _():
        gacc_ref[...] = jnp.zeros((1, D2), jnp.float32)

    gacc_ref[...] += jnp.sum(t, axis=0, keepdims=True)

    @pl.when(i == _NBLK - 1)
    def _():
        g = gacc_ref[...] * (1.0 / N)
        dn = (((1,), (1,)), ((), ()))
        o1_ref[...] = jnp.tanh(
            lax.dot_general(g, f1w_ref[...], dn,
                            preferred_element_type=jnp.float32)[0]
            + f1b_ref[...])
        o2_ref[...] = jnp.tanh(
            lax.dot_general(g, f2w_ref[...], dn,
                            preferred_element_type=jnp.float32)[0]
            + f2b_ref[...])
        o3_ref[...] = jnp.tanh(
            lax.dot_general(g, f3w_ref[...], dn,
                            preferred_element_type=jnp.float32)[0]
            + f3b_ref[...])
        o4_ref[...] = jnp.tanh(
            lax.dot_general(g, f4w_ref[...], dn,
                            preferred_element_type=jnp.float32)[0]
            + f4b_ref[...])


def _final(partials, x, dinv, w1, b1, f1w, f1b, f2w, f2b,
           f3w, f3b, f4w, f4b):
    full = lambda shape: pl.BlockSpec(shape, lambda i: (0,) * len(shape))
    return pl.pallas_call(
        _final_body,
        grid=(_NBLK,),
        in_specs=[
            pl.BlockSpec((NC, _BR, DIN), lambda i: (0, i, 0)),
            pl.BlockSpec((_BR, DIN), lambda i: (i, 0)),
            pl.BlockSpec((N_PAD,), lambda i: (0,)),
            full((DIN, D2)), full((D2,)),
            full((D2, D2)), full((D2,)),
            full((D2, D2)), full((D2,)),
            full((DOUT, D2)), full((DOUT,)),
            full((DOUT, D2)), full((DOUT,)),
        ],
        out_specs=[full((D2,)), full((D2,)), full((DOUT,)), full((DOUT,))],
        out_shape=(
            jax.ShapeDtypeStruct((D2,), jnp.float32),
            jax.ShapeDtypeStruct((D2,), jnp.float32),
            jax.ShapeDtypeStruct((DOUT,), jnp.float32),
            jax.ShapeDtypeStruct((DOUT,), jnp.float32),
        ),
        scratch_shapes=[pltpu.VMEM((1, D2), jnp.float32)],
    )(partials, x, dinv, w1, b1, f1w, f1b, f2w, f2b, f3w, f3b, f4w, f4b)


def kernel(x, edge_index, conv1_weight, conv1_bias,
           fc1_weight, fc1_bias, fc2_weight, fc2_bias,
           fc3_weight, fc3_bias, fc4_weight, fc4_bias):
    deg_partials = _deg_kernel(edge_index)
    y, dinv = _prep(deg_partials, x)
    partials = _scatter_kernel(edge_index, y)
    return _final(partials, x, dinv,
                  conv1_weight, conv1_bias, fc1_weight, fc1_bias,
                  fc2_weight, fc2_bias, fc3_weight, fc3_bias,
                  fc4_weight, fc4_bias)

# --- scband reference (transcript-rebuilt; emitter-appended) ---
"""Pipeline reference for scband-graph-signature-77799037599904 (READ-ONLY COPY).

The authoritative reference and input builder live on the scoring server;
editing this copy changes nothing except your own understanding.
"""

import jax, jax.numpy as jnp
import numpy as np

N, E, DIN, DOUT = 10000, 320000, 128, 128
D2 = 2 * DOUT


def setup_inputs(seed: int = 0) -> dict:
    key = jax.random.key(seed)
    ks = jax.random.split(key, 12)
    return {
        "x": jax.random.normal(ks[0], (N, DIN), dtype=jnp.float32),
        "edge_index": jax.random.randint(ks[1], (2, E), 0, N, dtype=jnp.int32),
        "conv1_weight": jax.random.normal(ks[2], (DIN, D2), dtype=jnp.float32) * 0.05,
        "conv1_bias": jax.random.normal(ks[3], (D2,), dtype=jnp.float32) * 0.05,
        "fc1_weight": jax.random.normal(ks[4], (D2, D2), dtype=jnp.float32) * 0.05,
        "fc1_bias": jax.random.normal(ks[5], (D2,), dtype=jnp.float32) * 0.05,
        "fc2_weight": jax.random.normal(ks[6], (D2, D2), dtype=jnp.float32) * 0.05,
        "fc2_bias": jax.random.normal(ks[7], (D2,), dtype=jnp.float32) * 0.05,
        "fc3_weight": jax.random.normal(ks[8], (DOUT, D2), dtype=jnp.float32) * 0.05,
        "fc3_bias": jax.random.normal(ks[9], (DOUT,), dtype=jnp.float32) * 0.05,
        "fc4_weight": jax.random.normal(ks[10], (DOUT, D2), dtype=jnp.float32) * 0.05,
        "fc4_bias": jax.random.normal(ks[11], (DOUT,), dtype=jnp.float32) * 0.05,
    }


def _gcn_conv(x, edge_index, weight, bias):
    # MetaGCNConv: linear transform, add self-loops, symmetric (D^-1/2 A D^-1/2) aggregation, then bias
    n = x.shape[0]
    h = x @ weight
    loop = jnp.arange(n, dtype=edge_index.dtype)
    src = jnp.concatenate([edge_index[0], loop])
    dst = jnp.concatenate([edge_index[1], loop])
    deg = jax.ops.segment_sum(jnp.ones_like(dst, dtype=h.dtype), dst, num_segments=n)
    dinv = jnp.where(deg > 0, 1.0 / jnp.sqrt(deg), 0.0)
    norm = dinv[src] * dinv[dst]
    agg = jax.ops.segment_sum(norm[:, None] * h[src], dst, num_segments=n)
    return agg + bias


def reference(x, edge_index, conv1_weight, conv1_bias, fc1_weight, fc1_bias, fc2_weight, fc2_bias, fc3_weight, fc3_bias, fc4_weight, fc4_bias):
    h = jax.nn.relu(_gcn_conv(x, edge_index, conv1_weight, conv1_bias))
    g = h.mean(0)
    x_gamma_1 = jnp.tanh(g @ fc1_weight.T + fc1_bias)
    x_beta_1 = jnp.tanh(g @ fc2_weight.T + fc2_bias)
    x_gamma_2 = jnp.tanh(g @ fc3_weight.T + fc3_bias)
    x_beta_2 = jnp.tanh(g @ fc4_weight.T + fc4_bias)
    return (x_gamma_1, x_beta_1, x_gamma_2, x_beta_2)

if __name__ == "__main__":
    import jax
    _d = setup_inputs()
    print(jax.jit(kernel)(*tuple(_d.values())))

</pallas_src>

<mosaic_0001>
#map = affine_map<(d0, d1) -> (0, 0)>
#map1 = affine_map<(d0, d1) -> (0, 0, 0)>
module attributes {stable_mosaic.version = 14 : i64} {
  func.func @_scatter_kernel(%arg0: i32, %arg1: i32, %arg2: memref<2x320000xi32, #tpu.memory_space<hbm>>, %arg3: memref<10240x128xf32, #tpu.memory_space<hbm>>, %arg4: memref<2x10240x128xf32, #tpu.memory_space<hbm>>, %arg5: memref<2x128xi32, #tpu.memory_space<vmem>>, %arg6: memref<2x128xi32, #tpu.memory_space<vmem>>, %arg7: memref<2x128xi32, #tpu.memory_space<vmem>>, %arg8: memref<2x128xi32, #tpu.memory_space<vmem>>, %arg9: memref<128x128xf32, #tpu.memory_space<vmem>>, %arg10: memref<128x128xf32, #tpu.memory_space<vmem>>, %arg11: memref<10240x128xf32, #tpu.memory_space<vmem_shared>>, %arg12: memref<!tpu.dma_semaphore, #tpu.memory_space<semaphore_mem>>, %arg13: memref<!tpu.dma_semaphore, #tpu.memory_space<semaphore_mem>>, %arg14: memref<!tpu.dma_semaphore, #tpu.memory_space<semaphore_mem>>, %arg15: memref<!tpu.dma_semaphore, #tpu.memory_space<semaphore_mem>>, %arg16: memref<!tpu.dma_semaphore, #tpu.memory_space<semaphore_mem>>, %arg17: memref<!tpu.dma_semaphore, #tpu.memory_space<semaphore_mem>>) attributes {dimension_semantics = [#tpu.dimension_semantics<core_parallel>, #tpu.dimension_semantics<subcore_parallel>], iteration_bounds = array<i64: 2, 16>, scalar_prefetch = 0 : i64, scratch_operands = 13 : i64, tpu.core_type = #tpu.core_type<sc_vector_subcore>, window_params = [{transform_indices = #map}, {transform_indices = #map}, {transform_indices = #map1}]} {
    %mul3A = arith.constant 2 : i32
    %mul3A_0 = arith.muli %arg1, %mul3A : i32
    %add3A = arith.addi %mul3A_0, %arg0 : i32
    %mul3A_1 = arith.constant 640 : i32
    %mul3A_2 = arith.muli %arg1, %mul3A_1 : i32
    %scan3A = arith.constant 0 : i32
    %scan3A_3 = arith.constant 0 : i32
    %scan3A_4 = arith.constant 128 : i32
    %scan3A_5 = arith.addi %scan3A_3, %scan3A_4 : i32
    %scan3A_6 = arith.constant 1 : i32
    scf.for %scan3A_198 = %scan3A_3 to %scan3A_5 step %scan3A_6  : i32 {
      %broadcast_in_dim3A = arith.constant 0.000000e+00 : f32
      %broadcast_in_dim3A_199 = vector.broadcast %broadcast_in_dim3A : f32 to vector<16xf32>
      %swap3A = arith.index_cast %scan3A_198 : i32 to index
      %swap3A_200 = arith.constant 0 : index
      %swap3A_201 = tpu.vector_load %arg9[%swap3A, %swap3A_200] {strides = array<i32>} : memref<128x128xf32, #tpu.memory_space<vmem>>, vector<1x16xf32>,
      %swap3A_202 = vector.shape_cast %swap3A_201 : vector<1x16xf32> to vector<16xf32>
      %swap3A_203 = vector.shape_cast %broadcast_in_dim3A_199 : vector<16xf32> to vector<1x16xf32>
      tpu.vector_store %arg9[%swap3A, %swap3A_200], %swap3A_203 {strides = array<i32>} : memref<128x128xf32, #tpu.memory_space<vmem>>, vector<1x16xf32>,
      %broadcast_in_dim3A_204 = arith.constant 0.000000e+00 : f32
      %broadcast_in_dim3A_205 = vector.broadcast %broadcast_in_dim3A_204 : f32 to vector<16xf32>
      %swap3A_206 = arith.index_cast %scan3A_198 : i32 to index
      %swap3A_207 = arith.constant 16 : index
      %swap3A_208 = tpu.vector_load %arg9[%swap3A_206, %swap3A_207] {strides = array<i32>} : memref<128x128xf32, #tpu.memory_space<vmem>>, vector<1x16xf32>,
      %swap3A_209 = vector.shape_cast %swap3A_208 : vector<1x16xf32> to vector<16xf32>
      %swap3A_210 = vector.shape_cast %broadcast_in_dim3A_205 : vector<16xf32> to vector<1x16xf32>
      tpu.vector_store %arg9[%swap3A_206, %swap3A_207], %swap3A_210 {strides = array<i32>} : memref<128x128xf32, #tpu.memory_space<vmem>>, vector<1x16xf32>,
      %broadcast_in_dim3A_211 = arith.constant 0.000000e+00 : f32
      %broadcast_in_dim3A_212 = vector.broadcast %broadcast_in_dim3A_211 : f32 to vector<16xf32>
      %swap3A_213 = arith.index_cast %scan3A_198 : i32 to index
      %swap3A_214 = arith.constant 32 : index
      %swap3A_215 = tpu.vector_load %arg9[%swap3A_213, %swap3A_214] {strides = array<i32>} : memref<128x128xf32, #tpu.memory_space<vmem>>, vector<1x16xf32>,
      %swap3A_216 = vector.shape_cast %swap3A_215 : vector<1x16xf32> to vector<16xf32>
      %swap3A_217 = vector.shape_cast %broadcast_in_dim3A_212 : vector<16xf32> to vector<1x16xf32>
      tpu.vector_store %arg9[%swap3A_213, %swap3A_214], %swap3A_217 {strides = array<i32>} : memref<128x128xf32, #tpu.memory_space<vmem>>, vector<1x16xf32>,
      %broadcast_in_dim3A_218 = arith.constant 0.000000e+00 : f32
      %broadcast_in_dim3A_219 = vector.broadcast %broadcast_in_dim3A_218 : f32 to vector<16xf32>
      %swap3A_220 = arith.index_cast %scan3A_198 : i32 to index
      %swap3A_221 = arith.constant 48 : index
      %swap3A_222 = tpu.vector_load %arg9[%swap3A_220, %swap3A_221] {strides = array<i32>} : memref<128x128xf32, #tpu.memory_space<vmem>>, vector<1x16xf32>,
      %swap3A_223 = vector.shape_cast %swap3A_222 : vector<1x16xf32> to vector<16xf32>
      %swap3A_224 = vector.shape_cast %broadcast_in_dim3A_219 : vector<16xf32> to vector<1x16xf32>
      tpu.vector_store %arg9[%swap3A_220, %swap3A_221], %swap3A_224 {strides = array<i32>} : memref<128x128xf32, #tpu.memory_space<vmem>>, vector<1x16xf32>,
      %broadcast_in_dim3A_225 = arith.constant 0.000000e+00 : f32
      %broadcast_in_dim3A_226 = vector.broadcast %broadcast_in_dim3A_225 : f32 to vector<16xf32>
      %swap3A_227 = arith.index_cast %scan3A_198 : i32 to index
      %swap3A_228 = arith.constant 64 : index
      %swap3A_229 = tpu.vector_load %arg9[%swap3A_227, %swap3A_228] {strides = array<i32>} : memref<128x128xf32, #tpu.memory_space<vmem>>, vector<1x16xf32>,
      %swap3A_230 = vector.shape_cast %swap3A_229 : vector<1x16xf32> to vector<16xf32>
      %swap3A_231 = vector.shape_cast %broadcast_in_dim3A_226 : vector<16xf32> to vector<1x16xf32>
      tpu.vector_store %arg9[%swap3A_227, %swap3A_228], %swap3A_231 {strides = array<i32>} : memref<128x128xf32, #tpu.memory_space<vmem>>, vector<1x16xf32>,
      %broadcast_in_dim3A_232 = arith.constant 0.000000e+00 : f32
      %broadcast_in_dim3A_233 = vector.broadcast %broadcast_in_dim3A_232 : f32 to vector<16xf32>
      %swap3A_234 = arith.index_cast %scan3A_198 : i32 to index
      %swap3A_235 = arith.constant 80 : index
      %swap3A_236 = tpu.vector_load %arg9[%swap3A_234, %swap3A_235] {strides = array<i32>} : memref<128x128xf32, #tpu.memory_space<vmem>>, vector<1x16xf32>,
      %swap3A_237 = vector.shape_cast %swap3A_236 : vector<1x16xf32> to vector<16xf32>
      %swap3A_238 = vector.shape_cast %broadcast_in_dim3A_233 : vector<16xf32> to vector<1x16xf32>
      tpu.vector_store %arg9[%swap3A_234, %swap3A_235], %swap3A_238 {strides = array<i32>} : memref<128x128xf32, #tpu.memory_space<vmem>>, vector<1x16xf32>,
      %broadcast_in_dim3A_239 = arith.constant 0.000000e+00 : f32
      %broadcast_in_dim3A_240 = vector.broadcast %broadcast_in_dim3A_239 : f32 to vector<16xf32>
      %swap3A_241 = arith.index_cast %scan3A_198 : i32 to index
      %swap3A_242 = arith.constant 96 : index
      %swap3A_243 = tpu.vector_load %arg9[%swap3A_241, %swap3A_242] {strides = array<i32>} : memref<128x128xf32, #tpu.memory_space<vmem>>, vector<1x16xf32>,
      %swap3A_244 = vector.shape_cast %swap3A_243 : vector<1x16xf32> to vector<16xf32>
      %swap3A_245 = vector.shape_cast %broadcast_in_dim3A_240 : vector<16xf32> to vector<1x16xf32>
      tpu.vector_store %arg9[%swap3A_241, %swap3A_242], %swap3A_245 {strides = array<i32>} : memref<128x128xf32, #tpu.memory_space<vmem>>, vector<1x16xf32>,
      %broadcast_in_dim3A_246 = arith.constant 0.000000e+00 : f32
      %broadcast_in_dim3A_247 = vector.broadcast %broadcast_in_dim3A_246 : f32 to vector<16xf32>
      %swap3A_248 = arith.index_cast %scan3A_198 : i32 to index
      %swap3A_249 = arith.constant 112 : index
      %swap3A_250 = tpu.vector_load %arg9[%swap3A_248, %swap3A_249] {strides = array<i32>} : memref<128x128xf32, #tpu.memory_space<vmem>>, vector<1x16xf32>,
      %swap3A_251 = vector.shape_cast %swap3A_250 : vector<1x16xf32> to vector<16xf32>
      %swap3A_252 = vector.shape_cast %broadcast_in_dim3A_247 : vector<16xf32> to vector<1x16xf32>
      tpu.vector_store %arg9[%swap3A_248, %swap3A_249], %swap3A_252 {strides = array<i32>} : memref<128x128xf32, #tpu.memory_space<vmem>>, vector<1x16xf32>,
    }
    %scan3A_7 = arith.constant 128 : i32
    %add3A_8 = arith.constant 0 : i32
    %add3A_9 = arith.addi %mul3A_2, %add3A_8 : i32
    "tpu.region"() ({
      %run_scoped3A_198 = tpu.sem_alloc : memref<!tpu.dma_semaphore, #tpu.memory_space<semaphore_mem>>
      %dma_start3A_199 = arith.constant 0 : i32
      %dma_start3A_200 = tpu.memref_slice %arg11[%add3A_9, %dma_start3A_199] : memref<10240x128xf32, #tpu.memory_space<vmem_shared>> -> memref<128x128xf32, #tpu.memory_space<vmem_shared>>
      %dma_start3A_201 = arith.constant 0 : i32
      %dma_start3A_202 = tpu.memref_slice %arg11[%add3A_9, %dma_start3A_201] : memref<10240x128xf32, #tpu.memory_space<vmem_shared>> -> memref<128x128xf32, #tpu.memory_space<vmem_shared>>
      tpu.enqueue_dma source(%arg9 : memref<128x128xf32, #tpu.memory_space<vmem>>) target(%dma_start3A_202 : memref<128x128xf32, #tpu.memory_space<vmem_shared>>) target_semaphore(%run_scoped3A_198 : memref<!tpu.dma_semaphore, #tpu.memory_space<semaphore_mem>>)
      %dma_wait3A_203 = arith.constant 0 : i32
      %dma_wait3A_204 = tpu.memref_slice %arg11[%add3A_9, %dma_wait3A_203] : memref<10240x128xf32, #tpu.memory_space<vmem_shared>> -> memref<128x128xf32, #tpu.memory_space<vmem_shared>>
      %dma_wait3A_205 = arith.constant 0 : i32
      %dma_wait3A_206 = tpu.memref_slice %arg11[%add3A_9, %dma_wait3A_205] : memref<10240x128xf32, #tpu.memory_space<vmem_shared>> -> memref<128x128xf32, #tpu.memory_space<vmem_shared>>
      tpu.wait_dma2 semaphore(%run_scoped3A_198 : memref<!tpu.dma_semaphore, #tpu.memory_space<semaphore_mem>>) src(%arg9 : memref<128x128xf32, #tpu.memory_space<vmem>>) dst(%dma_wait3A_206 : memref<128x128xf32, #tpu.memory_space<vmem_shared>>)
      tpu.yield
    }) : () -> ()
    %add3A_10 = arith.constant 128 : i32
    %add3A_11 = arith.addi %mul3A_2, %add3A_10 : i32
    "tpu.region"() ({
      %run_scoped3A_198 = tpu.sem_alloc : memref<!tpu.dma_semaphore, #tpu.memory_space<semaphore_mem>>
      %dma_start3A_199 = arith.constant 0 : i32
      %dma_start3A_200 = tpu.memref_slice %arg11[%add3A_11, %dma_start3A_199] : memref<10240x128xf32, #tpu.memory_space<vmem_shared>> -> memref<128x128xf32, #tpu.memory_space<vmem_shared>>
      %dma_start3A_201 = arith.constant 0 : i32
      %dma_start3A_202 = tpu.memref_slice %arg11[%add3A_11, %dma_start3A_201] : memref<10240x128xf32, #tpu.memory_space<vmem_shared>> -> memref<128x128xf32, #tpu.memory_space<vmem_shared>>
      tpu.enqueue_dma source(%arg9 : memref<128x128xf32, #tpu.memory_space<vmem>>) target(%dma_start3A_202 : memref<128x128xf32, #tpu.memory_space<vmem_shared>>) target_semaphore(%run_scoped3A_198 : memref<!tpu.dma_semaphore, #tpu.memory_space<semaphore_mem>>)
      %dma_wait3A_203 = arith.constant 0 : i32
      %dma_wait3A_204 = tpu.memref_slice %arg11[%add3A_11, %dma_wait3A_203] : memref<10240x128xf32, #tpu.memory_space<vmem_shared>> -> memref<128x128xf32, #tpu.memory_space<vmem_shared>>
      %dma_wait3A_205 = arith.constant 0 : i32
      %dma_wait3A_206 = tpu.memref_slice %arg11[%add3A_11, %dma_wait3A_205] : memref<10240x128xf32, #tpu.memory_space<vmem_shared>> -> memref<128x128xf32, #tpu.memory_space<vmem_shared>>
      tpu.wait_dma2 semaphore(%run_scoped3A_198 : memref<!tpu.dma_semaphore, #tpu.memory_space<semaphore_mem>>) src(%arg9 : memref<128x128xf32, #tpu.memory_space<vmem>>) dst(%dma_wait3A_206 : memref<128x128xf32, #tpu.memory_space<vmem_shared>>)
      tpu.yield
    }) : () -> ()
    %add3A_12 = arith.constant 256 : i32
    %add3A_13 = arith.addi %mul3A_2, %add3A_12 : i32
    "tpu.region"() ({
      %run_scoped3A_198 = tpu.sem_alloc : memref<!tpu.dma_semaphore, #tpu.memory_space<semaphore_mem>>
      %dma_start3A_199 = arith.constant 0 : i32
      %dma_start3A_200 = tpu.memref_slice %arg11[%add3A_13, %dma_start3A_199] : memref<10240x128xf32, #tpu.memory_space<vmem_shared>> -> memref<128x128xf32, #tpu.memory_space<vmem_shared>>
      %dma_start3A_201 = arith.constant 0 : i32
      %dma_start3A_202 = tpu.memref_slice %arg11[%add3A_13, %dma_start3A_201] : memref<10240x128xf32, #tpu.memory_space<vmem_shared>> -> memref<128x128xf32, #tpu.memory_space<vmem_shared>>
      tpu.enqueue_dma source(%arg9 : memref<128x128xf32, #tpu.memory_space<vmem>>) target(%dma_start3A_202 : memref<128x128xf32, #tpu.memory_space<vmem_shared>>) target_semaphore(%run_scoped3A_198 : memref<!tpu.dma_semaphore, #tpu.memory_space<semaphore_mem>>)
      %dma_wait3A_203 = arith.constant 0 : i32
      %dma_wait3A_204 = tpu.memref_slice %arg11[%add3A_13, %dma_wait3A_203] : memref<10240x128xf32, #tpu.memory_space<vmem_shared>> -> memref<128x128xf32, #tpu.memory_space<vmem_shared>>
      %dma_wait3A_205 = arith.constant 0 : i32
      %dma_wait3A_206 = tpu.memref_slice %arg11[%add3A_13, %dma_wait3A_205] : memref<10240x128xf32, #tpu.memory_space<vmem_shared>> -> memref<128x128xf32, #tpu.memory_space<vmem_shared>>
      tpu.wait_dma2 semaphore(%run_scoped3A_198 : memref<!tpu.dma_semaphore, #tpu.memory_space<semaphore_mem>>) src(%arg9 : memref<128x128xf32, #tpu.memory_space<vmem>>) dst(%dma_wait3A_206 : memref<128x128xf32, #tpu.memory_space<vmem_shared>>)
      tpu.yield
    }) : () -> ()
    %add3A_14 = arith.constant 384 : i32
    %add3A_15 = arith.addi %mul3A_2, %add3A_14 : i32
    "tpu.region"() ({
      %run_scoped3A_198 = tpu.sem_alloc : memref<!tpu.dma_semaphore, #tpu.memory_space<semaphore_mem>>
      %dma_start3A_199 = arith.constant 0 : i32
      %dma_start3A_200 = tpu.memref_slice %arg11[%add3A_15, %dma_start3A_199] : memref<10240x128xf32, #tpu.memory_space<vmem_shared>> -> memref<128x128xf32, #tpu.memory_space<vmem_shared>>
      %dma_start3A_201 = arith.constant 0 : i32
      %dma_start3A_202 = tpu.memref_slice %arg11[%add3A_15, %dma_start3A_201] : memref<10240x128xf32, #tpu.memory_space<vmem_shared>> -> memref<128x128xf32, #tpu.memory_space<vmem_shared>>
      tpu.enqueue_dma source(%arg9 : memref<128x128xf32, #tpu.memory_space<vmem>>) target(%dma_start3A_202 : memref<128x128xf32, #tpu.memory_space<vmem_shared>>) target_semaphore(%run_scoped3A_198 : memref<!tpu.dma_semaphore, #tpu.memory_space<semaphore_mem>>)
      %dma_wait3A_203 = arith.constant 0 : i32
      %dma_wait3A_204 = tpu.memref_slice %arg11[%add3A_15, %dma_wait3A_203] : memref<10240x128xf32, #tpu.memory_space<vmem_shared>> -> memref<128x128xf32, #tpu.memory_space<vmem_shared>>
      %dma_wait3A_205 = arith.constant 0 : i32
      %dma_wait3A_206 = tpu.memref_slice %arg11[%add3A_15, %dma_wait3A_205] : memref<10240x128xf32, #tpu.memory_space<vmem_shared>> -> memref<128x128xf32, #tpu.memory_space<vmem_shared>>
      tpu.wait_dma2 semaphore(%run_scoped3A_198 : memref<!tpu.dma_semaphore, #tpu.memory_space<semaphore_mem>>) src(%arg9 : memref<128x128xf32, #tpu.memory_space<vmem>>) dst(%dma_wait3A_206 : memref<128x128xf32, #tpu.memory_space<vmem_shared>>)
      tpu.yield
    }) : () -> ()
    %add3A_16 = arith.constant 512 : i32
    %add3A_17 = arith.addi %mul3A_2, %add3A_16 : i32
    "tpu.region"() ({
      %run_scoped3A_198 = tpu.sem_alloc : memref<!tpu.dma_semaphore, #tpu.memory_space<semaphore_mem>>
      %dma_start3A_199 = arith.constant 0 : i32
      %dma_start3A_200 = tpu.memref_slice %arg11[%add3A_17, %dma_start3A_199] : memref<10240x128xf32, #tpu.memory_space<vmem_shared>> -> memref<128x128xf32, #tpu.memory_space<vmem_shared>>
      %dma_start3A_201 = arith.constant 0 : i32
      %dma_start3A_202 = tpu.memref_slice %arg11[%add3A_17, %dma_start3A_201] : memref<10240x128xf32, #tpu.memory_space<vmem_shared>> -> memref<128x128xf32, #tpu.memory_space<vmem_shared>>
      tpu.enqueue_dma source(%arg9 : memref<128x128xf32, #tpu.memory_space<vmem>>) target(%dma_start3A_202 : memref<128x128xf32, #tpu.memory_space<vmem_shared>>) target_semaphore(%run_scoped3A_198 : memref<!tpu.dma_semaphore, #tpu.memory_space<semaphore_mem>>)
      %dma_wait3A_203 = arith.constant 0 : i32
      %dma_wait3A_204 = tpu.memref_slice %arg11[%add3A_17, %dma_wait3A_203] : memref<10240x128xf32, #tpu.memory_space<vmem_shared>> -> memref<128x128xf32, #tpu.memory_space<vmem_shared>>
      %dma_wait3A_205 = arith.constant 0 : i32
      %dma_wait3A_206 = tpu.memref_slice %arg11[%add3A_17, %dma_wait3A_205] : memref<10240x128xf32, #tpu.memory_space<vmem_shared>> -> memref<128x128xf32, #tpu.memory_space<vmem_shared>>
      tpu.wait_dma2 semaphore(%run_scoped3A_198 : memref<!tpu.dma_semaphore, #tpu.memory_space<semaphore_mem>>) src(%arg9 : memref<128x128xf32, #tpu.memory_space<vmem>>) dst(%dma_wait3A_206 : memref<128x128xf32, #tpu.memory_space<vmem_shared>>)
      tpu.yield
    }) : () -> ()
    %barrier3A = arith.constant 0 : index
    tpu.barrier barrier_id(%barrier3A)
    %add3A_18 = arith.constant 0 : i32
    %add3A_19 = arith.addi %add3A, %add3A_18 : i32
    %mul3A_20 = arith.constant 128 : i32
    %mul3A_21 = arith.muli %add3A_19, %mul3A_20 : i32
    %dma_start3A = arith.constant 0 : i32
    %dma_start3A_22 = tpu.memref_slice %arg2[%dma_start3A, %mul3A_21] : memref<2x320000xi32, #tpu.memory_space<hbm>> -> memref<2x128xi32, #tpu.memory_space<hbm>>
    %dma_start3A_23 = arith.constant 0 : i32
    %dma_start3A_24 = tpu.memref_slice %arg2[%dma_start3A_23, %mul3A_21] : memref<2x320000xi32, #tpu.memory_space<hbm>> -> memref<2x128xi32, #tpu.memory_space<hbm>>
    tpu.enqueue_dma source(%dma_start3A_24 : memref<2x128xi32, #tpu.memory_space<hbm>>) target(%arg5 : memref<2x128xi32, #tpu.memory_space<vmem>>) target_semaphore(%arg12 : memref<!tpu.dma_semaphore, #tpu.memory_space<semaphore_mem>>)
    %add3A_25 = arith.constant 32 : i32
    %add3A_26 = arith.addi %add3A, %add3A_25 : i32
    %mul3A_27 = arith.constant 128 : i32
    %mul3A_28 = arith.muli %add3A_26, %mul3A_27 : i32
    %dma_start3A_29 = arith.constant 0 : i32
    %dma_start3A_30 = tpu.memref_slice %arg2[%dma_start3A_29, %mul3A_28] : memref<2x320000xi32, #tpu.memory_space<hbm>> -> memref<2x128xi32, #tpu.memory_space<hbm>>
    %dma_start3A_31 = arith.constant 0 : i32
    %dma_start3A_32 = tpu.memref_slice %arg2[%dma_start3A_31, %mul3A_28] : memref<2x320000xi32, #tpu.memory_space<hbm>> -> memref<2x128xi32, #tpu.memory_space<hbm>>
    tpu.enqueue_dma source(%dma_start3A_32 : memref<2x128xi32, #tpu.memory_space<hbm>>) target(%arg6 : memref<2x128xi32, #tpu.memory_space<vmem>>) target_semaphore(%arg13 : memref<!tpu.dma_semaphore, #tpu.memory_space<semaphore_mem>>)
    %dma_wait3A = arith.constant 0 : i32
    %dma_wait3A_33 = arith.constant 0 : i32
    %dma_wait3A_34 = tpu.memref_slice %arg2[%dma_wait3A, %dma_wait3A_33] : memref<2x320000xi32, #tpu.memory_space<hbm>> -> memref<2x128xi32, #tpu.memory_space<hbm>>
    %dma_wait3A_35 = arith.constant 0 : i32
    %dma_wait3A_36 = arith.constant 0 : i32
    %dma_wait3A_37 = tpu.memref_slice %arg2[%dma_wait3A_35, %dma_wait3A_36] : memref<2x320000xi32, #tpu.memory_space<hbm>> -> memref<2x128xi32, #tpu.memory_space<hbm>>
    tpu.wait_dma2 semaphore(%arg12 : memref<!tpu.dma_semaphore, #tpu.memory_space<semaphore_mem>>) src(%dma_wait3A_37 : memref<2x128xi32, #tpu.memory_space<hbm>>) dst(%arg5 : memref<2x128xi32, #tpu.memory_space<vmem>>)
    %dma_start3A_38 = arith.constant 0 : i32
    %dma_start3A_39 = arith.constant 0 : i32
    %dma_start3A_40 = tpu.memref_slice %arg5[%dma_start3A_38, %dma_start3A_39] : memref<2x128xi32, #tpu.memory_space<vmem>> -> memref<1x128xi32, #tpu.memory_space<vmem>>
    %dma_start3A_41 = tpu.memref_squeeze %dma_start3A_40 : memref<1x128xi32, #tpu.memory_space<vmem>> -> memref<128xi32, #tpu.memory_space<vmem>>
    %dma_start3A_42 = arith.constant 0 : i32
    %dma_start3A_43 = arith.constant 0 : i32
    %dma_start3A_44 = tpu.memref_slice %arg3[%dma_start3A_42, %dma_start3A_43] : memref<10240x128xf32, #tpu.memory_space<hbm>> -> memref<10240x128xf32, #tpu.memory_space<hbm>>
    tpu.enqueue_indirect_dma source(%dma_start3A_44 : memref<10240x128xf32, #tpu.memory_space<hbm>>) target(%arg9 : memref<128x128xf32, #tpu.memory_space<vmem>>) offsets(%dma_start3A_41 : memref<128xi32, #tpu.memory_space<vmem>>) semaphore(%arg16 : memref<!tpu.dma_semaphore, #tpu.memory_space<semaphore_mem>>)
    %add3A_45 = arith.constant 64 : i32
    %add3A_46 = arith.addi %add3A, %add3A_45 : i32
    %mul3A_47 = arith.constant 128 : i32
    %mul3A_48 = arith.muli %add3A_46, %mul3A_47 : i32
    %dma_start3A_49 = arith.constant 0 : i32
    %dma_start3A_50 = tpu.memref_slice %arg2[%dma_start3A_49, %mul3A_48] : memref<2x320000xi32, #tpu.memory_space<hbm>> -> memref<2x128xi32, #tpu.memory_space<hbm>>
    %dma_start3A_51 = arith.constant 0 : i32
    %dma_start3A_52 = tpu.memref_slice %arg2[%dma_start3A_51, %mul3A_48] : memref<2x320000xi32, #tpu.memory_space<hbm>> -> memref<2x128xi32, #tpu.memory_space<hbm>>
    tpu.enqueue_dma source(%dma_start3A_52 : memref<2x128xi32, #tpu.memory_space<hbm>>) target(%arg7 : memref<2x128xi32, #tpu.memory_space<vmem>>) target_semaphore(%arg14 : memref<!tpu.dma_semaphore, #tpu.memory_space<semaphore_mem>>)
    %dma_wait3A_53 = arith.constant 0 : i32
    %dma_wait3A_54 = arith.constant 0 : i32
    %dma_wait3A_55 = tpu.memref_slice %arg2[%dma_wait3A_53, %dma_wait3A_54] : memref<2x320000xi32, #tpu.memory_space<hbm>> -> memref<2x128xi32, #tpu.memory_space<hbm>>
    %dma_wait3A_56 = arith.constant 0 : i32
    %dma_wait3A_57 = arith.constant 0 : i32
    %dma_wait3A_58 = tpu.memref_slice %arg2[%dma_wait3A_56, %dma_wait3A_57] : memref<2x320000xi32, #tpu.memory_space<hbm>> -> memref<2x128xi32, #tpu.memory_space<hbm>>
    tpu.wait_dma2 semaphore(%arg13 : memref<!tpu.dma_semaphore, #tpu.memory_space<semaphore_mem>>) src(%dma_wait3A_58 : memref<2x128xi32, #tpu.memory_space<hbm>>) dst(%arg6 : memref<2x128xi32, #tpu.memory_space<vmem>>)
    %dma_start3A_59 = arith.constant 0 : i32
    %dma_start3A_60 = arith.constant 0 : i32
    %dma_start3A_61 = tpu.memref_slice %arg6[%dma_start3A_59, %dma_start3A_60] : memref<2x128xi32, #tpu.memory_space<vmem>> -> memref<1x128xi32, #tpu.memory_space<vmem>>
    %dma_start3A_62 = tpu.memref_squeeze %dma_start3A_61 : memref<1x128xi32, #tpu.memory_space<vmem>> -> memref<128xi32, #tpu.memory_space<vmem>>
    %dma_start3A_63 = arith.constant 0 : i32
    %dma_start3A_64 = arith.constant 0 : i32
    %dma_start3A_65 = tpu.memref_slice %arg3[%dma_start3A_63, %dma_start3A_64] : memref<10240x128xf32, #tpu.memory_space<hbm>> -> memref<10240x128xf32, #tpu.memory_space<hbm>>
    tpu.enqueue_indirect_dma source(%dma_start3A_65 : memref<10240x128xf32, #tpu.memory_space<hbm>>) target(%arg10 : memref<128x128xf32, #tpu.memory_space<vmem>>) offsets(%dma_start3A_62 : memref<128xi32, #tpu.memory_space<vmem>>) semaphore(%arg17 : memref<!tpu.dma_semaphore, #tpu.memory_space<semaphore_mem>>)
    %dma_wait3A_66 = arith.constant 0 : i32
    %dma_wait3A_67 = arith.constant 0 : i32
    %dma_wait3A_68 = tpu.memref_slice %arg5[%dma_wait3A_66, %dma_wait3A_67] : memref<2x128xi32, #tpu.memory_space<vmem>> -> memref<1x128xi32, #tpu.memory_space<vmem>>
    %dma_wait3A_69 = tpu.memref_squeeze %dma_wait3A_68 : memref<1x128xi32, #tpu.memory_space<vmem>> -> memref<128xi32, #tpu.memory_space<vmem>>
    %dma_wait3A_70 = arith.constant 0 : i32
    %dma_wait3A_71 = arith.constant 0 : i32
    %dma_wait3A_72 = tpu.memref_slice %arg3[%dma_wait3A_70, %dma_wait3A_71] : memref<10240x128xf32, #tpu.memory_space<hbm>> -> memref<10240x128xf32, #tpu.memory_space<hbm>>
    tpu.wait_indirect_dma semaphore(%arg16 : memref<!tpu.dma_semaphore, #tpu.memory_space<semaphore_mem>>) src(%dma_wait3A_72 : memref<10240x128xf32, #tpu.memory_space<hbm>>) dst(%arg9 : memref<128x128xf32, #tpu.memory_space<vmem>>)
    %run_scoped3A = arith.constant 1 : i32
    "tpu.region"() ({
      %run_scoped3A_198 = tpu.sem_alloc : memref<!tpu.dma_semaphore, #tpu.memory_space<semaphore_mem>>
      %dma_start3A_199 = arith.constant 0 : i32
      %dma_start3A_200 = tpu.memref_slice %arg5[%run_scoped3A, %dma_start3A_199] : memref<2x128xi32, #tpu.memory_space<vmem>> -> memref<1x128xi32, #tpu.memory_space<vmem>>
      %dma_start3A_201 = tpu.memref_squeeze %dma_start3A_200 : memref<1x128xi32, #tpu.memory_space<vmem>> -> memref<128xi32, #tpu.memory_space<vmem>>
      %dma_start3A_202 = arith.constant 0 : i32
      %dma_start3A_203 = arith.constant 0 : i32
      %dma_start3A_204 = tpu.memref_slice %arg11[%dma_start3A_202, %dma_start3A_203] : memref<10240x128xf32, #tpu.memory_space<vmem_shared>> -> memref<10240x128xf32, #tpu.memory_space<vmem_shared>>
      tpu.enqueue_indirect_dma source(%arg9 : memref<128x128xf32, #tpu.memory_space<vmem>>) target(%dma_start3A_204 : memref<10240x128xf32, #tpu.memory_space<vmem_shared>>) offsets(%dma_start3A_201 : memref<128xi32, #tpu.memory_space<vmem>>) semaphore(%run_scoped3A_198 : memref<!tpu.dma_semaphore, #tpu.memory_space<semaphore_mem>>) {add = true}
      %dma_wait3A_205 = arith.constant 0 : i32
      %dma_wait3A_206 = tpu.memref_slice %arg5[%run_scoped3A, %dma_wait3A_205] : memref<2x128xi32, #tpu.memory_space<vmem>> -> memref<1x128xi32, #tpu.memory_space<vmem>>
      %dma_wait3A_207 = tpu.memref_squeeze %dma_wait3A_206 : memref<1x128xi32, #tpu.memory_space<vmem>> -> memref<128xi32, #tpu.memory_space<vmem>>
      %dma_wait3A_208 = arith.constant 0 : i32
      %dma_wait3A_209 = arith.constant 0 : i32
      %dma_wait3A_210 = tpu.memref_slice %arg11[%dma_wait3A_208, %dma_wait3A_209] : memref<10240x128xf32, #tpu.memory_space<vmem_shared>> -> memref<10240x128xf32, #tpu.memory_space<vmem_shared>>
      tpu.wait_indirect_dma semaphore(%run_scoped3A_198 : memref<!tpu.dma_semaphore, #tpu.memory_space<semaphore_mem>>) src(%arg9 : memref<128x128xf32, #tpu.memory_space<vmem>>) dst(%dma_wait3A_210 : memref<10240x128xf32, #tpu.memory_space<vmem_shared>>)
      tpu.yield
    }) : () -> ()
    %add3A_73 = arith.constant 96 : i32
    %add3A_74 = arith.addi %add3A, %add3A_73 : i32
    %mul3A_75 = arith.constant 128 : i32
    %mul3A_76 = arith.muli %add3A_74, %mul3A_75 : i32
    %dma_start3A_77 = arith.constant 0 : i32
    %dma_start3A_78 = tpu.memref_slice %arg2[%dma_start3A_77, %mul3A_76] : memref<2x320000xi32, #tpu.memory_space<hbm>> -> memref<2x128xi32, #tpu.memory_space<hbm>>
    %dma_start3A_79 = arith.constant 0 : i32
    %dma_start3A_80 = tpu.memref_slice %arg2[%dma_start3A_79, %mul3A_76] : memref<2x320000xi32, #tpu.memory_space<hbm>> -> memref<2x128xi32, #tpu.memory_space<hbm>>
    tpu.enqueue_dma source(%dma_start3A_80 : memref<2x128xi32, #tpu.memory_space<hbm>>) target(%arg8 : memref<2x128xi32, #tpu.memory_space<vmem>>) target_semaphore(%arg15 : memref<!tpu.dma_semaphore, #tpu.memory_space<semaphore_mem>>)
    %scan3A_81 = arith.constant 0 : i32
    %scan3A_82 = arith.constant 0 : i32
    %scan3A_83 = arith.constant 18 : i32
    %scan3A_84 = arith.addi %scan3A_82, %scan3A_83 : i32
    %scan3A_85 = arith.constant 1 : i32
    scf.for %scan3A_198 = %scan3A_82 to %scan3A_84 step %scan3A_85  : i32 {
      %mul3A_199 = arith.constant 4 : i32
      %mul3A_200 = arith.muli %mul3A_199, %scan3A_198 : i32
      %dma_wait3A_201 = arith.constant 0 : i32
      %dma_wait3A_202 = arith.constant 0 : i32
      %dma_wait3A_203 = tpu.memref_slice %arg2[%dma_wait3A_201, %dma_wait3A_202] : memref<2x320000xi32, #tpu.memory_space<hbm>> -> memref<2x128xi32, #tpu.memory_space<hbm>>
      %dma_wait3A_204 = arith.constant 0 : i32
      %dma_wait3A_205 = arith.constant 0 : i32
      %dma_wait3A_206 = tpu.memref_slice %arg2[%dma_wait3A_204, %dma_wait3A_205] : memref<2x320000xi32, #tpu.memory_space<hbm>> -> memref<2x128xi32, #tpu.memory_space<hbm>>
      tpu.wait_dma2 semaphore(%arg14 : memref<!tpu.dma_semaphore, #tpu.memory_space<semaphore_mem>>) src(%dma_wait3A_206 : memref<2x128xi32, #tpu.memory_space<hbm>>) dst(%arg7 : memref<2x128xi32, #tpu.memory_space<vmem>>)
      %dma_start3A_207 = arith.constant 0 : i32
      %dma_start3A_208 = arith.constant 0 : i32
      %dma_start3A_209 = tpu.memref_slice %arg7[%dma_start3A_207, %dma_start3A_208] : memref<2x128xi32, #tpu.memory_space<vmem>> -> memref<1x128xi32, #tpu.memory_space<vmem>>
      %dma_start3A_210 = tpu.memref_squeeze %dma_start3A_209 : memref<1x128xi32, #tpu.memory_space<vmem>> -> memref<128xi32, #tpu.memory_space<vmem>>
      %dma_start3A_211 = arith.constant 0 : i32
      %dma_start3A_212 = arith.constant 0 : i32
      %dma_start3A_213 = tpu.memref_slice %arg3[%dma_start3A_211, %dma_start3A_212] : memref<10240x128xf32, #tpu.memory_space<hbm>> -> memref<10240x128xf32, #tpu.memory_space<hbm>>
      tpu.enqueue_indirect_dma source(%dma_start3A_213 : memref<10240x128xf32, #tpu.memory_space<hbm>>) target(%arg9 : memref<128x128xf32, #tpu.memory_space<vmem>>) offsets(%dma_start3A_210 : memref<128xi32, #tpu.memory_space<vmem>>) semaphore(%arg16 : memref<!tpu.dma_semaphore, #tpu.memory_space<semaphore_mem>>)
      %dma_wait3A_214 = arith.constant 0 : i32
      %dma_wait3A_215 = arith.constant 0 : i32
      %dma_wait3A_216 = tpu.memref_slice %arg5[%dma_wait3A_214, %dma_wait3A_215] : memref<2x128xi32, #tpu.memory_space<vmem>> -> memref<1x128xi32, #tpu.memory_space<vmem>>
      %dma_wait3A_217 = tpu.memref_squeeze %dma_wait3A_216 : memref<1x128xi32, #tpu.memory_space<vmem>> -> memref<128xi32, #tpu.memory_space<vmem>>
      %dma_wait3A_218 = arith.constant 0 : i32
      %dma_wait3A_219 = arith.constant 0 : i32
      %dma_wait3A_220 = tpu.memref_slice %arg3[%dma_wait3A_218, %dma_wait3A_219] : memref<10240x128xf32, #tpu.memory_space<hbm>> -> memref<10240x128xf32, #tpu.memory_space<hbm>>
      tpu.wait_indirect_dma semaphore(%arg17 : memref<!tpu.dma_semaphore, #tpu.memory_space<semaphore_mem>>) src(%dma_wait3A_220 : memref<10240x128xf32, #tpu.memory_space<hbm>>) dst(%arg10 : memref<128x128xf32, #tpu.memory_space<vmem>>)
      %run_scoped3A_221 = arith.constant 1 : i32
      "tpu.region"() ({
        %run_scoped3A_337 = tpu.sem_alloc : memref<!tpu.dma_semaphore, #tpu.memory_space<semaphore_mem>>
        %dma_start3A_338 = arith.constant 0 : i32
        %dma_start3A_339 = tpu.memref_slice %arg6[%run_scoped3A_221, %dma_start3A_338] : memref<2x128xi32, #tpu.memory_space<vmem>> -> memref<1x128xi32, #tpu.memory_space<vmem>>
        %dma_start3A_340 = tpu.memref_squeeze %dma_start3A_339 : memref<1x128xi32, #tpu.memory_space<vmem>> -> memref<128xi32, #tpu.memory_space<vmem>>
        %dma_start3A_341 = arith.constant 0 : i32
        %dma_start3A_342 = arith.constant 0 : i32
        %dma_start3A_343 = tpu.memref_slice %arg11[%dma_start3A_341, %dma_start3A_342] : memref<10240x128xf32, #tpu.memory_space<vmem_shared>> -> memref<10240x128xf32, #tpu.memory_space<vmem_shared>>
        tpu.enqueue_indirect_dma source(%arg10 : memref<128x128xf32, #tpu.memory_space<vmem>>) target(%dma_start3A_343 : memref<10240x128xf32, #tpu.memory_space<vmem_shared>>) offsets(%dma_start3A_340 : memref<128xi32, #tpu.memory_space<vmem>>) semaphore(%run_scoped3A_337 : memref<!tpu.dma_semaphore, #tpu.memory_space<semaphore_mem>>) {add = true}
        %dma_wait3A_344 = arith.constant 0 : i32
        %dma_wait3A_345 = tpu.memref_slice %arg6[%run_scoped3A_221, %dma_wait3A_344] : memref<2x128xi32, #tpu.memory_space<vmem>> -> memref<1x128xi32, #tpu.memory_space<vmem>>
        %dma_wait3A_346 = tpu.memref_squeeze %dma_wait3A_345 : memref<1x128xi32, #tpu.memory_space<vmem>> -> memref<128xi32, #tpu.memory_space<vmem>>
        %dma_wait3A_347 = arith.constant 0 : i32
        %dma_wait3A_348 = arith.constant 0 : i32
        %dma_wait3A_349 = tpu.memref_slice %arg11[%dma_wait3A_347, %dma_wait3A_348] : memref<10240x128xf32, #tpu.memory_space<vmem_shared>> -> memref<10240x128xf32, #tpu.memory_space<vmem_shared>>
        tpu.wait_indirect_dma semaphore(%run_scoped3A_337 : memref<!tpu.dma_semaphore, #tpu.memory_space<semaphore_mem>>) src(%arg10 : memref<128x128xf32, #tpu.memory_space<vmem>>) dst(%dma_wait3A_349 : memref<10240x128xf32, #tpu.memory_space<vmem_shared>>)
        tpu.yield
      }) : () -> ()
      %add3A_222 = arith.constant 0 : i32
      %add3A_223 = arith.addi %mul3A_200, %add3A_222 : i32
      %add3A_224 = arith.constant 4 : i32
      %add3A_225 = arith.addi %add3A_223, %add3A_224 : i32
      %mul3A_226 = arith.constant 32 : i32
      %mul3A_227 = arith.muli %mul3A_226, %add3A_225 : i32
      %add3A_228 = arith.addi %add3A, %mul3A_227 : i32
      %mul3A_229 = arith.constant 128 : i32
      %mul3A_230 = arith.muli %add3A_228, %mul3A_229 : i32
      %dma_start3A_231 = arith.constant 0 : i32
      %dma_start3A_232 = tpu.memref_slice %arg2[%dma_start3A_231, %mul3A_230] : memref<2x320000xi32, #tpu.memory_space<hbm>> -> memref<2x128xi32, #tpu.memory_space<hbm>>
      %dma_start3A_233 = arith.constant 0 : i32
      %dma_start3A_234 = tpu.memref_slice %arg2[%dma_start3A_233, %mul3A_230] : memref<2x320000xi32, #tpu.memory_space<hbm>> -> memref<2x128xi32, #tpu.memory_space<hbm>>
      tpu.enqueue_dma source(%dma_start3A_234 : memref<2x128xi32, #tpu.memory_space<hbm>>) target(%arg5 : memref<2x128xi32, #tpu.memory_space<vmem>>) target_semaphore(%arg12 : memref<!tpu.dma_semaphore, #tpu.memory_space<semaphore_mem>>)
      %dma_wait3A_235 = arith.constant 0 : i32
      %dma_wait3A_236 = arith.constant 0 : i32
      %dma_wait3A_237 = tpu.memref_slice %arg2[%dma_wait3A_235, %dma_wait3A_236] : memref<2x320000xi32, #tpu.memory_space<hbm>> -> memref<2x128xi32, #tpu.memory_space<hbm>>
      %dma_wait3A_238 = arith.constant 0 : i32
      %dma_wait3A_239 = arith.constant 0 : i32
      %dma_wait3A_240 = tpu.memref_slice %arg2[%dma_wait3A_238, %dma_wait3A_239] : memref<2x320000xi32, #tpu.memory_space<hbm>> -> memref<2x128xi32, #tpu.memory_space<hbm>>
      tpu.wait_dma2 semaphore(%arg15 : memref<!tpu.dma_semaphore, #tpu.memory_space<semaphore_mem>>) src(%dma_wait3A_240 : memref<2x128xi32, #tpu.memory_space<hbm>>) dst(%arg8 : memref<2x128xi32, #tpu.memory_space<vmem>>)
      %dma_start3A_241 = arith.constant 0 : i32
      %dma_start3A_242 = arith.constant 0 : i32
      %dma_start3A_243 = tpu.memref_slice %arg8[%dma_start3A_241, %dma_start3A_242] : memref<2x128xi32, #tpu.memory_space<vmem>> -> memref<1x128xi32, #tpu.memory_space<vmem>>
      %dma_start3A_244 = tpu.memref_squeeze %dma_start3A_243 : memref<1x128xi32, #tpu.memory_space<vmem>> -> memref<128xi32, #tpu.memory_space<vmem>>
      %dma_start3A_245 = arith.constant 0 : i32
      %dma_start3A_246 = arith.constant 0 : i32
      %dma_start3A_247 = tpu.memref_slice %arg3[%dma_start3A_245, %dma_start3A_246] : memref<10240x128xf32, #tpu.memory_space<hbm>> -> memref<10240x128xf32, #tpu.memory_space<hbm>>
      tpu.enqueue_indirect_dma source(%dma_start3A_247 : memref<10240x128xf32, #tpu.memory_space<hbm>>) target(%arg10 : memref<128x128xf32, #tpu.memory_space<vmem>>) offsets(%dma_start3A_244 : memref<128xi32, #tpu.memory_space<vmem>>) semaphore(%arg17 : memref<!tpu.dma_semaphore, #tpu.memory_space<semaphore_mem>>)
      %dma_wait3A_248 = arith.constant 0 : i32
      %dma_wait3A_249 = arith.constant 0 : i32
      %dma_wait3A_250 = tpu.memref_slice %arg5[%dma_wait3A_248, %dma_wait3A_249] : memref<2x128xi32, #tpu.memory_space<vmem>> -> memref<1x128xi32, #tpu.memory_space<vmem>>
      %dma_wait3A_251 = tpu.memref_squeeze %dma_wait3A_250 : memref<1x128xi32, #tpu.memory_space<vmem>> -> memref<128xi32, #tpu.memory_space<vmem>>
      %dma_wait3A_252 = arith.constant 0 : i32
      %dma_wait3A_253 = arith.constant 0 : i32
      %dma_wait3A_254 = tpu.memref_slice %arg3[%dma_wait3A_252, %dma_wait3A_253] : memref<10240x128xf32, #tpu.memory_space<hbm>> -> memref<10240x128xf32, #tpu.memory_space<hbm>>
      tpu.wait_indirect_dma semaphore(%arg16 : memref<!tpu.dma_semaphore, #tpu.memory_space<semaphore_mem>>) src(%dma_wait3A_254 : memref<10240x128xf32, #tpu.memory_space<hbm>>) dst(%arg9 : memref<128x128xf32, #tpu.memory_space<vmem>>)
      %run_scoped3A_255 = arith.constant 1 : i32
      "tpu.region"() ({
        %run_scoped3A_337 = tpu.sem_alloc : memref<!tpu.dma_semaphore, #tpu.memory_space<semaphore_mem>>
        %dma_start3A_338 = arith.constant 0 : i32
        %dma_start3A_339 = tpu.memref_slice %arg7[%run_scoped3A_255, %dma_start3A_338] : memref<2x128xi32, #tpu.memory_space<vmem>> -> memref<1x128xi32, #tpu.memory_space<vmem>>
        %dma_start3A_340 = tpu.memref_squeeze %dma_start3A_339 : memref<1x128xi32, #tpu.memory_space<vmem>> -> memref<128xi32, #tpu.memory_space<vmem>>
        %dma_start3A_341 = arith.constant 0 : i32
        %dma_start3A_342 = arith.constant 0 : i32
        %dma_start3A_343 = tpu.memref_slice %arg11[%dma_start3A_341, %dma_start3A_342] : memref<10240x128xf32, #tpu.memory_space<vmem_shared>> -> memref<10240x128xf32, #tpu.memory_space<vmem_shared>>
        tpu.enqueue_indirect_dma source(%arg9 : memref<128x128xf32, #tpu.memory_space<vmem>>) target(%dma_start3A_343 : memref<10240x128xf32, #tpu.memory_space<vmem_shared>>) offsets(%dma_start3A_340 : memref<128xi32, #tpu.memory_space<vmem>>) semaphore(%run_scoped3A_337 : memref<!tpu.dma_semaphore, #tpu.memory_space<semaphore_mem>>) {add = true}
        %dma_wait3A_344 = arith.constant 0 : i32
        %dma_wait3A_345 = tpu.memref_slice %arg7[%run_scoped3A_255, %dma_wait3A_344] : memref<2x128xi32, #tpu.memory_space<vmem>> -> memref<1x128xi32, #tpu.memory_space<vmem>>
        %dma_wait3A_346 = tpu.memref_squeeze %dma_wait3A_345 : memref<1x128xi32, #tpu.memory_space<vmem>> -> memref<128xi32, #tpu.memory_space<vmem>>
        %dma_wait3A_347 = arith.constant 0 : i32
        %dma_wait3A_348 = arith.constant 0 : i32
        %dma_wait3A_349 = tpu.memref_slice %arg11[%dma_wait3A_347, %dma_wait3A_348] : memref<10240x128xf32, #tpu.memory_space<vmem_shared>> -> memref<10240x128xf32, #tpu.memory_space<vmem_shared>>
        tpu.wait_indirect_dma semaphore(%run_scoped3A_337 : memref<!tpu.dma_semaphore, #tpu.memory_space<semaphore_mem>>) src(%arg9 : memref<128x128xf32, #tpu.memory_space<vmem>>) dst(%dma_wait3A_349 : memref<10240x128xf32, #tpu.memory_space<vmem_shared>>)
        tpu.yield
      }) : () -> ()
      %add3A_256 = arith.constant 1 : i32
      %add3A_257 = arith.addi %mul3A_200, %add3A_256 : i32
      %add3A_258 = arith.constant 4 : i32
      %add3A_259 = arith.addi %add3A_257, %add3A_258 : i32
      %mul3A_260 = arith.constant 32 : i32
      %mul3A_261 = arith.muli %mul3A_260, %add3A_259 : i32
      %add3A_262 = arith.addi %add3A, %mul3A_261 : i32
      %mul3A_263 = arith.constant 128 : i32
      %mul3A_264 = arith.muli %add3A_262, %mul3A_263 : i32
      %dma_start3A_265 = arith.constant 0 : i32
      %dma_start3A_266 = tpu.memref_slice %arg2[%dma_start3A_265, %mul3A_264] : memref<2x320000xi32, #tpu.memory_space<hbm>> -> memref<2x128xi32, #tpu.memory_space<hbm>>
      %dma_start3A_267 = arith.constant 0 : i32
      %dma_start3A_268 = tpu.memref_slice %arg2[%dma_start3A_267, %mul3A_264] : memref<2x320000xi32, #tpu.memory_space<hbm>> -> memref<2x128xi32, #tpu.memory_space<hbm>>
      tpu.enqueue_dma source(%dma_start3A_268 : memref<2x128xi32, #tpu.memory_space<hbm>>) target(%arg6 : memref<2x128xi32, #tpu.memory_space<vmem>>) target_semaphore(%arg13 : memref<!tpu.dma_semaphore, #tpu.memory_space<semaphore_mem>>)
      %dma_wait3A_269 = arith.constant 0 : i32
      %dma_wait3A_270 = arith.constant 0 : i32
      %dma_wait3A_271 = tpu.memref_slice %arg2[%dma_wait3A_269, %dma_wait3A_270] : memref<2x320000xi32, #tpu.memory_space<hbm>> -> memref<2x128xi32, #tpu.memory_space<hbm>>
      %dma_wait3A_272 = arith.constant 0 : i32
      %dma_wait3A_273 = arith.constant 0 : i32
      %dma_wait3A_274 = tpu.memref_slice %arg2[%dma_wait3A_272, %dma_wait3A_273] : memref<2x320000xi32, #tpu.memory_space<hbm>> -> memref<2x128xi32, #tpu.memory_space<hbm>>
      tpu.wait_dma2 semaphore(%arg12 : memref<!tpu.dma_semaphore, #tpu.memory_space<semaphore_mem>>) src(%dma_wait3A_274 : memref<2x128xi32, #tpu.memory_space<hbm>>) dst(%arg5 : memref<2x128xi32, #tpu.memory_space<vmem>>)
      %dma_start3A_275 = arith.constant 0 : i32
      %dma_start3A_276 = arith.constant 0 : i32
      %dma_start3A_277 = tpu.memref_slice %arg5[%dma_start3A_275, %dma_start3A_276] : memref<2x128xi32, #tpu.memory_space<vmem>> -> memref<1x128xi32, #tpu.memory_space<vmem>>
      %dma_start3A_278 = tpu.memref_squeeze %dma_start3A_277 : memref<1x128xi32, #tpu.memory_space<vmem>> -> memref<128xi32, #tpu.memory_space<vmem>>
      %dma_start3A_279 = arith.constant 0 : i32
      %dma_start3A_280 = arith.constant 0 : i32
      %dma_start3A_281 = tpu.memref_slice %arg3[%dma_start3A_279, %dma_start3A_280] : memref<10240x128xf32, #tpu.memory_space<hbm>> -> memref<10240x128xf32, #tpu.memory_space<hbm>>
      tpu.enqueue_indirect_dma source(%dma_start3A_281 : memref<10240x128xf32, #tpu.memory_space<hbm>>) target(%arg9 : memref<128x128xf32, #tpu.memory_space<vmem>>) offsets(%dma_start3A_278 : memref<128xi32, #tpu.memory_space<vmem>>) semaphore(%arg16 : memref<!tpu.dma_semaphore, #tpu.memory_space<semaphore_mem>>)
      %dma_wait3A_282 = arith.constant 0 : i32
      %dma_wait3A_283 = arith.constant 0 : i32
      %dma_wait3A_284 = tpu.memref_slice %arg5[%dma_wait3A_282, %dma_wait3A_283] : memref<2x128xi32, #tpu.memory_space<vmem>> -> memref<1x128xi32, #tpu.memory_space<vmem>>
      %dma_wait3A_285 = tpu.memref_squeeze %dma_wait3A_284 : memref<1x128xi32, #tpu.memory_space<vmem>> -> memref<128xi32, #tpu.memory_space<vmem>>
      %dma_wait3A_286 = arith.constant 0 : i32
      %dma_wait3A_287 = arith.constant 0 : i32
      %dma_wait3A_288 = tpu.memref_slice %arg3[%dma_wait3A_286, %dma_wait3A_287] : memref<10240x128xf32, #tpu.memory_space<hbm>> -> memref<10240x128xf32, #tpu.memory_space<hbm>>
      tpu.wait_indirect_dma semaphore(%arg17 : memref<!tpu.dma_semaphore, #tpu.memory_space<semaphore_mem>>) src(%dma_wait3A_288 : memref<10240x128xf32, #tpu.memory_space<hbm>>) dst(%arg10 : memref<128x128xf32, #tpu.memory_space<vmem>>)
      %run_scoped3A_289 = arith.constant 1 : i32
      "tpu.region"() ({
        %run_scoped3A_337 = tpu.sem_alloc : memref<!tpu.dma_semaphore, #tpu.memory_space<semaphore_mem>>
        %dma_start3A_338 = arith.constant 0 : i32
        %dma_start3A_339 = tpu.memref_slice %arg8[%run_scoped3A_289, %dma_start3A_338] : memref<2x128xi32, #tpu.memory_space<vmem>> -> memref<1x128xi32, #tpu.memory_space<vmem>>
        %dma_start3A_340 = tpu.memref_squeeze %dma_start3A_339 : memref<1x128xi32, #tpu.memory_space<vmem>> -> memref<128xi32, #tpu.memory_space<vmem>>
        %dma_start3A_341 = arith.constant 0 : i32
        %dma_start3A_342 = arith.constant 0 : i32
        %dma_start3A_343 = tpu.memref_slice %arg11[%dma_start3A_341, %dma_start3A_342] : memref<10240x128xf32, #tpu.memory_space<vmem_shared>> -> memref<10240x128xf32, #tpu.memory_space<vmem_shared>>
        tpu.enqueue_indirect_dma source(%arg10 : memref<128x128xf32, #tpu.memory_space<vmem>>) target(%dma_start3A_343 : memref<10240x128xf32, #tpu.memory_space<vmem_shared>>) offsets(%dma_start3A_340 : memref<128xi32, #tpu.memory_space<vmem>>) semaphore(%run_scoped3A_337 : memref<!tpu.dma_semaphore, #tpu.memory_space<semaphore_mem>>) {add = true}
        %dma_wait3A_344 = arith.constant 0 : i32
        %dma_wait3A_345 = tpu.memref_slice %arg8[%run_scoped3A_289, %dma_wait3A_344] : memref<2x128xi32, #tpu.memory_space<vmem>> -> memref<1x128xi32, #tpu.memory_space<vmem>>
        %dma_wait3A_346 = tpu.memref_squeeze %dma_wait3A_345 : memref<1x128xi32, #tpu.memory_space<vmem>> -> memref<128xi32, #tpu.memory_space<vmem>>
        %dma_wait3A_347 = arith.constant 0 : i32
        %dma_wait3A_348 = arith.constant 0 : i32
        %dma_wait3A_349 = tpu.memref_slice %arg11[%dma_wait3A_347, %dma_wait3A_348] : memref<10240x128xf32, #tpu.memory_space<vmem_shared>> -> memref<10240x128xf32, #tpu.memory_space<vmem_shared>>
        tpu.wait_indirect_dma semaphore(%run_scoped3A_337 : memref<!tpu.dma_semaphore, #tpu.memory_space<semaphore_mem>>) src(%arg10 : memref<128x128xf32, #tpu.memory_space<vmem>>) dst(%dma_wait3A_349 : memref<10240x128xf32, #tpu.memory_space<vmem_shared>>)
        tpu.yield
      }) : () -> ()
      %add3A_290 = arith.constant 2 : i32
      %add3A_291 = arith.addi %mul3A_200, %add3A_290 : i32
      %add3A_292 = arith.constant 4 : i32
      %add3A_293 = arith.addi %add3A_291, %add3A_292 : i32
      %mul3A_294 = arith.constant 32 : i32
      %mul3A_295 = arith.muli %mul3A_294, %add3A_293 : i32
      %add3A_296 = arith.addi %add3A, %mul3A_295 : i32
      %mul3A_297 = arith.constant 128 : i32
      %mul3A_298 = arith.muli %add3A_296, %mul3A_297 : i32
      %dma_start3A_299 = arith.constant 0 : i32
      %dma_start3A_300 = tpu.memref_slice %arg2[%dma_start3A_299, %mul3A_298] : memref<2x320000xi32, #tpu.memory_space<hbm>> -> memref<2x128xi32, #tpu.memory_space<hbm>>
      %dma_start3A_301 = arith.constant 0 : i32
      %dma_start3A_302 = tpu.memref_slice %arg2[%dma_start3A_301, %mul3A_298] : memref<2x320000xi32, #tpu.memory_space<hbm>> -> memref<2x128xi32, #tpu.memory_space<hbm>>
      tpu.enqueue_dma source(%dma_start3A_302 : memref<2x128xi32, #tpu.memory_space<hbm>>) target(%arg7 : memref<2x128xi32, #tpu.memory_space<vmem>>) target_semaphore(%arg14 : memref<!tpu.dma_semaphore, #tpu.memory_space<semaphore_mem>>)
      %dma_wait3A_303 = arith.constant 0 : i32
      %dma_wait3A_304 = arith.constant 0 : i32
      %dma_wait3A_305 = tpu.memref_slice %arg2[%dma_wait3A_303, %dma_wait3A_304] : memref<2x320000xi32, #tpu.memory_space<hbm>> -> memref<2x128xi32, #tpu.memory_space<hbm>>
      %dma_wait3A_306 = arith.constant 0 : i32
      %dma_wait3A_307 = arith.constant 0 : i32
      %dma_wait3A_308 = tpu.memref_slice %arg2[%dma_wait3A_306, %dma_wait3A_307] : memref<2x320000xi32, #tpu.memory_space<hbm>> -> memref<2x128xi32, #tpu.memory_space<hbm>>
      tpu.wait_dma2 semaphore(%arg13 : memref<!tpu.dma_semaphore, #tpu.memory_space<semaphore_mem>>) src(%dma_wait3A_308 : memref<2x128xi32, #tpu.memory_space<hbm>>) dst(%arg6 : memref<2x128xi32, #tpu.memory_space<vmem>>)
      %dma_start3A_309 = arith.constant 0 : i32
      %dma_start3A_310 = arith.constant 0 : i32
      %dma_start3A_311 = tpu.memref_slice %arg6[%dma_start3A_309, %dma_start3A_310] : memref<2x128xi32, #tpu.memory_space<vmem>> -> memref<1x128xi32, #tpu.memory_space<vmem>>
      %dma_start3A_312 = tpu.memref_squeeze %dma_start3A_311 : memref<1x128xi32, #tpu.memory_space<vmem>> -> memref<128xi32, #tpu.memory_space<vmem>>
      %dma_start3A_313 = arith.constant 0 : i32
      %dma_start3A_314 = arith.constant 0 : i32
      %dma_start3A_315 = tpu.memref_slice %arg3[%dma_start3A_313, %dma_start3A_314] : memref<10240x128xf32, #tpu.memory_space<hbm>> -> memref<10240x128xf32, #tpu.memory_space<hbm>>
      tpu.enqueue_indirect_dma source(%dma_start3A_315 : memref<10240x128xf32, #tpu.memory_space<hbm>>) target(%arg10 : memref<128x128xf32, #tpu.memory_space<vmem>>) offsets(%dma_start3A_312 : memref<128xi32, #tpu.memory_space<vmem>>) semaphore(%arg17 : memref<!tpu.dma_semaphore, #tpu.memory_space<semaphore_mem>>)
      %dma_wait3A_316 = arith.constant 0 : i32
      %dma_wait3A_317 = arith.constant 0 : i32
      %dma_wait3A_318 = tpu.memref_slice %arg5[%dma_wait3A_316, %dma_wait3A_317] : memref<2x128xi32, #tpu.memory_space<vmem>> -> memref<1x128xi32, #tpu.memory_space<vmem>>
      %dma_wait3A_319 = tpu.memref_squeeze %dma_wait3A_318 : memref<1x128xi32, #tpu.memory_space<vmem>> -> memref<128xi32, #tpu.memory_space<vmem>>
      %dma_wait3A_320 = arith.constant 0 : i32
      %dma_wait3A_321 = arith.constant 0 : i32
      %dma_wait3A_322 = tpu.memref_slice %arg3[%dma_wait3A_320, %dma_wait3A_321] : memref<10240x128xf32, #tpu.memory_space<hbm>> -> memref<10240x128xf32, #tpu.memory_space<hbm>>
      tpu.wait_indirect_dma semaphore(%arg16 : memref<!tpu.dma_semaphore, #tpu.memory_space<semaphore_mem>>) src(%dma_wait3A_322 : memref<10240x128xf32, #tpu.memory_space<hbm>>) dst(%arg9 : memref<128x128xf32, #tpu.memory_space<vmem>>)
      %run_scoped3A_323 = arith.constant 1 : i32
      "tpu.region"() ({
        %run_scoped3A_337 = tpu.sem_alloc : memref<!tpu.dma_semaphore, #tpu.memory_space<semaphore_mem>>
        %dma_start3A_338 = arith.constant 0 : i32
        %dma_start3A_339 = tpu.memref_slice %arg5[%run_scoped3A_323, %dma_start3A_338] : memref<2x128xi32, #tpu.memory_space<vmem>> -> memref<1x128xi32, #tpu.memory_space<vmem>>
        %dma_start3A_340 = tpu.memref_squeeze %dma_start3A_339 : memref<1x128xi32, #tpu.memory_space<vmem>> -> memref<128xi32, #tpu.memory_space<vmem>>
        %dma_start3A_341 = arith.constant 0 : i32
        %dma_start3A_342 = arith.constant 0 : i32
        %dma_start3A_343 = tpu.memref_slice %arg11[%dma_start3A_341, %dma_start3A_342] : memref<10240x128xf32, #tpu.memory_space<vmem_shared>> -> memref<10240x128xf32, #tpu.memory_space<vmem_shared>>
        tpu.enqueue_indirect_dma source(%arg9 : memref<128x128xf32, #tpu.memory_space<vmem>>) target(%dma_start3A_343 : memref<10240x128xf32, #tpu.memory_space<vmem_shared>>) offsets(%dma_start3A_340 : memref<128xi32, #tpu.memory_space<vmem>>) semaphore(%run_scoped3A_337 : memref<!tpu.dma_semaphore, #tpu.memory_space<semaphore_mem>>) {add = true}
        %dma_wait3A_344 = arith.constant 0 : i32
        %dma_wait3A_345 = tpu.memref_slice %arg5[%run_scoped3A_323, %dma_wait3A_344] : memref<2x128xi32, #tpu.memory_space<vmem>> -> memref<1x128xi32, #tpu.memory_space<vmem>>
        %dma_wait3A_346 = tpu.memref_squeeze %dma_wait3A_345 : memref<1x128xi32, #tpu.memory_space<vmem>> -> memref<128xi32, #tpu.memory_space<vmem>>
        %dma_wait3A_347 = arith.constant 0 : i32
        %dma_wait3A_348 = arith.constant 0 : i32
        %dma_wait3A_349 = tpu.memref_slice %arg11[%dma_wait3A_347, %dma_wait3A_348] : memref<10240x128xf32, #tpu.memory_space<vmem_shared>> -> memref<10240x128xf32, #tpu.memory_space<vmem_shared>>
        tpu.wait_indirect_dma semaphore(%run_scoped3A_337 : memref<!tpu.dma_semaphore, #tpu.memory_space<semaphore_mem>>) src(%arg9 : memref<128x128xf32, #tpu.memory_space<vmem>>) dst(%dma_wait3A_349 : memref<10240x128xf32, #tpu.memory_space<vmem_shared>>)
        tpu.yield
      }) : () -> ()
      %add3A_324 = arith.constant 3 : i32
      %add3A_325 = arith.addi %mul3A_200, %add3A_324 : i32
      %add3A_326 = arith.constant 4 : i32
      %add3A_327 = arith.addi %add3A_325, %add3A_326 : i32
      %mul3A_328 = arith.constant 32 : i32
      %mul3A_329 = arith.muli %mul3A_328, %add3A_327 : i32
      %add3A_330 = arith.addi %add3A, %mul3A_329 : i32
      %mul3A_331 = arith.constant 128 : i32
      %mul3A_332 = arith.muli %add3A_330, %mul3A_331 : i32
      %dma_start3A_333 = arith.constant 0 : i32
      %dma_start3A_334 = tpu.memref_slice %arg2[%dma_start3A_333, %mul3A_332] : memref<2x320000xi32, #tpu.memory_space<hbm>> -> memref<2x128xi32, #tpu.memory_space<hbm>>
      %dma_start3A_335 = arith.constant 0 : i32
      %dma_start3A_336 = tpu.memref_slice %arg2[%dma_start3A_335, %mul3A_332] : memref<2x320000xi32, #tpu.memory_space<hbm>> -> memref<2x128xi32, #tpu.memory_space<hbm>>
      tpu.enqueue_dma source(%dma_start3A_336 : memref<2x128xi32, #tpu.memory_space<hbm>>) target(%arg8 : memref<2x128xi32, #tpu.memory_space<vmem>>) target_semaphore(%arg15 : memref<!tpu.dma_semaphore, #tpu.memory_space<semaphore_mem>>)
    }
    %scan3A_86 = arith.constant 18 : i32
    %dma_wait3A_87 = arith.constant 0 : i32
    %dma_wait3A_88 = arith.constant 0 : i32
    %dma_wait3A_89 = tpu.memref_slice %arg2[%dma_wait3A_87, %dma_wait3A_88] : memref<2x320000xi32, #tpu.memory_space<hbm>> -> memref<2x128xi32, #tpu.memory_space<hbm>>
    %dma_wait3A_90 = arith.constant 0 : i32
    %dma_wait3A_91 = arith.constant 0 : i32
    %dma_wait3A_92 = tpu.memref_slice %arg2[%dma_wait3A_90, %dma_wait3A_91] : memref<2x320000xi32, #tpu.memory_space<hbm>> -> memref<2x128xi32, #tpu.memory_space<hbm>>
    tpu.wait_dma2 semaphore(%arg14 : memref<!tpu.dma_semaphore, #tpu.memory_space<semaphore_mem>>) src(%dma_wait3A_92 : memref<2x128xi32, #tpu.memory_space<hbm>>) dst(%arg7 : memref<2x128xi32, #tpu.memory_space<vmem>>)
    %dma_start3A_93 = arith.constant 0 : i32
    %dma_start3A_94 = arith.constant 0 : i32
    %dma_start3A_95 = tpu.memref_slice %arg7[%dma_start3A_93, %dma_start3A_94] : memref<2x128xi32, #tpu.memory_space<vmem>> -> memref<1x128xi32, #tpu.memory_space<vmem>>
    %dma_start3A_96 = tpu.memref_squeeze %dma_start3A_95 : memref<1x128xi32, #tpu.memory_space<vmem>> -> memref<128xi32, #tpu.memory_space<vmem>>
    %dma_start3A_97 = arith.constant 0 : i32
    %dma_start3A_98 = arith.constant 0 : i32
    %dma_start3A_99 = tpu.memref_slice %arg3[%dma_start3A_97, %dma_start3A_98] : memref<10240x128xf32, #tpu.memory_space<hbm>> -> memref<10240x128xf32, #tpu.memory_space<hbm>>
    tpu.enqueue_indirect_dma source(%dma_start3A_99 : memref<10240x128xf32, #tpu.memory_space<hbm>>) target(%arg9 : memref<128x128xf32, #tpu.memory_space<vmem>>) offsets(%dma_start3A_96 : memref<128xi32, #tpu.memory_space<vmem>>) semaphore(%arg16 : memref<!tpu.dma_semaphore, #tpu.memory_space<semaphore_mem>>)
    %dma_wait3A_100 = arith.constant 0 : i32
    %dma_wait3A_101 = arith.constant 0 : i32
    %dma_wait3A_102 = tpu.memref_slice %arg5[%dma_wait3A_100, %dma_wait3A_101] : memref<2x128xi32, #tpu.memory_space<vmem>> -> memref<1x128xi32, #tpu.memory_space<vmem>>
    %dma_wait3A_103 = tpu.memref_squeeze %dma_wait3A_102 : memref<1x128xi32, #tpu.memory_space<vmem>> -> memref<128xi32, #tpu.memory_space<vmem>>
    %dma_wait3A_104 = arith.constant 0 : i32
    %dma_wait3A_105 = arith.constant 0 : i32
    %dma_wait3A_106 = tpu.memref_slice %arg3[%dma_wait3A_104, %dma_wait3A_105] : memref<10240x128xf32, #tpu.memory_space<hbm>> -> memref<10240x128xf32, #tpu.memory_space<hbm>>
    tpu.wait_indirect_dma semaphore(%arg17 : memref<!tpu.dma_semaphore, #tpu.memory_space<semaphore_mem>>) src(%dma_wait3A_106 : memref<10240x128xf32, #tpu.memory_space<hbm>>) dst(%arg10 : memref<128x128xf32, #tpu.memory_space<vmem>>)
    %run_scoped3A_107 = arith.constant 1 : i32
    "tpu.region"() ({
      %run_scoped3A_198 = tpu.sem_alloc : memref<!tpu.dma_semaphore, #tpu.memory_space<semaphore_mem>>
      %dma_start3A_199 = arith.constant 0 : i32
      %dma_start3A_200 = tpu.memref_slice %arg6[%run_scoped3A_107, %dma_start3A_199] : memref<2x128xi32, #tpu.memory_space<vmem>> -> memref<1x128xi32, #tpu.memory_space<vmem>>
      %dma_start3A_201 = tpu.memref_squeeze %dma_start3A_200 : memref<1x128xi32, #tpu.memory_space<vmem>> -> memref<128xi32, #tpu.memory_space<vmem>>
      %dma_start3A_202 = arith.constant 0 : i32
      %dma_start3A_203 = arith.constant 0 : i32
      %dma_start3A_204 = tpu.memref_slice %arg11[%dma_start3A_202, %dma_start3A_203] : memref<10240x128xf32, #tpu.memory_space<vmem_shared>> -> memref<10240x128xf32, #tpu.memory_space<vmem_shared>>
      tpu.enqueue_indirect_dma source(%arg10 : memref<128x128xf32, #tpu.memory_space<vmem>>) target(%dma_start3A_204 : memref<10240x128xf32, #tpu.memory_space<vmem_shared>>) offsets(%dma_start3A_201 : memref<128xi32, #tpu.memory_space<vmem>>) semaphore(%run_scoped3A_198 : memref<!tpu.dma_semaphore, #tpu.memory_space<semaphore_mem>>) {add = true}
      %dma_wait3A_205 = arith.constant 0 : i32
      %dma_wait3A_206 = tpu.memref_slice %arg6[%run_scoped3A_107, %dma_wait3A_205] : memref<2x128xi32, #tpu.memory_space<vmem>> -> memref<1x128xi32, #tpu.memory_space<vmem>>
      %dma_wait3A_207 = tpu.memref_squeeze %dma_wait3A_206 : memref<1x128xi32, #tpu.memory_space<vmem>> -> memref<128xi32, #tpu.memory_space<vmem>>
      %dma_wait3A_208 = arith.constant 0 : i32
      %dma_wait3A_209 = arith.constant 0 : i32
      %dma_wait3A_210 = tpu.memref_slice %arg11[%dma_wait3A_208, %dma_wait3A_209] : memref<10240x128xf32, #tpu.memory_space<vmem_shared>> -> memref<10240x128xf32, #tpu.memory_space<vmem_shared>>
      tpu.wait_indirect_dma semaphore(%run_scoped3A_198 : memref<!tpu.dma_semaphore, #tpu.memory_space<semaphore_mem>>) src(%arg10 : memref<128x128xf32, #tpu.memory_space<vmem>>) dst(%dma_wait3A_210 : memref<10240x128xf32, #tpu.memory_space<vmem_shared>>)
      tpu.yield
    }) : () -> ()
    %add3A_108 = arith.constant 2432 : i32
    %add3A_109 = arith.addi %add3A, %add3A_108 : i32
    %mul3A_110 = arith.constant 128 : i32
    %mul3A_111 = arith.muli %add3A_109, %mul3A_110 : i32
    %dma_start3A_112 = arith.constant 0 : i32
    %dma_start3A_113 = tpu.memref_slice %arg2[%dma_start3A_112, %mul3A_111] : memref<2x320000xi32, #tpu.memory_space<hbm>> -> memref<2x128xi32, #tpu.memory_space<hbm>>
    %dma_start3A_114 = arith.constant 0 : i32
    %dma_start3A_115 = tpu.memref_slice %arg2[%dma_start3A_114, %mul3A_111] : memref<2x320000xi32, #tpu.memory_space<hbm>> -> memref<2x128xi32, #tpu.memory_space<hbm>>
    tpu.enqueue_dma source(%dma_start3A_115 : memref<2x128xi32, #tpu.memory_space<hbm>>) target(%arg5 : memref<2x128xi32, #tpu.memory_space<vmem>>) target_semaphore(%arg12 : memref<!tpu.dma_semaphore, #tpu.memory_space<semaphore_mem>>)
    %dma_wait3A_116 = arith.constant 0 : i32
    %dma_wait3A_117 = arith.constant 0 : i32
    %dma_wait3A_118 = tpu.memref_slice %arg2[%dma_wait3A_116, %dma_wait3A_117] : memref<2x320000xi32, #tpu.memory_space<hbm>> -> memref<2x128xi32, #tpu.memory_space<hbm>>
    %dma_wait3A_119 = arith.constant 0 : i32
    %dma_wait3A_120 = arith.constant 0 : i32
    %dma_wait3A_121 = tpu.memref_slice %arg2[%dma_wait3A_119, %dma_wait3A_120] : memref<2x320000xi32, #tpu.memory_space<hbm>> -> memref<2x128xi32, #tpu.memory_space<hbm>>
    tpu.wait_dma2 semaphore(%arg15 : memref<!tpu.dma_semaphore, #tpu.memory_space<semaphore_mem>>) src(%dma_wait3A_121 : memref<2x128xi32, #tpu.memory_space<hbm>>) dst(%arg8 : memref<2x128xi32, #tpu.memory_space<vmem>>)
    %dma_start3A_122 = arith.constant 0 : i32
    %dma_start3A_123 = arith.constant 0 : i32
    %dma_start3A_124 = tpu.memref_slice %arg8[%dma_start3A_122, %dma_start3A_123] : memref<2x128xi32, #tpu.memory_space<vmem>> -> memref<1x128xi32, #tpu.memory_space<vmem>>
    %dma_start3A_125 = tpu.memref_squeeze %dma_start3A_124 : memref<1x128xi32, #tpu.memory_space<vmem>> -> memref<128xi32, #tpu.memory_space<vmem>>
    %dma_start3A_126 = arith.constant 0 : i32
    %dma_start3A_127 = arith.constant 0 : i32
    %dma_start3A_128 = tpu.memref_slice %arg3[%dma_start3A_126, %dma_start3A_127] : memref<10240x128xf32, #tpu.memory_space<hbm>> -> memref<10240x128xf32, #tpu.memory_space<hbm>>
    tpu.enqueue_indirect_dma source(%dma_start3A_128 : memref<10240x128xf32, #tpu.memory_space<hbm>>) target(%arg10 : memref<128x128xf32, #tpu.memory_space<vmem>>) offsets(%dma_start3A_125 : memref<128xi32, #tpu.memory_space<vmem>>) semaphore(%arg17 : memref<!tpu.dma_semaphore, #tpu.memory_space<semaphore_mem>>)
    %dma_wait3A_129 = arith.constant 0 : i32
    %dma_wait3A_130 = arith.constant 0 : i32
    %dma_wait3A_131 = tpu.memref_slice %arg5[%dma_wait3A_129, %dma_wait3A_130] : memref<2x128xi32, #tpu.memory_space<vmem>> -> memref<1x128xi32, #tpu.memory_space<vmem>>
    %dma_wait3A_132 = tpu.memref_squeeze %dma_wait3A_131 : memref<1x128xi32, #tpu.memory_space<vmem>> -> memref<128xi32, #tpu.memory_space<vmem>>
    %dma_wait3A_133 = arith.constant 0 : i32
    %dma_wait3A_134 = arith.constant 0 : i32
    %dma_wait3A_135 = tpu.memref_slice %arg3[%dma_wait3A_133, %dma_wait3A_134] : memref<10240x128xf32, #tpu.memory_space<hbm>> -> memref<10240x128xf32, #tpu.memory_space<hbm>>
    tpu.wait_indirect_dma semaphore(%arg16 : memref<!tpu.dma_semaphore, #tpu.memory_space<semaphore_mem>>) src(%dma_wait3A_135 : memref<10240x128xf32, #tpu.memory_space<hbm>>) dst(%arg9 : memref<128x128xf32, #tpu.memory_space<vmem>>)
    %run_scoped3A_136 = arith.constant 1 : i32
    "tpu.region"() ({
      %run_scoped3A_198 = tpu.sem_alloc : memref<!tpu.dma_semaphore, #tpu.memory_space<semaphore_mem>>
      %dma_start3A_199 = arith.constant 0 : i32
      %dma_start3A_200 = tpu.memref_slice %arg7[%run_scoped3A_136, %dma_start3A_199] : memref<2x128xi32, #tpu.memory_space<vmem>> -> memref<1x128xi32, #tpu.memory_space<vmem>>
      %dma_start3A_201 = tpu.memref_squeeze %dma_start3A_200 : memref<1x128xi32, #tpu.memory_space<vmem>> -> memref<128xi32, #tpu.memory_space<vmem>>
      %dma_start3A_202 = arith.constant 0 : i32
      %dma_start3A_203 = arith.constant 0 : i32
      %dma_start3A_204 = tpu.memref_slice %arg11[%dma_start3A_202, %dma_start3A_203] : memref<10240x128xf32, #tpu.memory_space<vmem_shared>> -> memref<10240x128xf32, #tpu.memory_space<vmem_shared>>
      tpu.enqueue_indirect_dma source(%arg9 : memref<128x128xf32, #tpu.memory_space<vmem>>) target(%dma_start3A_204 : memref<10240x128xf32, #tpu.memory_space<vmem_shared>>) offsets(%dma_start3A_201 : memref<128xi32, #tpu.memory_space<vmem>>) semaphore(%run_scoped3A_198 : memref<!tpu.dma_semaphore, #tpu.memory_space<semaphore_mem>>) {add = true}
      %dma_wait3A_205 = arith.constant 0 : i32
      %dma_wait3A_206 = tpu.memref_slice %arg7[%run_scoped3A_136, %dma_wait3A_205] : memref<2x128xi32, #tpu.memory_space<vmem>> -> memref<1x128xi32, #tpu.memory_space<vmem>>
      %dma_wait3A_207 = tpu.memref_squeeze %dma_wait3A_206 : memref<1x128xi32, #tpu.memory_space<vmem>> -> memref<128xi32, #tpu.memory_space<vmem>>
      %dma_wait3A_208 = arith.constant 0 : i32
      %dma_wait3A_209 = arith.constant 0 : i32
      %dma_wait3A_210 = tpu.memref_slice %arg11[%dma_wait3A_208, %dma_wait3A_209] : memref<10240x128xf32, #tpu.memory_space<vmem_shared>> -> memref<10240x128xf32, #tpu.memory_space<vmem_shared>>
      tpu.wait_indirect_dma semaphore(%run_scoped3A_198 : memref<!tpu.dma_semaphore, #tpu.memory_space<semaphore_mem>>) src(%arg9 : memref<128x128xf32, #tpu.memory_space<vmem>>) dst(%dma_wait3A_210 : memref<10240x128xf32, #tpu.memory_space<vmem_shared>>)
      tpu.yield
    }) : () -> ()
    %add3A_137 = arith.constant 2464 : i32
    %add3A_138 = arith.addi %add3A, %add3A_137 : i32
    %mul3A_139 = arith.constant 128 : i32
    %mul3A_140 = arith.muli %add3A_138, %mul3A_139 : i32
    %dma_start3A_141 = arith.constant 0 : i32
    %dma_start3A_142 = tpu.memref_slice %arg2[%dma_start3A_141, %mul3A_140] : memref<2x320000xi32, #tpu.memory_space<hbm>> -> memref<2x128xi32, #tpu.memory_space<hbm>>
    %dma_start3A_143 = arith.constant 0 : i32
    %dma_start3A_144 = tpu.memref_slice %arg2[%dma_start3A_143, %mul3A_140] : memref<2x320000xi32, #tpu.memory_space<hbm>> -> memref<2x128xi32, #tpu.memory_space<hbm>>
    tpu.enqueue_dma source(%dma_start3A_144 : memref<2x128xi32, #tpu.memory_space<hbm>>) target(%arg6 : memref<2x128xi32, #tpu.memory_space<vmem>>) target_semaphore(%arg13 : memref<!tpu.dma_semaphore, #tpu.memory_space<semaphore_mem>>)
    %dma_wait3A_145 = arith.constant 0 : i32
    %dma_wait3A_146 = arith.constant 0 : i32
    %dma_wait3A_147 = tpu.memref_slice %arg2[%dma_wait3A_145, %dma_wait3A_146] : memref<2x320000xi32, #tpu.memory_space<hbm>> -> memref<2x128xi32, #tpu.memory_space<hbm>>
    %dma_wait3A_148 = arith.constant 0 : i32
    %dma_wait3A_149 = arith.constant 0 : i32
    %dma_wait3A_150 = tpu.memref_slice %arg2[%dma_wait3A_148, %dma_wait3A_149] : memref<2x320000xi32, #tpu.memory_space<hbm>> -> memref<2x128xi32, #tpu.memory_space<hbm>>
    tpu.wait_dma2 semaphore(%arg12 : memref<!tpu.dma_semaphore, #tpu.memory_space<semaphore_mem>>) src(%dma_wait3A_150 : memref<2x128xi32, #tpu.memory_space<hbm>>) dst(%arg5 : memref<2x128xi32, #tpu.memory_space<vmem>>)
    %dma_start3A_151 = arith.constant 0 : i32
    %dma_start3A_152 = arith.constant 0 : i32
    %dma_start3A_153 = tpu.memref_slice %arg5[%dma_start3A_151, %dma_start3A_152] : memref<2x128xi32, #tpu.memory_space<vmem>> -> memref<1x128xi32, #tpu.memory_space<vmem>>
    %dma_start3A_154 = tpu.memref_squeeze %dma_start3A_153 : memref<1x128xi32, #tpu.memory_space<vmem>> -> memref<128xi32, #tpu.memory_space<vmem>>
    %dma_start3A_155 = arith.constant 0 : i32
    %dma_start3A_156 = arith.constant 0 : i32
    %dma_start3A_157 = tpu.memref_slice %arg3[%dma_start3A_155, %dma_start3A_156] : memref<10240x128xf32, #tpu.memory_space<hbm>> -> memref<10240x128xf32, #tpu.memory_space<hbm>>
    tpu.enqueue_indirect_dma source(%dma_start3A_157 : memref<10240x128xf32, #tpu.memory_space<hbm>>) target(%arg9 : memref<128x128xf32, #tpu.memory_space<vmem>>) offsets(%dma_start3A_154 : memref<128xi32, #tpu.memory_space<vmem>>) semaphore(%arg16 : memref<!tpu.dma_semaphore, #tpu.memory_space<semaphore_mem>>)
    %dma_wait3A_158 = arith.constant 0 : i32
    %dma_wait3A_159 = arith.constant 0 : i32
    %dma_wait3A_160 = tpu.memref_slice %arg5[%dma_wait3A_158, %dma_wait3A_159] : memref<2x128xi32, #tpu.memory_space<vmem>> -> memref<1x128xi32, #tpu.memory_space<vmem>>
    %dma_wait3A_161 = tpu.memref_squeeze %dma_wait3A_160 : memref<1x128xi32, #tpu.memory_space<vmem>> -> memref<128xi32, #tpu.memory_space<vmem>>
    %dma_wait3A_162 = arith.constant 0 : i32
    %dma_wait3A_163 = arith.constant 0 : i32
    %dma_wait3A_164 = tpu.memref_slice %arg3[%dma_wait3A_162, %dma_wait3A_163] : memref<10240x128xf32, #tpu.memory_space<hbm>> -> memref<10240x128xf32, #tpu.memory_space<hbm>>
    tpu.wait_indirect_dma semaphore(%arg17 : memref<!tpu.dma_semaphore, #tpu.memory_space<semaphore_mem>>) src(%dma_wait3A_164 : memref<10240x128xf32, #tpu.memory_space<hbm>>) dst(%arg10 : memref<128x128xf32, #tpu.memory_space<vmem>>)
    %run_scoped3A_165 = arith.constant 1 : i32
    "tpu.region"() ({
      %run_scoped3A_198 = tpu.sem_alloc : memref<!tpu.dma_semaphore, #tpu.memory_space<semaphore_mem>>
      %dma_start3A_199 = arith.constant 0 : i32
      %dma_start3A_200 = tpu.memref_slice %arg8[%run_scoped3A_165, %dma_start3A_199] : memref<2x128xi32, #tpu.memory_space<vmem>> -> memref<1x128xi32, #tpu.memory_space<vmem>>
      %dma_start3A_201 = tpu.memref_squeeze %dma_start3A_200 : memref<1x128xi32, #tpu.memory_space<vmem>> -> memref<128xi32, #tpu.memory_space<vmem>>
      %dma_start3A_202 = arith.constant 0 : i32
      %dma_start3A_203 = arith.constant 0 : i32
      %dma_start3A_204 = tpu.memref_slice %arg11[%dma_start3A_202, %dma_start3A_203] : memref<10240x128xf32, #tpu.memory_space<vmem_shared>> -> memref<10240x128xf32, #tpu.memory_space<vmem_shared>>
      tpu.enqueue_indirect_dma source(%arg10 : memref<128x128xf32, #tpu.memory_space<vmem>>) target(%dma_start3A_204 : memref<10240x128xf32, #tpu.memory_space<vmem_shared>>) offsets(%dma_start3A_201 : memref<128xi32, #tpu.memory_space<vmem>>) semaphore(%run_scoped3A_198 : memref<!tpu.dma_semaphore, #tpu.memory_space<semaphore_mem>>) {add = true}
      %dma_wait3A_205 = arith.constant 0 : i32
      %dma_wait3A_206 = tpu.memref_slice %arg8[%run_scoped3A_165, %dma_wait3A_205] : memref<2x128xi32, #tpu.memory_space<vmem>> -> memref<1x128xi32, #tpu.memory_space<vmem>>
      %dma_wait3A_207 = tpu.memref_squeeze %dma_wait3A_206 : memref<1x128xi32, #tpu.memory_space<vmem>> -> memref<128xi32, #tpu.memory_space<vmem>>
      %dma_wait3A_208 = arith.constant 0 : i32
      %dma_wait3A_209 = arith.constant 0 : i32
      %dma_wait3A_210 = tpu.memref_slice %arg11[%dma_wait3A_208, %dma_wait3A_209] : memref<10240x128xf32, #tpu.memory_space<vmem_shared>> -> memref<10240x128xf32, #tpu.memory_space<vmem_shared>>
      tpu.wait_indirect_dma semaphore(%run_scoped3A_198 : memref<!tpu.dma_semaphore, #tpu.memory_space<semaphore_mem>>) src(%arg10 : memref<128x128xf32, #tpu.memory_space<vmem>>) dst(%dma_wait3A_210 : memref<10240x128xf32, #tpu.memory_space<vmem_shared>>)
      tpu.yield
    }) : () -> ()
    %dma_wait3A_166 = arith.constant 0 : i32
    %dma_wait3A_167 = arith.constant 0 : i32
    %dma_wait3A_168 = tpu.memref_slice %arg2[%dma_wait3A_166, %dma_wait3A_167] : memref<2x320000xi32, #tpu.memory_space<hbm>> -> memref<2x128xi32, #tpu.memory_space<hbm>>
    %dma_wait3A_169 = arith.constant 0 : i32
    %dma_wait3A_170 = arith.constant 0 : i32
    %dma_wait3A_171 = tpu.memref_slice %arg2[%dma_wait3A_169, %dma_wait3A_170] : memref<2x320000xi32, #tpu.memory_space<hbm>> -> memref<2x128xi32, #tpu.memory_space<hbm>>
    tpu.wait_dma2 semaphore(%arg13 : memref<!tpu.dma_semaphore, #tpu.memory_space<semaphore_mem>>) src(%dma_wait3A_171 : memref<2x128xi32, #tpu.memory_space<hbm>>) dst(%arg6 : memref<2x128xi32, #tpu.memory_space<vmem>>)
    %dma_start3A_172 = arith.constant 0 : i32
    %dma_start3A_173 = arith.constant 0 : i32
    %dma_start3A_174 = tpu.memref_slice %arg6[%dma_start3A_172, %dma_start3A_173] : memref<2x128xi32, #tpu.memory_space<vmem>> -> memref<1x128xi32, #tpu.memory_space<vmem>>
    %dma_start3A_175 = tpu.memref_squeeze %dma_start3A_174 : memref<1x128xi32, #tpu.memory_space<vmem>> -> memref<128xi32, #tpu.memory_space<vmem>>
    %dma_start3A_176 = arith.constant 0 : i32
    %dma_start3A_177 = arith.constant 0 : i32
    %dma_start3A_178 = tpu.memref_slice %arg3[%dma_start3A_176, %dma_start3A_177] : memref<10240x128xf32, #tpu.memory_space<hbm>> -> memref<10240x128xf32, #tpu.memory_space<hbm>>
    tpu.enqueue_indirect_dma source(%dma_start3A_178 : memref<10240x128xf32, #tpu.memory_space<hbm>>) target(%arg10 : memref<128x128xf32, #tpu.memory_space<vmem>>) offsets(%dma_start3A_175 : memref<128xi32, #tpu.memory_space<vmem>>) semaphore(%arg17 : memref<!tpu.dma_semaphore, #tpu.memory_space<semaphore_mem>>)
    %dma_wait3A_179 = arith.constant 0 : i32
    %dma_wait3A_180 = arith.constant 0 : i32
    %dma_wait3A_181 = tpu.memref_slice %arg5[%dma_wait3A_179, %dma_wait3A_180] : memref<2x128xi32, #tpu.memory_space<vmem>> -> memref<1x128xi32, #tpu.memory_space<vmem>>
    %dma_wait3A_182 = tpu.memref_squeeze %dma_wait3A_181 : memref<1x128xi32, #tpu.memory_space<vmem>> -> memref<128xi32, #tpu.memory_space<vmem>>
    %dma_wait3A_183 = arith.constant 0 : i32
    %dma_wait3A_184 = arith.constant 0 : i32
    %dma_wait3A_185 = tpu.memref_slice %arg3[%dma_wait3A_183, %dma_wait3A_184] : memref<10240x128xf32, #tpu.memory_space<hbm>> -> memref<10240x128xf32, #tpu.memory_space<hbm>>
    tpu.wait_indirect_dma semaphore(%arg16 : memref<!tpu.dma_semaphore, #tpu.memory_space<semaphore_mem>>) src(%dma_wait3A_185 : memref<10240x128xf32, #tpu.memory_space<hbm>>) dst(%arg9 : memref<128x128xf32, #tpu.memory_space<vmem>>)
    %run_scoped3A_186 = arith.constant 1 : i32
    "tpu.region"() ({
      %run_scoped3A_198 = tpu.sem_alloc : memref<!tpu.dma_semaphore, #tpu.memory_space<semaphore_mem>>
      %dma_start3A_199 = arith.constant 0 : i32
      %dma_start3A_200 = tpu.memref_slice %arg5[%run_scoped3A_186, %dma_start3A_199] : memref<2x128xi32, #tpu.memory_space<vmem>> -> memref<1x128xi32, #tpu.memory_space<vmem>>
      %dma_start3A_201 = tpu.memref_squeeze %dma_start3A_200 : memref<1x128xi32, #tpu.memory_space<vmem>> -> memref<128xi32, #tpu.memory_space<vmem>>
      %dma_start3A_202 = arith.constant 0 : i32
      %dma_start3A_203 = arith.constant 0 : i32
      %dma_start3A_204 = tpu.memref_slice %arg11[%dma_start3A_202, %dma_start3A_203] : memref<10240x128xf32, #tpu.memory_space<vmem_shared>> -> memref<10240x128xf32, #tpu.memory_space<vmem_shared>>
      tpu.enqueue_indirect_dma source(%arg9 : memref<128x128xf32, #tpu.memory_space<vmem>>) target(%dma_start3A_204 : memref<10240x128xf32, #tpu.memory_space<vmem_shared>>) offsets(%dma_start3A_201 : memref<128xi32, #tpu.memory_space<vmem>>) semaphore(%run_scoped3A_198 : memref<!tpu.dma_semaphore, #tpu.memory_space<semaphore_mem>>) {add = true}
      %dma_wait3A_205 = arith.constant 0 : i32
      %dma_wait3A_206 = tpu.memref_slice %arg5[%run_scoped3A_186, %dma_wait3A_205] : memref<2x128xi32, #tpu.memory_space<vmem>> -> memref<1x128xi32, #tpu.memory_space<vmem>>
      %dma_wait3A_207 = tpu.memref_squeeze %dma_wait3A_206 : memref<1x128xi32, #tpu.memory_space<vmem>> -> memref<128xi32, #tpu.memory_space<vmem>>
      %dma_wait3A_208 = arith.constant 0 : i32
      %dma_wait3A_209 = arith.constant 0 : i32
      %dma_wait3A_210 = tpu.memref_slice %arg11[%dma_wait3A_208, %dma_wait3A_209] : memref<10240x128xf32, #tpu.memory_space<vmem_shared>> -> memref<10240x128xf32, #tpu.memory_space<vmem_shared>>
      tpu.wait_indirect_dma semaphore(%run_scoped3A_198 : memref<!tpu.dma_semaphore, #tpu.memory_space<semaphore_mem>>) src(%arg9 : memref<128x128xf32, #tpu.memory_space<vmem>>) dst(%dma_wait3A_210 : memref<10240x128xf32, #tpu.memory_space<vmem_shared>>)
      tpu.yield
    }) : () -> ()
    %dma_wait3A_187 = arith.constant 0 : i32
    %dma_wait3A_188 = arith.constant 0 : i32
    %dma_wait3A_189 = tpu.memref_slice %arg5[%dma_wait3A_187, %dma_wait3A_188] : memref<2x128xi32, #tpu.memory_space<vmem>> -> memref<1x128xi32, #tpu.memory_space<vmem>>
    %dma_wait3A_190 = tpu.memref_squeeze %dma_wait3A_189 : memref<1x128xi32, #tpu.memory_space<vmem>> -> memref<128xi32, #tpu.memory_space<vmem>>
    %dma_wait3A_191 = arith.constant 0 : i32
    %dma_wait3A_192 = arith.constant 0 : i32
    %dma_wait3A_193 = tpu.memref_slice %arg3[%dma_wait3A_191, %dma_wait3A_192] : memref<10240x128xf32, #tpu.memory_space<hbm>> -> memref<10240x128xf32, #tpu.memory_space<hbm>>
    tpu.wait_indirect_dma semaphore(%arg17 : memref<!tpu.dma_semaphore, #tpu.memory_space<semaphore_mem>>) src(%dma_wait3A_193 : memref<10240x128xf32, #tpu.memory_space<hbm>>) dst(%arg10 : memref<128x128xf32, #tpu.memory_space<vmem>>)
    %run_scoped3A_194 = arith.constant 1 : i32
    "tpu.region"() ({
      %run_scoped3A_198 = tpu.sem_alloc : memref<!tpu.dma_semaphore, #tpu.memory_space<semaphore_mem>>
      %dma_start3A_199 = arith.constant 0 : i32
      %dma_start3A_200 = tpu.memref_slice %arg6[%run_scoped3A_194, %dma_start3A_199] : memref<2x128xi32, #tpu.memory_space<vmem>> -> memref<1x128xi32, #tpu.memory_space<vmem>>
      %dma_start3A_201 = tpu.memref_squeeze %dma_start3A_200 : memref<1x128xi32, #tpu.memory_space<vmem>> -> memref<128xi32, #tpu.memory_space<vmem>>
      %dma_start3A_202 = arith.constant 0 : i32
      %dma_start3A_203 = arith.constant 0 : i32
      %dma_start3A_204 = tpu.memref_slice %arg11[%dma_start3A_202, %dma_start3A_203] : memref<10240x128xf32, #tpu.memory_space<vmem_shared>> -> memref<10240x128xf32, #tpu.memory_space<vmem_shared>>
      tpu.enqueue_indirect_dma source(%arg10 : memref<128x128xf32, #tpu.memory_space<vmem>>) target(%dma_start3A_204 : memref<10240x128xf32, #tpu.memory_space<vmem_shared>>) offsets(%dma_start3A_201 : memref<128xi32, #tpu.memory_space<vmem>>) semaphore(%run_scoped3A_198 : memref<!tpu.dma_semaphore, #tpu.memory_space<semaphore_mem>>) {add = true}
      %dma_wait3A_205 = arith.constant 0 : i32
      %dma_wait3A_206 = tpu.memref_slice %arg6[%run_scoped3A_194, %dma_wait3A_205] : memref<2x128xi32, #tpu.memory_space<vmem>> -> memref<1x128xi32, #tpu.memory_space<vmem>>
      %dma_wait3A_207 = tpu.memref_squeeze %dma_wait3A_206 : memref<1x128xi32, #tpu.memory_space<vmem>> -> memref<128xi32, #tpu.memory_space<vmem>>
      %dma_wait3A_208 = arith.constant 0 : i32
      %dma_wait3A_209 = arith.constant 0 : i32
      %dma_wait3A_210 = tpu.memref_slice %arg11[%dma_wait3A_208, %dma_wait3A_209] : memref<10240x128xf32, #tpu.memory_space<vmem_shared>> -> memref<10240x128xf32, #tpu.memory_space<vmem_shared>>
      tpu.wait_indirect_dma semaphore(%run_scoped3A_198 : memref<!tpu.dma_semaphore, #tpu.memory_space<semaphore_mem>>) src(%arg10 : memref<128x128xf32, #tpu.memory_space<vmem>>) dst(%dma_wait3A_210 : memref<10240x128xf32, #tpu.memory_space<vmem_shared>>)
      tpu.yield
    }) : () -> ()
    %lt3A = arith.constant 4 : i32
    %lt3A_195 = arith.cmpi slt, %add3A, %lt3A : i32
    %convert_element_type3A = arith.extui %lt3A_195 : i1 to i32
    %cond3A = arith.constant 0 : i32
    %cond3A_196 = arith.cmpi ne, %convert_element_type3A, %cond3A : i32
    scf.if %cond3A_196 {
      %add3A_198 = arith.constant 2496 : i32
      %add3A_199 = arith.addi %add3A, %add3A_198 : i32
      %mul3A_200 = arith.constant 128 : i32
      %mul3A_201 = arith.muli %add3A_199, %mul3A_200 : i32
      "tpu.region"() ({
        %run_scoped3A_217 = tpu.sem_alloc : memref<!tpu.dma_semaphore, #tpu.memory_space<semaphore_mem>>
        %dma_start3A_218 = arith.constant 0 : i32
        %dma_start3A_219 = tpu.memref_slice %arg2[%dma_start3A_218, %mul3A_201] : memref<2x320000xi32, #tpu.memory_space<hbm>> -> memref<2x128xi32, #tpu.memory_space<hbm>>
        %dma_start3A_220 = arith.constant 0 : i32
        %dma_start3A_221 = tpu.memref_slice %arg2[%dma_start3A_220, %mul3A_201] : memref<2x320000xi32, #tpu.memory_space<hbm>> -> memref<2x128xi32, #tpu.memory_space<hbm>>
        tpu.enqueue_dma source(%dma_start3A_221 : memref<2x128xi32, #tpu.memory_space<hbm>>) target(%arg5 : memref<2x128xi32, #tpu.memory_space<vmem>>) target_semaphore(%run_scoped3A_217 : memref<!tpu.dma_semaphore, #tpu.memory_space<semaphore_mem>>)
        %dma_wait3A_222 = arith.constant 0 : i32
        %dma_wait3A_223 = tpu.memref_slice %arg2[%dma_wait3A_222, %mul3A_201] : memref<2x320000xi32, #tpu.memory_space<hbm>> -> memref<2x128xi32, #tpu.memory_space<hbm>>
        %dma_wait3A_224 = arith.constant 0 : i32
        %dma_wait3A_225 = tpu.memref_slice %arg2[%dma_wait3A_224, %mul3A_201] : memref<2x320000xi32, #tpu.memory_space<hbm>> -> memref<2x128xi32, #tpu.memory_space<hbm>>
        tpu.wait_dma2 semaphore(%run_scoped3A_217 : memref<!tpu.dma_semaphore, #tpu.memory_space<semaphore_mem>>) src(%dma_wait3A_225 : memref<2x128xi32, #tpu.memory_space<hbm>>) dst(%arg5 : memref<2x128xi32, #tpu.memory_space<vmem>>)
        tpu.yield
      }) : () -> ()
      %dma_start3A_202 = arith.constant 0 : i32
      %dma_start3A_203 = arith.constant 0 : i32
      %dma_start3A_204 = tpu.memref_slice %arg5[%dma_start3A_202, %dma_start3A_203] : memref<2x128xi32, #tpu.memory_space<vmem>> -> memref<1x128xi32, #tpu.memory_space<vmem>>
      %dma_start3A_205 = tpu.memref_squeeze %dma_start3A_204 : memref<1x128xi32, #tpu.memory_space<vmem>> -> memref<128xi32, #tpu.memory_space<vmem>>
      %dma_start3A_206 = arith.constant 0 : i32
      %dma_start3A_207 = arith.constant 0 : i32
      %dma_start3A_208 = tpu.memref_slice %arg3[%dma_start3A_206, %dma_start3A_207] : memref<10240x128xf32, #tpu.memory_space<hbm>> -> memref<10240x128xf32, #tpu.memory_space<hbm>>
      tpu.enqueue_indirect_dma source(%dma_start3A_208 : memref<10240x128xf32, #tpu.memory_space<hbm>>) target(%arg9 : memref<128x128xf32, #tpu.memory_space<vmem>>) offsets(%dma_start3A_205 : memref<128xi32, #tpu.memory_space<vmem>>) semaphore(%arg16 : memref<!tpu.dma_semaphore, #tpu.memory_space<semaphore_mem>>)
      %dma_wait3A_209 = arith.constant 0 : i32
      %dma_wait3A_210 = arith.constant 0 : i32
      %dma_wait3A_211 = tpu.memref_slice %arg5[%dma_wait3A_209, %dma_wait3A_210] : memref<2x128xi32, #tpu.memory_space<vmem>> -> memref<1x128xi32, #tpu.memory_space<vmem>>
      %dma_wait3A_212 = tpu.memref_squeeze %dma_wait3A_211 : memref<1x128xi32, #tpu.memory_space<vmem>> -> memref<128xi32, #tpu.memory_space<vmem>>
      %dma_wait3A_213 = arith.constant 0 : i32
      %dma_wait3A_214 = arith.constant 0 : i32
      %dma_wait3A_215 = tpu.memref_slice %arg3[%dma_wait3A_213, %dma_wait3A_214] : memref<10240x128xf32, #tpu.memory_space<hbm>> -> memref<10240x128xf32, #tpu.memory_space<hbm>>
      tpu.wait_indirect_dma semaphore(%arg16 : memref<!tpu.dma_semaphore, #tpu.memory_space<semaphore_mem>>) src(%dma_wait3A_215 : memref<10240x128xf32, #tpu.memory_space<hbm>>) dst(%arg9 : memref<128x128xf32, #tpu.memory_space<vmem>>)
      %run_scoped3A_216 = arith.constant 1 : i32
      "tpu.region"() ({
        %run_scoped3A_217 = tpu.sem_alloc : memref<!tpu.dma_semaphore, #tpu.memory_space<semaphore_mem>>
        %dma_start3A_218 = arith.constant 0 : i32
        %dma_start3A_219 = tpu.memref_slice %arg5[%run_scoped3A_216, %dma_start3A_218] : memref<2x128xi32, #tpu.memory_space<vmem>> -> memref<1x128xi32, #tpu.memory_space<vmem>>
        %dma_start3A_220 = tpu.memref_squeeze %dma_start3A_219 : memref<1x128xi32, #tpu.memory_space<vmem>> -> memref<128xi32, #tpu.memory_space<vmem>>
        %dma_start3A_221 = arith.constant 0 : i32
        %dma_start3A_222 = arith.constant 0 : i32
        %dma_start3A_223 = tpu.memref_slice %arg11[%dma_start3A_221, %dma_start3A_222] : memref<10240x128xf32, #tpu.memory_space<vmem_shared>> -> memref<10240x128xf32, #tpu.memory_space<vmem_shared>>
        tpu.enqueue_indirect_dma source(%arg9 : memref<128x128xf32, #tpu.memory_space<vmem>>) target(%dma_start3A_223 : memref<10240x128xf32, #tpu.memory_space<vmem_shared>>) offsets(%dma_start3A_220 : memref<128xi32, #tpu.memory_space<vmem>>) semaphore(%run_scoped3A_217 : memref<!tpu.dma_semaphore, #tpu.memory_space<semaphore_mem>>) {add = true}
        %dma_wait3A_224 = arith.constant 0 : i32
        %dma_wait3A_225 = tpu.memref_slice %arg5[%run_scoped3A_216, %dma_wait3A_224] : memref<2x128xi32, #tpu.memory_space<vmem>> -> memref<1x128xi32, #tpu.memory_space<vmem>>
        %dma_wait3A_226 = tpu.memref_squeeze %dma_wait3A_225 : memref<1x128xi32, #tpu.memory_space<vmem>> -> memref<128xi32, #tpu.memory_space<vmem>>
        %dma_wait3A_227 = arith.constant 0 : i32
        %dma_wait3A_228 = arith.constant 0 : i32
        %dma_wait3A_229 = tpu.memref_slice %arg11[%dma_wait3A_227, %dma_wait3A_228] : memref<10240x128xf32, #tpu.memory_space<vmem_shared>> -> memref<10240x128xf32, #tpu.memory_space<vmem_shared>>
        tpu.wait_indirect_dma semaphore(%run_scoped3A_217 : memref<!tpu.dma_semaphore, #tpu.memory_space<semaphore_mem>>) src(%arg9 : memref<128x128xf32, #tpu.memory_space<vmem>>) dst(%dma_wait3A_229 : memref<10240x128xf32, #tpu.memory_space<vmem_shared>>)
        tpu.yield
      }) : () -> ()
    } else {
    }
    %barrier3A_197 = arith.constant 0 : index
    tpu.barrier barrier_id(%barrier3A_197)
    "tpu.region"() ({
      %run_scoped3A_198 = tpu.sem_alloc : memref<!tpu.dma_semaphore, #tpu.memory_space<semaphore_mem>>
      %dma_start3A_199 = arith.constant 0 : i32
      %dma_start3A_200 = tpu.memref_slice %arg4[%arg0, %mul3A_2, %dma_start3A_199] : memref<2x10240x128xf32, #tpu.memory_space<hbm>> -> memref<1x640x128xf32, #tpu.memory_space<hbm>>
      %dma_start3A_201 = tpu.memref_squeeze %dma_start3A_200 : memref<1x640x128xf32, #tpu.memory_space<hbm>> -> memref<640x128xf32, #tpu.memory_space<hbm>>
      %dma_start3A_202 = arith.constant 0 : i32
      %dma_start3A_203 = tpu.memref_slice %arg11[%mul3A_2, %dma_start3A_202] : memref<10240x128xf32, #tpu.memory_space<vmem_shared>> -> memref<640x128xf32, #tpu.memory_space<vmem_shared>>
      tpu.enqueue_dma source(%dma_start3A_203 : memref<640x128xf32, #tpu.memory_space<vmem_shared>>) target(%dma_start3A_201 : memref<640x128xf32, #tpu.memory_space<hbm>>) target_semaphore(%run_scoped3A_198 : memref<!tpu.dma_semaphore, #tpu.memory_space<semaphore_mem>>)
      %dma_wait3A_204 = arith.constant 0 : i32
      %dma_wait3A_205 = tpu.memref_slice %arg4[%arg0, %mul3A_2, %dma_wait3A_204] : memref<2x10240x128xf32, #tpu.memory_space<hbm>> -> memref<1x640x128xf32, #tpu.memory_space<hbm>>
      %dma_wait3A_206 = tpu.memref_squeeze %dma_wait3A_205 : memref<1x640x128xf32, #tpu.memory_space<hbm>> -> memref<640x128xf32, #tpu.memory_space<hbm>>
      %dma_wait3A_207 = arith.constant 0 : i32
      %dma_wait3A_208 = tpu.memref_slice %arg11[%mul3A_2, %dma_wait3A_207] : memref<10240x128xf32, #tpu.memory_space<vmem_shared>> -> memref<640x128xf32, #tpu.memory_space<vmem_shared>>
      tpu.wait_dma2 semaphore(%run_scoped3A_198 : memref<!tpu.dma_semaphore, #tpu.memory_space<semaphore_mem>>) src(%dma_wait3A_208 : memref<640x128xf32, #tpu.memory_space<vmem_shared>>) dst(%dma_wait3A_206 : memref<640x128xf32, #tpu.memory_space<hbm>>)
      tpu.yield
    }) : () -> ()
    return
  }
}

#map = affine_map<(d0, d1) -> (0, 0)>
module attributes {stable_mosaic.version = 14 : i64} {
  func.func @_deg_kernel(%arg0: i32, %arg1: i32, %arg2: memref<2x320000xi32, #tpu.memory_space<hbm>>, %arg3: memref<2x10240xf32, #tpu.memory_space<hbm>>, %arg4: memref<2x128xi32, #tpu.memory_space<vmem>>, %arg5: memref<2x128xi32, #tpu.memory_space<vmem>>, %arg6: memref<2x128xi32, #tpu.memory_space<vmem>>, %arg7: memref<2x128xi32, #tpu.memory_space<vmem>>, %arg8: memref<2x128xi32, #tpu.memory_space<vmem>>, %arg9: memref<2x128xi32, #tpu.memory_space<vmem>>, %arg10: memref<128xf32, #tpu.memory_space<vmem>>, %arg11: memref<640xf32, #tpu.memory_space<vmem>>, %arg12: memref<10240xf32, #tpu.memory_space<vmem_shared>>, %arg13: memref<!tpu.dma_semaphore, #tpu.memory_space<semaphore_mem>>, %arg14: memref<!tpu.dma_semaphore, #tpu.memory_space<semaphore_mem>>, %arg15: memref<!tpu.dma_semaphore, #tpu.memory_space<semaphore_mem>>, %arg16: memref<!tpu.dma_semaphore, #tpu.memory_space<semaphore_mem>>, %arg17: memref<!tpu.dma_semaphore, #tpu.memory_space<semaphore_mem>>, %arg18: memref<!tpu.dma_semaphore, #tpu.memory_space<semaphore_mem>>, %arg19: memref<!tpu.dma_semaphore, #tpu.memory_space<semaphore_mem>>, %arg20: memref<!tpu.dma_semaphore, #tpu.memory_space<semaphore_mem>>) attributes {dimension_semantics = [#tpu.dimension_semantics<core_parallel>, #tpu.dimension_semantics<subcore_parallel>], iteration_bounds = array<i64: 2, 16>, scalar_prefetch = 0 : i64, scratch_operands = 17 : i64, tpu.core_type = #tpu.core_type<sc_vector_subcore>, window_params = [{transform_indices = #map}, {transform_indices = #map}]} {
    %mul3A = arith.constant 2 : i32
    %mul3A_0 = arith.muli %arg1, %mul3A : i32
    %add3A = arith.addi %mul3A_0, %arg0 : i32
    %mul3A_1 = arith.constant 640 : i32
    %mul3A_2 = arith.muli %arg1, %mul3A_1 : i32
    %broadcast_in_dim3A = arith.constant 1.000000e+00 : f32
    %broadcast_in_dim3A_3 = vector.broadcast %broadcast_in_dim3A : f32 to vector<16xf32>
    %swap3A = arith.constant 0 : index
    %swap3A_4 = tpu.vector_load %arg10[%swap3A] {strides = array<i32>} : memref<128xf32, #tpu.memory_space<vmem>>, vector<16xf32>,
    %swap3A_5 = vector.shape_cast %swap3A_4 : vector<16xf32> to vector<16xf32>
    %swap3A_6 = vector.shape_cast %broadcast_in_dim3A_3 : vector<16xf32> to vector<16xf32>
    tpu.vector_store %arg10[%swap3A], %swap3A_6 {strides = array<i32>} : memref<128xf32, #tpu.memory_space<vmem>>, vector<16xf32>,
    %broadcast_in_dim3A_7 = arith.constant 1.000000e+00 : f32
    %broadcast_in_dim3A_8 = vector.broadcast %broadcast_in_dim3A_7 : f32 to vector<16xf32>
    %swap3A_9 = arith.constant 16 : index
    %swap3A_10 = tpu.vector_load %arg10[%swap3A_9] {strides = array<i32>} : memref<128xf32, #tpu.memory_space<vmem>>, vector<16xf32>,
    %swap3A_11 = vector.shape_cast %swap3A_10 : vector<16xf32> to vector<16xf32>
    %swap3A_12 = vector.shape_cast %broadcast_in_dim3A_8 : vector<16xf32> to vector<16xf32>
    tpu.vector_store %arg10[%swap3A_9], %swap3A_12 {strides = array<i32>} : memref<128xf32, #tpu.memory_space<vmem>>, vector<16xf32>,
    %broadcast_in_dim3A_13 = arith.constant 1.000000e+00 : f32
    %broadcast_in_dim3A_14 = vector.broadcast %broadcast_in_dim3A_13 : f32 to vector<16xf32>
    %swap3A_15 = arith.constant 32 : index
    %swap3A_16 = tpu.vector_load %arg10[%swap3A_15] {strides = array<i32>} : memref<128xf32, #tpu.memory_space<vmem>>, vector<16xf32>,
    %swap3A_17 = vector.shape_cast %swap3A_16 : vector<16xf32> to vector<16xf32>
    %swap3A_18 = vector.shape_cast %broadcast_in_dim3A_14 : vector<16xf32> to vector<16xf32>
    tpu.vector_store %arg10[%swap3A_15], %swap3A_18 {strides = array<i32>} : memref<128xf32, #tpu.memory_space<vmem>>, vector<16xf32>,
    %broadcast_in_dim3A_19 = arith.constant 1.000000e+00 : f32
    %broadcast_in_dim3A_20 = vector.broadcast %broadcast_in_dim3A_19 : f32 to vector<16xf32>
    %swap3A_21 = arith.constant 48 : index
    %swap3A_22 = tpu.vector_load %arg10[%swap3A_21] {strides = array<i32>} : memref<128xf32, #tpu.memory_space<vmem>>, vector<16xf32>,
    %swap3A_23 = vector.shape_cast %swap3A_22 : vector<16xf32> to vector<16xf32>
    %swap3A_24 = vector.shape_cast %broadcast_in_dim3A_20 : vector<16xf32> to vector<16xf32>
    tpu.vector_store %arg10[%swap3A_21], %swap3A_24 {strides = array<i32>} : memref<128xf32, #tpu.memory_space<vmem>>, vector<16xf32>,
    %broadcast_in_dim3A_25 = arith.constant 1.000000e+00 : f32
    %broadcast_in_dim3A_26 = vector.broadcast %broadcast_in_dim3A_25 : f32 to vector<16xf32>
    %swap3A_27 = arith.constant 64 : index
    %swap3A_28 = tpu.vector_load %arg10[%swap3A_27] {strides = array<i32>} : memref<128xf32, #tpu.memory_space<vmem>>, vector<16xf32>,
    %swap3A_29 = vector.shape_cast %swap3A_28 : vector<16xf32> to vector<16xf32>
    %swap3A_30 = vector.shape_cast %broadcast_in_dim3A_26 : vector<16xf32> to vector<16xf32>
    tpu.vector_store %arg10[%swap3A_27], %swap3A_30 {strides = array<i32>} : memref<128xf32, #tpu.memory_space<vmem>>, vector<16xf32>,
    %broadcast_in_dim3A_31 = arith.constant 1.000000e+00 : f32
    %broadcast_in_dim3A_32 = vector.broadcast %broadcast_in_dim3A_31 : f32 to vector<16xf32>
    %swap3A_33 = arith.constant 80 : index
    %swap3A_34 = tpu.vector_load %arg10[%swap3A_33] {strides = array<i32>} : memref<128xf32, #tpu.memory_space<vmem>>, vector<16xf32>,
    %swap3A_35 = vector.shape_cast %swap3A_34 : vector<16xf32> to vector<16xf32>
    %swap3A_36 = vector.shape_cast %broadcast_in_dim3A_32 : vector<16xf32> to vector<16xf32>
    tpu.vector_store %arg10[%swap3A_33], %swap3A_36 {strides = array<i32>} : memref<128xf32, #tpu.memory_space<vmem>>, vector<16xf32>,
    %broadcast_in_dim3A_37 = arith.constant 1.000000e+00 : f32
    %broadcast_in_dim3A_38 = vector.broadcast %broadcast_in_dim3A_37 : f32 to vector<16xf32>
    %swap3A_39 = arith.constant 96 : index
    %swap3A_40 = tpu.vector_load %arg10[%swap3A_39] {strides = array<i32>} : memref<128xf32, #tpu.memory_space<vmem>>, vector<16xf32>,
    %swap3A_41 = vector.shape_cast %swap3A_40 : vector<16xf32> to vector<16xf32>
    %swap3A_42 = vector.shape_cast %broadcast_in_dim3A_38 : vector<16xf32> to vector<16xf32>
    tpu.vector_store %arg10[%swap3A_39], %swap3A_42 {strides = array<i32>} : memref<128xf32, #tpu.memory_space<vmem>>, vector<16xf32>,
    %broadcast_in_dim3A_43 = arith.constant 1.000000e+00 : f32
    %broadcast_in_dim3A_44 = vector.broadcast %broadcast_in_dim3A_43 : f32 to vector<16xf32>
    %swap3A_45 = arith.constant 112 : index
    %swap3A_46 = tpu.vector_load %arg10[%swap3A_45] {strides = array<i32>} : memref<128xf32, #tpu.memory_space<vmem>>, vector<16xf32>,
    %swap3A_47 = vector.shape_cast %swap3A_46 : vector<16xf32> to vector<16xf32>
    %swap3A_48 = vector.shape_cast %broadcast_in_dim3A_44 : vector<16xf32> to vector<16xf32>
    tpu.vector_store %arg10[%swap3A_45], %swap3A_48 {strides = array<i32>} : memref<128xf32, #tpu.memory_space<vmem>>, vector<16xf32>,
    %broadcast_in_dim3A_49 = arith.constant 0.000000e+00 : f32
    %broadcast_in_dim3A_50 = vector.broadcast %broadcast_in_dim3A_49 : f32 to vector<16xf32>
    %swap3A_51 = arith.constant 0 : index
    %swap3A_52 = tpu.vector_load %arg11[%swap3A_51] {strides = array<i32>} : memref<640xf32, #tpu.memory_space<vmem>>, vector<16xf32>,
    %swap3A_53 = vector.shape_cast %swap3A_52 : vector<16xf32> to vector<16xf32>
    %swap3A_54 = vector.shape_cast %broadcast_in_dim3A_50 : vector<16xf32> to vector<16xf32>
    tpu.vector_store %arg11[%swap3A_51], %swap3A_54 {strides = array<i32>} : memref<640xf32, #tpu.memory_space<vmem>>, vector<16xf32>,
    %broadcast_in_dim3A_55 = arith.constant 0.000000e+00 : f32
    %broadcast_in_dim3A_56 = vector.broadcast %broadcast_in_dim3A_55 : f32 to vector<16xf32>
    %swap3A_57 = arith.constant 16 : index
    %swap3A_58 = tpu.vector_load %arg11[%swap3A_57] {strides = array<i32>} : memref<640xf32, #tpu.memory_space<vmem>>, vector<16xf32>,
    %swap3A_59 = vector.shape_cast %swap3A_58 : vector<16xf32> to vector<16xf32>
    %swap3A_60 = vector.shape_cast %broadcast_in_dim3A_56 : vector<16xf32> to vector<16xf32>
    tpu.vector_store %arg11[%swap3A_57], %swap3A_60 {strides = array<i32>} : memref<640xf32, #tpu.memory_space<vmem>>, vector<16xf32>,
    %broadcast_in_dim3A_61 = arith.constant 0.000000e+00 : f32
    %broadcast_in_dim3A_62 = vector.broadcast %broadcast_in_dim3A_61 : f32 to vector<16xf32>
    %swap3A_63 = arith.constant 32 : index
    %swap3A_64 = tpu.vector_load %arg11[%swap3A_63] {strides = array<i32>} : memref<640xf32, #tpu.memory_space<vmem>>, vector<16xf32>,
    %swap3A_65 = vector.shape_cast %swap3A_64 : vector<16xf32> to vector<16xf32>
    %swap3A_66 = vector.shape_cast %broadcast_in_dim3A_62 : vector<16xf32> to vector<16xf32>
    tpu.vector_store %arg11[%swap3A_63], %swap3A_66 {strides = array<i32>} : memref<640xf32, #tpu.memory_space<vmem>>, vector<16xf32>,
    %broadcast_in_dim3A_67 = arith.constant 0.000000e+00 : f32
    %broadcast_in_dim3A_68 = vector.broadcast %broadcast_in_dim3A_67 : f32 to vector<16xf32>
    %swap3A_69 = arith.constant 48 : index
    %swap3A_70 = tpu.vector_load %arg11[%swap3A_69] {strides = array<i32>} : memref<640xf32, #tpu.memory_space<vmem>>, vector<16xf32>,
    %swap3A_71 = vector.shape_cast %swap3A_70 : vector<16xf32> to vector<16xf32>
    %swap3A_72 = vector.shape_cast %broadcast_in_dim3A_68 : vector<16xf32> to vector<16xf32>
    tpu.vector_store %arg11[%swap3A_69], %swap3A_72 {strides = array<i32>} : memref<640xf32, #tpu.memory_space<vmem>>, vector<16xf32>,
    %broadcast_in_dim3A_73 = arith.constant 0.000000e+00 : f32
    %broadcast_in_dim3A_74 = vector.broadcast %broadcast_in_dim3A_73 : f32 to vector<16xf32>
    %swap3A_75 = arith.constant 64 : index
    %swap3A_76 = tpu.vector_load %arg11[%swap3A_75] {strides = array<i32>} : memref<640xf32, #tpu.memory_space<vmem>>, vector<16xf32>,
    %swap3A_77 = vector.shape_cast %swap3A_76 : vector<16xf32> to vector<16xf32>
    %swap3A_78 = vector.shape_cast %broadcast_in_dim3A_74 : vector<16xf32> to vector<16xf32>
    tpu.vector_store %arg11[%swap3A_75], %swap3A_78 {strides = array<i32>} : memref<640xf32, #tpu.memory_space<vmem>>, vector<16xf32>,
    %broadcast_in_dim3A_79 = arith.constant 0.000000e+00 : f32
    %broadcast_in_dim3A_80 = vector.broadcast %broadcast_in_dim3A_79 : f32 to vector<16xf32>
    %swap3A_81 = arith.constant 80 : index
    %swap3A_82 = tpu.vector_load %arg11[%swap3A_81] {strides = array<i32>} : memref<640xf32, #tpu.memory_space<vmem>>, vector<16xf32>,
    %swap3A_83 = vector.shape_cast %swap3A_82 : vector<16xf32> to vector<16xf32>
    %swap3A_84 = vector.shape_cast %broadcast_in_dim3A_80 : vector<16xf32> to vector<16xf32>
    tpu.vector_store %arg11[%swap3A_81], %swap3A_84 {strides = array<i32>} : memref<640xf32, #tpu.memory_space<vmem>>, vector<16xf32>,
    %broadcast_in_dim3A_85 = arith.constant 0.000000e+00 : f32
    %broadcast_in_dim3A_86 = vector.broadcast %broadcast_in_dim3A_85 : f32 to vector<16xf32>
    %swap3A_87 = arith.constant 96 : index
    %swap3A_88 = tpu.vector_load %arg11[%swap3A_87] {strides = array<i32>} : memref<640xf32, #tpu.memory_space<vmem>>, vector<16xf32>,
    %swap3A_89 = vector.shape_cast %swap3A_88 : vector<16xf32> to vector<16xf32>
    %swap3A_90 = vector.shape_cast %broadcast_in_dim3A_86 : vector<16xf32> to vector<16xf32>
    tpu.vector_store %arg11[%swap3A_87], %swap3A_90 {strides = array<i32>} : memref<640xf32, #tpu.memory_space<vmem>>, vector<16xf32>,
    %broadcast_in_dim3A_91 = arith.constant 0.000000e+00 : f32
    %broadcast_in_dim3A_92 = vector.broadcast %broadcast_in_dim3A_91 : f32 to vector<16xf32>
    %swap3A_93 = arith.constant 112 : index
    %swap3A_94 = tpu.vector_load %arg11[%swap3A_93] {strides = array<i32>} : memref<640xf32, #tpu.memory_space<vmem>>, vector<16xf32>,
    %swap3A_95 = vector.shape_cast %swap3A_94 : vector<16xf32> to vector<16xf32>
    %swap3A_96 = vector.shape_cast %broadcast_in_dim3A_92 : vector<16xf32> to vector<16xf32>
    tpu.vector_store %arg11[%swap3A_93], %swap3A_96 {strides = array<i32>} : memref<640xf32, #tpu.memory_space<vmem>>, vector<16xf32>,
    %broadcast_in_dim3A_97 = arith.constant 0.000000e+00 : f32
    %broadcast_in_dim3A_98 = vector.broadcast %broadcast_in_dim3A_97 : f32 to vector<16xf32>
    %swap3A_99 = arith.constant 128 : index
    %swap3A_100 = tpu.vector_load %arg11[%swap3A_99] {strides = array<i32>} : memref<640xf32, #tpu.memory_space<vmem>>, vector<16xf32>,
    %swap3A_101 = vector.shape_cast %swap3A_100 : vector<16xf32> to vector<16xf32>
    %swap3A_102 = vector.shape_cast %broadcast_in_dim3A_98 : vector<16xf32> to vector<16xf32>
    tpu.vector_store %arg11[%swap3A_99], %swap3A_102 {strides = array<i32>} : memref<640xf32, #tpu.memory_space<vmem>>, vector<16xf32>,
    %broadcast_in_dim3A_103 = arith.constant 0.000000e+00 : f32
    %broadcast_in_dim3A_104 = vector.broadcast %broadcast_in_dim3A_103 : f32 to vector<16xf32>
    %swap3A_105 = arith.constant 144 : index
    %swap3A_106 = tpu.vector_load %arg11[%swap3A_105] {strides = array<i32>} : memref<640xf32, #tpu.memory_space<vmem>>, vector<16xf32>,
    %swap3A_107 = vector.shape_cast %swap3A_106 : vector<16xf32> to vector<16xf32>
    %swap3A_108 = vector.shape_cast %broadcast_in_dim3A_104 : vector<16xf32> to vector<16xf32>
    tpu.vector_store %arg11[%swap3A_105], %swap3A_108 {strides = array<i32>} : memref<640xf32, #tpu.memory_space<vmem>>, vector<16xf32>,
    %broadcast_in_dim3A_109 = arith.constant 0.000000e+00 : f32
    %broadcast_in_dim3A_110 = vector.broadcast %broadcast_in_dim3A_109 : f32 to vector<16xf32>
    %swap3A_111 = arith.constant 160 : index
    %swap3A_112 = tpu.vector_load %arg11[%swap3A_111] {strides = array<i32>} : memref<640xf32, #tpu.memory_space<vmem>>, vector<16xf32>,
    %swap3A_113 = vector.shape_cast %swap3A_112 : vector<16xf32> to vector<16xf32>
    %swap3A_114 = vector.shape_cast %broadcast_in_dim3A_110 : vector<16xf32> to vector<16xf32>
    tpu.vector_store %arg11[%swap3A_111], %swap3A_114 {strides = array<i32>} : memref<640xf32, #tpu.memory_space<vmem>>, vector<16xf32>,
    %broadcast_in_dim3A_115 = arith.constant 0.000000e+00 : f32
    %broadcast_in_dim3A_116 = vector.broadcast %broadcast_in_dim3A_115 : f32 to vector<16xf32>
    %swap3A_117 = arith.constant 176 : index
    %swap3A_118 = tpu.vector_load %arg11[%swap3A_117] {strides = array<i32>} : memref<640xf32, #tpu.memory_space<vmem>>, vector<16xf32>,
    %swap3A_119 = vector.shape_cast %swap3A_118 : vector<16xf32> to vector<16xf32>
    %swap3A_120 = vector.shape_cast %broadcast_in_dim3A_116 : vector<16xf32> to vector<16xf32>
    tpu.vector_store %arg11[%swap3A_117], %swap3A_120 {strides = array<i32>} : memref<640xf32, #tpu.memory_space<vmem>>, vector<16xf32>,
    %broadcast_in_dim3A_121 = arith.constant 0.000000e+00 : f32
    %broadcast_in_dim3A_122 = vector.broadcast %broadcast_in_dim3A_121 : f32 to vector<16xf32>
    %swap3A_123 = arith.constant 192 : index
    %swap3A_124 = tpu.vector_load %arg11[%swap3A_123] {strides = array<i32>} : memref<640xf32, #tpu.memory_space<vmem>>, vector<16xf32>,
    %swap3A_125 = vector.shape_cast %swap3A_124 : vector<16xf32> to vector<16xf32>
    %swap3A_126 = vector.shape_cast %broadcast_in_dim3A_122 : vector<16xf32> to vector<16xf32>
    tpu.vector_store %arg11[%swap3A_123], %swap3A_126 {strides = array<i32>} : memref<640xf32, #tpu.memory_space<vmem>>, vector<16xf32>,
    %broadcast_in_dim3A_127 = arith.constant 0.000000e+00 : f32
    %broadcast_in_dim3A_128 = vector.broadcast %broadcast_in_dim3A_127 : f32 to vector<16xf32>
    %swap3A_129 = arith.constant 208 : index
    %swap3A_130 = tpu.vector_load %arg11[%swap3A_129] {strides = array<i32>} : memref<640xf32, #tpu.memory_space<vmem>>, vector<16xf32>,
    %swap3A_131 = vector.shape_cast %swap3A_130 : vector<16xf32> to vector<16xf32>
    %swap3A_132 = vector.shape_cast %broadcast_in_dim3A_128 : vector<16xf32> to vector<16xf32>
    tpu.vector_store %arg11[%swap3A_129], %swap3A_132 {strides = array<i32>} : memref<640xf32, #tpu.memory_space<vmem>>, vector<16xf32>,
    %broadcast_in_dim3A_133 = arith.constant 0.000000e+00 : f32
    %broadcast_in_dim3A_134 = vector.broadcast %broadcast_in_dim3A_133 : f32 to vector<16xf32>
    %swap3A_135 = arith.constant 224 : index
    %swap3A_136 = tpu.vector_load %arg11[%swap3A_135] {strides = array<i32>} : memref<640xf32, #tpu.memory_space<vmem>>, vector<16xf32>,
    %swap3A_137 = vector.shape_cast %swap3A_136 : vector<16xf32> to vector<16xf32>
    %swap3A_138 = vector.shape_cast %broadcast_in_dim3A_134 : vector<16xf32> to vector<16xf32>
    tpu.vector_store %arg11[%swap3A_135], %swap3A_138 {strides = array<i32>} : memref<640xf32, #tpu.memory_space<vmem>>, vector<16xf32>,
    %broadcast_in_dim3A_139 = arith.constant 0.000000e+00 : f32
    %broadcast_in_dim3A_140 = vector.broadcast %broadcast_in_dim3A_139 : f32 to vector<16xf32>
    %swap3A_141 = arith.constant 240 : index
    %swap3A_142 = tpu.vector_load %arg11[%swap3A_141] {strides = array<i32>} : memref<640xf32, #tpu.memory_space<vmem>>, vector<16xf32>,
    %swap3A_143 = vector.shape_cast %swap3A_142 : vector<16xf32> to vector<16xf32>
    %swap3A_144 = vector.shape_cast %broadcast_in_dim3A_140 : vector<16xf32> to vector<16xf32>
    tpu.vector_store %arg11[%swap3A_141], %swap3A_144 {strides = array<i32>} : memref<640xf32, #tpu.memory_space<vmem>>, vector<16xf32>,
    %broadcast_in_dim3A_145 = arith.constant 0.000000e+00 : f32
    %broadcast_in_dim3A_146 = vector.broadcast %broadcast_in_dim3A_145 : f32 to vector<16xf32>
    %swap3A_147 = arith.constant 256 : index
    %swap3A_148 = tpu.vector_load %arg11[%swap3A_147] {strides = array<i32>} : memref<640xf32, #tpu.memory_space<vmem>>, vector<16xf32>,
    %swap3A_149 = vector.shape_cast %swap3A_148 : vector<16xf32> to vector<16xf32>
    %swap3A_150 = vector.shape_cast %broadcast_in_dim3A_146 : vector<16xf32> to vector<16xf32>
    tpu.vector_store %arg11[%swap3A_147], %swap3A_150 {strides = array<i32>} : memref<640xf32, #tpu.memory_space<vmem>>, vector<16xf32>,
    %broadcast_in_dim3A_151 = arith.constant 0.000000e+00 : f32
    %broadcast_in_dim3A_152 = vector.broadcast %broadcast_in_dim3A_151 : f32 to vector<16xf32>
    %swap3A_153 = arith.constant 272 : index
    %swap3A_154 = tpu.vector_load %arg11[%swap3A_153] {strides = array<i32>} : memref<640xf32, #tpu.memory_space<vmem>>, vector<16xf32>,
    %swap3A_155 = vector.shape_cast %swap3A_154 : vector<16xf32> to vector<16xf32>
    %swap3A_156 = vector.shape_cast %broadcast_in_dim3A_152 : vector<16xf32> to vector<16xf32>
    tpu.vector_store %arg11[%swap3A_153], %swap3A_156 {strides = array<i32>} : memref<640xf32, #tpu.memory_space<vmem>>, vector<16xf32>,
    %broadcast_in_dim3A_157 = arith.constant 0.000000e+00 : f32
    %broadcast_in_dim3A_158 = vector.broadcast %broadcast_in_dim3A_157 : f32 to vector<16xf32>
    %swap3A_159 = arith.constant 288 : index
    %swap3A_160 = tpu.vector_load %arg11[%swap3A_159] {strides = array<i32>} : memref<640xf32, #tpu.memory_space<vmem>>, vector<16xf32>,
    %swap3A_161 = vector.shape_cast %swap3A_160 : vector<16xf32> to vector<16xf32>
    %swap3A_162 = vector.shape_cast %broadcast_in_dim3A_158 : vector<16xf32> to vector<16xf32>
    tpu.vector_store %arg11[%swap3A_159], %swap3A_162 {strides = array<i32>} : memref<640xf32, #tpu.memory_space<vmem>>, vector<16xf32>,
    %broadcast_in_dim3A_163 = arith.constant 0.000000e+00 : f32
    %broadcast_in_dim3A_164 = vector.broadcast %broadcast_in_dim3A_163 : f32 to vector<16xf32>
    %swap3A_165 = arith.constant 304 : index
    %swap3A_166 = tpu.vector_load %arg11[%swap3A_165] {strides = array<i32>} : memref<640xf32, #tpu.memory_space<vmem>>, vector<16xf32>,
    %swap3A_167 = vector.shape_cast %swap3A_166 : vector<16xf32> to vector<16xf32>
    %swap3A_168 = vector.shape_cast %broadcast_in_dim3A_164 : vector<16xf32> to vector<16xf32>
    tpu.vector_store %arg11[%swap3A_165], %swap3A_168 {strides = array<i32>} : memref<640xf32, #tpu.memory_space<vmem>>, vector<16xf32>,
    %broadcast_in_dim3A_169 = arith.constant 0.000000e+00 : f32
    %broadcast_in_dim3A_170 = vector.broadcast %broadcast_in_dim3A_169 : f32 to vector<16xf32>
    %swap3A_171 = arith.constant 320 : index
    %swap3A_172 = tpu.vector_load %arg11[%swap3A_171] {strides = array<i32>} : memref<640xf32, #tpu.memory_space<vmem>>, vector<16xf32>,
    %swap3A_173 = vector.shape_cast %swap3A_172 : vector<16xf32> to vector<16xf32>
    %swap3A_174 = vector.shape_cast %broadcast_in_dim3A_170 : vector<16xf32> to vector<16xf32>
    tpu.vector_store %arg11[%swap3A_171], %swap3A_174 {strides = array<i32>} : memref<640xf32, #tpu.memory_space<vmem>>, vector<16xf32>,
    %broadcast_in_dim3A_175 = arith.constant 0.000000e+00 : f32
    %broadcast_in_dim3A_176 = vector.broadcast %broadcast_in_dim3A_175 : f32 to vector<16xf32>
    %swap3A_177 = arith.constant 336 : index
    %swap3A_178 = tpu.vector_load %arg11[%swap3A_177] {strides = array<i32>} : memref<640xf32, #tpu.memory_space<vmem>>, vector<16xf32>,
    %swap3A_179 = vector.shape_cast %swap3A_178 : vector<16xf32> to vector<16xf32>
    %swap3A_180 = vector.shape_cast %broadcast_in_dim3A_176 : vector<16xf32> to vector<16xf32>
    tpu.vector_store %arg11[%swap3A_177], %swap3A_180 {strides = array<i32>} : memref<640xf32, #tpu.memory_space<vmem>>, vector<16xf32>,
    %broadcast_in_dim3A_181 = arith.constant 0.000000e+00 : f32
    %broadcast_in_dim3A_182 = vector.broadcast %broadcast_in_dim3A_181 : f32 to vector<16xf32>
    %swap3A_183 = arith.constant 352 : index
    %swap3A_184 = tpu.vector_load %arg11[%swap3A_183] {strides = array<i32>} : memref<640xf32, #tpu.memory_space<vmem>>, vector<16xf32>,
    %swap3A_185 = vector.shape_cast %swap3A_184 : vector<16xf32> to vector<16xf32>
    %swap3A_186 = vector.shape_cast %broadcast_in_dim3A_182 : vector<16xf32> to vector<16xf32>
    tpu.vector_store %arg11[%swap3A_183], %swap3A_186 {strides = array<i32>} : memref<640xf32, #tpu.memory_space<vmem>>, vector<16xf32>,
    %broadcast_in_dim3A_187 = arith.constant 0.000000e+00 : f32
    %broadcast_in_dim3A_188 = vector.broadcast %broadcast_in_dim3A_187 : f32 to vector<16xf32>
    %swap3A_189 = arith.constant 368 : index
    %swap3A_190 = tpu.vector_load %arg11[%swap3A_189] {strides = array<i32>} : memref<640xf32, #tpu.memory_space<vmem>>, vector<16xf32>,
    %swap3A_191 = vector.shape_cast %swap3A_190 : vector<16xf32> to vector<16xf32>
    %swap3A_192 = vector.shape_cast %broadcast_in_dim3A_188 : vector<16xf32> to vector<16xf32>
    tpu.vector_store %arg11[%swap3A_189], %swap3A_192 {strides = array<i32>} : memref<640xf32, #tpu.memory_space<vmem>>, vector<16xf32>,
    %broadcast_in_dim3A_193 = arith.constant 0.000000e+00 : f32
    %broadcast_in_dim3A_194 = vector.broadcast %broadcast_in_dim3A_193 : f32 to vector<16xf32>
    %swap3A_195 = arith.constant 384 : index
    %swap3A_196 = tpu.vector_load %arg11[%swap3A_195] {strides = array<i32>} : memref<640xf32, #tpu.memory_space<vmem>>, vector<16xf32>,
    %swap3A_197 = vector.shape_cast %swap3A_196 : vector<16xf32> to vector<16xf32>
    %swap3A_198 = vector.shape_cast %broadcast_in_dim3A_194 : vector<16xf32> to vector<16xf32>
    tpu.vector_store %arg11[%swap3A_195], %swap3A_198 {strides = array<i32>} : memref<640xf32, #tpu.memory_space<vmem>>, vector<16xf32>,
    %broadcast_in_dim3A_199 = arith.constant 0.000000e+00 : f32
    %broadcast_in_dim3A_200 = vector.broadcast %broadcast_in_dim3A_199 : f32 to vector<16xf32>
    %swap3A_201 = arith.constant 400 : index
    %swap3A_202 = tpu.vector_load %arg11[%swap3A_201] {strides = array<i32>} : memref<640xf32, #tpu.memory_space<vmem>>, vector<16xf32>,
    %swap3A_203 = vector.shape_cast %swap3A_202 : vector<16xf32> to vector<16xf32>
    %swap3A_204 = vector.shape_cast %broadcast_in_dim3A_200 : vector<16xf32> to vector<16xf32>
    tpu.vector_store %arg11[%swap3A_201], %swap3A_204 {strides = array<i32>} : memref<640xf32, #tpu.memory_space<vmem>>, vector<16xf32>,
    %broadcast_in_dim3A_205 = arith.constant 0.000000e+00 : f32
    %broadcast_in_dim3A_206 = vector.broadcast %broadcast_in_dim3A_205 : f32 to vector<16xf32>
    %swap3A_207 = arith.constant 416 : index
    %swap3A_208 = tpu.vector_load %arg11[%swap3A_207] {strides = array<i32>} : memref<640xf32, #tpu.memory_space<vmem>>, vector<16xf32>,
    %swap3A_209 = vector.shape_cast %swap3A_208 : vector<16xf32> to vector<16xf32>
    %swap3A_210 = vector.shape_cast %broadcast_in_dim3A_206 : vector<16xf32> to vector<16xf32>
    tpu.vector_store %arg11[%swap3A_207], %swap3A_210 {strides = array<i32>} : memref<640xf32, #tpu.memory_space<vmem>>, vector<16xf32>,
    %broadcast_in_dim3A_211 = arith.constant 0.000000e+00 : f32
    %broadcast_in_dim3A_212 = vector.broadcast %broadcast_in_dim3A_211 : f32 to vector<16xf32>
    %swap3A_213 = arith.constant 432 : index
    %swap3A_214 = tpu.vector_load %arg11[%swap3A_213] {strides = array<i32>} : memref<640xf32, #tpu.memory_space<vmem>>, vector<16xf32>,
    %swap3A_215 = vector.shape_cast %swap3A_214 : vector<16xf32> to vector<16xf32>
    %swap3A_216 = vector.shape_cast %broadcast_in_dim3A_212 : vector<16xf32> to vector<16xf32>
    tpu.vector_store %arg11[%swap3A_213], %swap3A_216 {strides = array<i32>} : memref<640xf32, #tpu.memory_space<vmem>>, vector<16xf32>,
    %broadcast_in_dim3A_217 = arith.constant 0.000000e+00 : f32
    %broadcast_in_dim3A_218 = vector.broadcast %broadcast_in_dim3A_217 : f32 to vector<16xf32>
    %swap3A_219 = arith.constant 448 : index
    %swap3A_220 = tpu.vector_load %arg11[%swap3A_219] {strides = array<i32>} : memref<640xf32, #tpu.memory_space<vmem>>, vector<16xf32>,
    %swap3A_221 = vector.shape_cast %swap3A_220 : vector<16xf32> to vector<16xf32>
    %swap3A_222 = vector.shape_cast %broadcast_in_dim3A_218 : vector<16xf32> to vector<16xf32>
    tpu.vector_store %arg11[%swap3A_219], %swap3A_222 {strides = array<i32>} : memref<640xf32, #tpu.memory_space<vmem>>, vector<16xf32>,
    %broadcast_in_dim3A_223 = arith.constant 0.000000e+00 : f32
    %broadcast_in_dim3A_224 = vector.broadcast %broadcast_in_dim3A_223 : f32 to vector<16xf32>
    %swap3A_225 = arith.constant 464 : index
    %swap3A_226 = tpu.vector_load %arg11[%swap3A_225] {strides = array<i32>} : memref<640xf32, #tpu.memory_space<vmem>>, vector<16xf32>,
    %swap3A_227 = vector.shape_cast %swap3A_226 : vector<16xf32> to vector<16xf32>
    %swap3A_228 = vector.shape_cast %broadcast_in_dim3A_224 : vector<16xf32> to vector<16xf32>
    tpu.vector_store %arg11[%swap3A_225], %swap3A_228 {strides = array<i32>} : memref<640xf32, #tpu.memory_space<vmem>>, vector<16xf32>,
    %broadcast_in_dim3A_229 = arith.constant 0.000000e+00 : f32
    %broadcast_in_dim3A_230 = vector.broadcast %broadcast_in_dim3A_229 : f32 to vector<16xf32>
    %swap3A_231 = arith.constant 480 : index
    %swap3A_232 = tpu.vector_load %arg11[%swap3A_231] {strides = array<i32>} : memref<640xf32, #tpu.memory_space<vmem>>, vector<16xf32>,
    %swap3A_233 = vector.shape_cast %swap3A_232 : vector<16xf32> to vector<16xf32>
    %swap3A_234 = vector.shape_cast %broadcast_in_dim3A_230 : vector<16xf32> to vector<16xf32>
    tpu.vector_store %arg11[%swap3A_231], %swap3A_234 {strides = array<i32>} : memref<640xf32, #tpu.memory_space<vmem>>, vector<16xf32>,
    %broadcast_in_dim3A_235 = arith.constant 0.000000e+00 : f32
    %broadcast_in_dim3A_236 = vector.broadcast %broadcast_in_dim3A_235 : f32 to vector<16xf32>
    %swap3A_237 = arith.constant 496 : index
    %swap3A_238 = tpu.vector_load %arg11[%swap3A_237] {strides = array<i32>} : memref<640xf32, #tpu.memory_space<vmem>>, vector<16xf32>,
    %swap3A_239 = vector.shape_cast %swap3A_238 : vector<16xf32> to vector<16xf32>
    %swap3A_240 = vector.shape_cast %broadcast_in_dim3A_236 : vector<16xf32> to vector<16xf32>
    tpu.vector_store %arg11[%swap3A_237], %swap3A_240 {strides = array<i32>} : memref<640xf32, #tpu.memory_space<vmem>>, vector<16xf32>,
    %broadcast_in_dim3A_241 = arith.constant 0.000000e+00 : f32
    %broadcast_in_dim3A_242 = vector.broadcast %broadcast_in_dim3A_241 : f32 to vector<16xf32>
    %swap3A_243 = arith.constant 512 : index
    %swap3A_244 = tpu.vector_load %arg11[%swap3A_243] {strides = array<i32>} : memref<640xf32, #tpu.memory_space<vmem>>, vector<16xf32>,
    %swap3A_245 = vector.shape_cast %swap3A_244 : vector<16xf32> to vector<16xf32>
    %swap3A_246 = vector.shape_cast %broadcast_in_dim3A_242 : vector<16xf32> to vector<16xf32>
    tpu.vector_store %arg11[%swap3A_243], %swap3A_246 {strides = array<i32>} : memref<640xf32, #tpu.memory_space<vmem>>, vector<16xf32>,
    %broadcast_in_dim3A_247 = arith.constant 0.000000e+00 : f32
    %broadcast_in_dim3A_248 = vector.broadcast %broadcast_in_dim3A_247 : f32 to vector<16xf32>
    %swap3A_249 = arith.constant 528 : index
    %swap3A_250 = tpu.vector_load %arg11[%swap3A_249] {strides = array<i32>} : memref<640xf32, #tpu.memory_space<vmem>>, vector<16xf32>,
    %swap3A_251 = vector.shape_cast %swap3A_250 : vector<16xf32> to vector<16xf32>
    %swap3A_252 = vector.shape_cast %broadcast_in_dim3A_248 : vector<16xf32> to vector<16xf32>
    tpu.vector_store %arg11[%swap3A_249], %swap3A_252 {strides = array<i32>} : memref<640xf32, #tpu.memory_space<vmem>>, vector<16xf32>,
    %broadcast_in_dim3A_253 = arith.constant 0.000000e+00 : f32
    %broadcast_in_dim3A_254 = vector.broadcast %broadcast_in_dim3A_253 : f32 to vector<16xf32>
    %swap3A_255 = arith.constant 544 : index
    %swap3A_256 = tpu.vector_load %arg11[%swap3A_255] {strides = array<i32>} : memref<640xf32, #tpu.memory_space<vmem>>, vector<16xf32>,
    %swap3A_257 = vector.shape_cast %swap3A_256 : vector<16xf32> to vector<16xf32>
    %swap3A_258 = vector.shape_cast %broadcast_in_dim3A_254 : vector<16xf32> to vector<16xf32>
    tpu.vector_store %arg11[%swap3A_255], %swap3A_258 {strides = array<i32>} : memref<640xf32, #tpu.memory_space<vmem>>, vector<16xf32>,
    %broadcast_in_dim3A_259 = arith.constant 0.000000e+00 : f32
    %broadcast_in_dim3A_260 = vector.broadcast %broadcast_in_dim3A_259 : f32 to vector<16xf32>
    %swap3A_261 = arith.constant 560 : index
    %swap3A_262 = tpu.vector_load %arg11[%swap3A_261] {strides = array<i32>} : memref<640xf32, #tpu.memory_space<vmem>>, vector<16xf32>,
    %swap3A_263 = vector.shape_cast %swap3A_262 : vector<16xf32> to vector<16xf32>
    %swap3A_264 = vector.shape_cast %broadcast_in_dim3A_260 : vector<16xf32> to vector<16xf32>
    tpu.vector_store %arg11[%swap3A_261], %swap3A_264 {strides = array<i32>} : memref<640xf32, #tpu.memory_space<vmem>>, vector<16xf32>,
    %broadcast_in_dim3A_265 = arith.constant 0.000000e+00 : f32
    %broadcast_in_dim3A_266 = vector.broadcast %broadcast_in_dim3A_265 : f32 to vector<16xf32>
    %swap3A_267 = arith.constant 576 : index
    %swap3A_268 = tpu.vector_load %arg11[%swap3A_267] {strides = array<i32>} : memref<640xf32, #tpu.memory_space<vmem>>, vector<16xf32>,
    %swap3A_269 = vector.shape_cast %swap3A_268 : vector<16xf32> to vector<16xf32>
    %swap3A_270 = vector.shape_cast %broadcast_in_dim3A_266 : vector<16xf32> to vector<16xf32>
    tpu.vector_store %arg11[%swap3A_267], %swap3A_270 {strides = array<i32>} : memref<640xf32, #tpu.memory_space<vmem>>, vector<16xf32>,
    %broadcast_in_dim3A_271 = arith.constant 0.000000e+00 : f32
    %broadcast_in_dim3A_272 = vector.broadcast %broadcast_in_dim3A_271 : f32 to vector<16xf32>
    %swap3A_273 = arith.constant 592 : index
    %swap3A_274 = tpu.vector_load %arg11[%swap3A_273] {strides = array<i32>} : memref<640xf32, #tpu.memory_space<vmem>>, vector<16xf32>,
    %swap3A_275 = vector.shape_cast %swap3A_274 : vector<16xf32> to vector<16xf32>
    %swap3A_276 = vector.shape_cast %broadcast_in_dim3A_272 : vector<16xf32> to vector<16xf32>
    tpu.vector_store %arg11[%swap3A_273], %swap3A_276 {strides = array<i32>} : memref<640xf32, #tpu.memory_space<vmem>>, vector<16xf32>,
    %broadcast_in_dim3A_277 = arith.constant 0.000000e+00 : f32
    %broadcast_in_dim3A_278 = vector.broadcast %broadcast_in_dim3A_277 : f32 to vector<16xf32>
    %swap3A_279 = arith.constant 608 : index
    %swap3A_280 = tpu.vector_load %arg11[%swap3A_279] {strides = array<i32>} : memref<640xf32, #tpu.memory_space<vmem>>, vector<16xf32>,
    %swap3A_281 = vector.shape_cast %swap3A_280 : vector<16xf32> to vector<16xf32>
    %swap3A_282 = vector.shape_cast %broadcast_in_dim3A_278 : vector<16xf32> to vector<16xf32>
    tpu.vector_store %arg11[%swap3A_279], %swap3A_282 {strides = array<i32>} : memref<640xf32, #tpu.memory_space<vmem>>, vector<16xf32>,
    %broadcast_in_dim3A_283 = arith.constant 0.000000e+00 : f32
    %broadcast_in_dim3A_284 = vector.broadcast %broadcast_in_dim3A_283 : f32 to vector<16xf32>
    %swap3A_285 = arith.constant 624 : index
    %swap3A_286 = tpu.vector_load %arg11[%swap3A_285] {strides = array<i32>} : memref<640xf32, #tpu.memory_space<vmem>>, vector<16xf32>,
    %swap3A_287 = vector.shape_cast %swap3A_286 : vector<16xf32> to vector<16xf32>
    %swap3A_288 = vector.shape_cast %broadcast_in_dim3A_284 : vector<16xf32> to vector<16xf32>
    tpu.vector_store %arg11[%swap3A_285], %swap3A_288 {strides = array<i32>} : memref<640xf32, #tpu.memory_space<vmem>>, vector<16xf32>,
    "tpu.region"() ({
      %run_scoped3A = tpu.sem_alloc : memref<!tpu.dma_semaphore, #tpu.memory_space<semaphore_mem>>
      %dma_start3A_607 = tpu.memref_slice %arg12[%mul3A_2] : memref<10240xf32, #tpu.memory_space<vmem_shared>> -> memref<640xf32, #tpu.memory_space<vmem_shared>>
      %dma_start3A_608 = tpu.memref_slice %arg12[%mul3A_2] : memref<10240xf32, #tpu.memory_space<vmem_shared>> -> memref<640xf32, #tpu.memory_space<vmem_shared>>
      tpu.enqueue_dma source(%arg11 : memref<640xf32, #tpu.memory_space<vmem>>) target(%dma_start3A_608 : memref<640xf32, #tpu.memory_space<vmem_shared>>) target_semaphore(%run_scoped3A : memref<!tpu.dma_semaphore, #tpu.memory_space<semaphore_mem>>)
      %dma_wait3A_609 = tpu.memref_slice %arg12[%mul3A_2] : memref<10240xf32, #tpu.memory_space<vmem_shared>> -> memref<640xf32, #tpu.memory_space<vmem_shared>>
      %dma_wait3A_610 = tpu.memref_slice %arg12[%mul3A_2] : memref<10240xf32, #tpu.memory_space<vmem_shared>> -> memref<640xf32, #tpu.memory_space<vmem_shared>>
      tpu.wait_dma2 semaphore(%run_scoped3A : memref<!tpu.dma_semaphore, #tpu.memory_space<semaphore_mem>>) src(%arg11 : memref<640xf32, #tpu.memory_space<vmem>>) dst(%dma_wait3A_610 : memref<640xf32, #tpu.memory_space<vmem_shared>>)
      tpu.yield
    }) : () -> ()
    %barrier3A = arith.constant 0 : index
    tpu.barrier barrier_id(%barrier3A)
    %add3A_289 = arith.constant 0 : i32
    %add3A_290 = arith.addi %add3A, %add3A_289 : i32
    %mul3A_291 = arith.constant 128 : i32
    %mul3A_292 = arith.muli %add3A_290, %mul3A_291 : i32
    %dma_start3A = arith.constant 0 : i32
    %dma_start3A_293 = tpu.memref_slice %arg2[%dma_start3A, %mul3A_292] : memref<2x320000xi32, #tpu.memory_space<hbm>> -> memref<2x128xi32, #tpu.memory_space<hbm>>
    %dma_start3A_294 = arith.constant 0 : i32
    %dma_start3A_295 = tpu.memref_slice %arg2[%dma_start3A_294, %mul3A_292] : memref<2x320000xi32, #tpu.memory_space<hbm>> -> memref<2x128xi32, #tpu.memory_space<hbm>>
    tpu.enqueue_dma source(%dma_start3A_295 : memref<2x128xi32, #tpu.memory_space<hbm>>) target(%arg4 : memref<2x128xi32, #tpu.memory_space<vmem>>) target_semaphore(%arg13 : memref<!tpu.dma_semaphore, #tpu.memory_space<semaphore_mem>>)
    %add3A_296 = arith.constant 32 : i32
    %add3A_297 = arith.addi %add3A, %add3A_296 : i32
    %mul3A_298 = arith.constant 128 : i32
    %mul3A_299 = arith.muli %add3A_297, %mul3A_298 : i32
    %dma_start3A_300 = arith.constant 0 : i32
    %dma_start3A_301 = tpu.memref_slice %arg2[%dma_start3A_300, %mul3A_299] : memref<2x320000xi32, #tpu.memory_space<hbm>> -> memref<2x128xi32, #tpu.memory_space<hbm>>
    %dma_start3A_302 = arith.constant 0 : i32
    %dma_start3A_303 = tpu.memref_slice %arg2[%dma_start3A_302, %mul3A_299] : memref<2x320000xi32, #tpu.memory_space<hbm>> -> memref<2x128xi32, #tpu.memory_space<hbm>>
    tpu.enqueue_dma source(%dma_start3A_303 : memref<2x128xi32, #tpu.memory_space<hbm>>) target(%arg5 : memref<2x128xi32, #tpu.memory_space<vmem>>) target_semaphore(%arg14 : memref<!tpu.dma_semaphore, #tpu.memory_space<semaphore_mem>>)
    %add3A_304 = arith.constant 64 : i32
    %add3A_305 = arith.addi %add3A, %add3A_304 : i32
    %mul3A_306 = arith.constant 128 : i32
    %mul3A_307 = arith.muli %add3A_305, %mul3A_306 : i32
    %dma_start3A_308 = arith.constant 0 : i32
    %dma_start3A_309 = tpu.memref_slice %arg2[%dma_start3A_308, %mul3A_307] : memref<2x320000xi32, #tpu.memory_space<hbm>> -> memref<2x128xi32, #tpu.memory_space<hbm>>
    %dma_start3A_310 = arith.constant 0 : i32
    %dma_start3A_311 = tpu.memref_slice %arg2[%dma_start3A_310, %mul3A_307] : memref<2x320000xi32, #tpu.memory_space<hbm>> -> memref<2x128xi32, #tpu.memory_space<hbm>>
    tpu.enqueue_dma source(%dma_start3A_311 : memref<2x128xi32, #tpu.memory_space<hbm>>) target(%arg6 : memref<2x128xi32, #tpu.memory_space<vmem>>) target_semaphore(%arg15 : memref<!tpu.dma_semaphore, #tpu.memory_space<semaphore_mem>>)
    %dma_wait3A = arith.constant 0 : i32
    %dma_wait3A_312 = arith.constant 0 : i32
    %dma_wait3A_313 = tpu.memref_slice %arg2[%dma_wait3A, %dma_wait3A_312] : memref<2x320000xi32, #tpu.memory_space<hbm>> -> memref<2x128xi32, #tpu.memory_space<hbm>>
    %dma_wait3A_314 = arith.constant 0 : i32
    %dma_wait3A_315 = arith.constant 0 : i32
    %dma_wait3A_316 = tpu.memref_slice %arg2[%dma_wait3A_314, %dma_wait3A_315] : memref<2x320000xi32, #tpu.memory_space<hbm>> -> memref<2x128xi32, #tpu.memory_space<hbm>>
    tpu.wait_dma2 semaphore(%arg13 : memref<!tpu.dma_semaphore, #tpu.memory_space<semaphore_mem>>) src(%dma_wait3A_316 : memref<2x128xi32, #tpu.memory_space<hbm>>) dst(%arg4 : memref<2x128xi32, #tpu.memory_space<vmem>>)
    %dma_start3A_317 = arith.constant 1 : i32
    %dma_start3A_318 = arith.constant 0 : i32
    %dma_start3A_319 = tpu.memref_slice %arg4[%dma_start3A_317, %dma_start3A_318] : memref<2x128xi32, #tpu.memory_space<vmem>> -> memref<1x128xi32, #tpu.memory_space<vmem>>
    %dma_start3A_320 = tpu.memref_squeeze %dma_start3A_319 : memref<1x128xi32, #tpu.memory_space<vmem>> -> memref<128xi32, #tpu.memory_space<vmem>>
    %dma_start3A_321 = arith.constant 0 : i32
    %dma_start3A_322 = tpu.memref_slice %arg12[%dma_start3A_321] : memref<10240xf32, #tpu.memory_space<vmem_shared>> -> memref<10240xf32, #tpu.memory_space<vmem_shared>>
    tpu.enqueue_indirect_dma source(%arg10 : memref<128xf32, #tpu.memory_space<vmem>>) target(%dma_start3A_322 : memref<10240xf32, #tpu.memory_space<vmem_shared>>) offsets(%dma_start3A_320 : memref<128xi32, #tpu.memory_space<vmem>>) semaphore(%arg19 : memref<!tpu.dma_semaphore, #tpu.memory_space<semaphore_mem>>) {add = true}
    %add3A_323 = arith.constant 96 : i32
    %add3A_324 = arith.addi %add3A, %add3A_323 : i32
    %mul3A_325 = arith.constant 128 : i32
    %mul3A_326 = arith.muli %add3A_324, %mul3A_325 : i32
    %dma_start3A_327 = arith.constant 0 : i32
    %dma_start3A_328 = tpu.memref_slice %arg2[%dma_start3A_327, %mul3A_326] : memref<2x320000xi32, #tpu.memory_space<hbm>> -> memref<2x128xi32, #tpu.memory_space<hbm>>
    %dma_start3A_329 = arith.constant 0 : i32
    %dma_start3A_330 = tpu.memref_slice %arg2[%dma_start3A_329, %mul3A_326] : memref<2x320000xi32, #tpu.memory_space<hbm>> -> memref<2x128xi32, #tpu.memory_space<hbm>>
    tpu.enqueue_dma source(%dma_start3A_330 : memref<2x128xi32, #tpu.memory_space<hbm>>) target(%arg7 : memref<2x128xi32, #tpu.memory_space<vmem>>) target_semaphore(%arg16 : memref<!tpu.dma_semaphore, #tpu.memory_space<semaphore_mem>>)
    %dma_wait3A_331 = arith.constant 0 : i32
    %dma_wait3A_332 = arith.constant 0 : i32
    %dma_wait3A_333 = tpu.memref_slice %arg2[%dma_wait3A_331, %dma_wait3A_332] : memref<2x320000xi32, #tpu.memory_space<hbm>> -> memref<2x128xi32, #tpu.memory_space<hbm>>
    %dma_wait3A_334 = arith.constant 0 : i32
    %dma_wait3A_335 = arith.constant 0 : i32
    %dma_wait3A_336 = tpu.memref_slice %arg2[%dma_wait3A_334, %dma_wait3A_335] : memref<2x320000xi32, #tpu.memory_space<hbm>> -> memref<2x128xi32, #tpu.memory_space<hbm>>
    tpu.wait_dma2 semaphore(%arg14 : memref<!tpu.dma_semaphore, #tpu.memory_space<semaphore_mem>>) src(%dma_wait3A_336 : memref<2x128xi32, #tpu.memory_space<hbm>>) dst(%arg5 : memref<2x128xi32, #tpu.memory_space<vmem>>)
    %dma_start3A_337 = arith.constant 1 : i32
    %dma_start3A_338 = arith.constant 0 : i32
    %dma_start3A_339 = tpu.memref_slice %arg5[%dma_start3A_337, %dma_start3A_338] : memref<2x128xi32, #tpu.memory_space<vmem>> -> memref<1x128xi32, #tpu.memory_space<vmem>>
    %dma_start3A_340 = tpu.memref_squeeze %dma_start3A_339 : memref<1x128xi32, #tpu.memory_space<vmem>> -> memref<128xi32, #tpu.memory_space<vmem>>
    %dma_start3A_341 = arith.constant 0 : i32
    %dma_start3A_342 = tpu.memref_slice %arg12[%dma_start3A_341] : memref<10240xf32, #tpu.memory_space<vmem_shared>> -> memref<10240xf32, #tpu.memory_space<vmem_shared>>
    tpu.enqueue_indirect_dma source(%arg10 : memref<128xf32, #tpu.memory_space<vmem>>) target(%dma_start3A_342 : memref<10240xf32, #tpu.memory_space<vmem_shared>>) offsets(%dma_start3A_340 : memref<128xi32, #tpu.memory_space<vmem>>) semaphore(%arg20 : memref<!tpu.dma_semaphore, #tpu.memory_space<semaphore_mem>>) {add = true}
    %add3A_343 = arith.constant 128 : i32
    %add3A_344 = arith.addi %add3A, %add3A_343 : i32
    %mul3A_345 = arith.constant 128 : i32
    %mul3A_346 = arith.muli %add3A_344, %mul3A_345 : i32
    %dma_start3A_347 = arith.constant 0 : i32
    %dma_start3A_348 = tpu.memref_slice %arg2[%dma_start3A_347, %mul3A_346] : memref<2x320000xi32, #tpu.memory_space<hbm>> -> memref<2x128xi32, #tpu.memory_space<hbm>>
    %dma_start3A_349 = arith.constant 0 : i32
    %dma_start3A_350 = tpu.memref_slice %arg2[%dma_start3A_349, %mul3A_346] : memref<2x320000xi32, #tpu.memory_space<hbm>> -> memref<2x128xi32, #tpu.memory_space<hbm>>
    tpu.enqueue_dma source(%dma_start3A_350 : memref<2x128xi32, #tpu.memory_space<hbm>>) target(%arg8 : memref<2x128xi32, #tpu.memory_space<vmem>>) target_semaphore(%arg17 : memref<!tpu.dma_semaphore, #tpu.memory_space<semaphore_mem>>)
    %dma_wait3A_351 = arith.constant 0 : i32
    %dma_wait3A_352 = arith.constant 0 : i32
    %dma_wait3A_353 = tpu.memref_slice %arg2[%dma_wait3A_351, %dma_wait3A_352] : memref<2x320000xi32, #tpu.memory_space<hbm>> -> memref<2x128xi32, #tpu.memory_space<hbm>>
    %dma_wait3A_354 = arith.constant 0 : i32
    %dma_wait3A_355 = arith.constant 0 : i32
    %dma_wait3A_356 = tpu.memref_slice %arg2[%dma_wait3A_354, %dma_wait3A_355] : memref<2x320000xi32, #tpu.memory_space<hbm>> -> memref<2x128xi32, #tpu.memory_space<hbm>>
    tpu.wait_dma2 semaphore(%arg15 : memref<!tpu.dma_semaphore, #tpu.memory_space<semaphore_mem>>) src(%dma_wait3A_356 : memref<2x128xi32, #tpu.memory_space<hbm>>) dst(%arg6 : memref<2x128xi32, #tpu.memory_space<vmem>>)
    %dma_wait3A_357 = arith.constant 1 : i32
    %dma_wait3A_358 = arith.constant 0 : i32
    %dma_wait3A_359 = tpu.memref_slice %arg4[%dma_wait3A_357, %dma_wait3A_358] : memref<2x128xi32, #tpu.memory_space<vmem>> -> memref<1x128xi32, #tpu.memory_space<vmem>>
    %dma_wait3A_360 = tpu.memref_squeeze %dma_wait3A_359 : memref<1x128xi32, #tpu.memory_space<vmem>> -> memref<128xi32, #tpu.memory_space<vmem>>
    %dma_wait3A_361 = arith.constant 0 : i32
    %dma_wait3A_362 = tpu.memref_slice %arg12[%dma_wait3A_361] : memref<10240xf32, #tpu.memory_space<vmem_shared>> -> memref<10240xf32, #tpu.memory_space<vmem_shared>>
    tpu.wait_indirect_dma semaphore(%arg19 : memref<!tpu.dma_semaphore, #tpu.memory_space<semaphore_mem>>) src(%arg10 : memref<128xf32, #tpu.memory_space<vmem>>) dst(%dma_wait3A_362 : memref<10240xf32, #tpu.memory_space<vmem_shared>>)
    %dma_start3A_363 = arith.constant 1 : i32
    %dma_start3A_364 = arith.constant 0 : i32
    %dma_start3A_365 = tpu.memref_slice %arg6[%dma_start3A_363, %dma_start3A_364] : memref<2x128xi32, #tpu.memory_space<vmem>> -> memref<1x128xi32, #tpu.memory_space<vmem>>
    %dma_start3A_366 = tpu.memref_squeeze %dma_start3A_365 : memref<1x128xi32, #tpu.memory_space<vmem>> -> memref<128xi32, #tpu.memory_space<vmem>>
    %dma_start3A_367 = arith.constant 0 : i32
    %dma_start3A_368 = tpu.memref_slice %arg12[%dma_start3A_367] : memref<10240xf32, #tpu.memory_space<vmem_shared>> -> memref<10240xf32, #tpu.memory_space<vmem_shared>>
    tpu.enqueue_indirect_dma source(%arg10 : memref<128xf32, #tpu.memory_space<vmem>>) target(%dma_start3A_368 : memref<10240xf32, #tpu.memory_space<vmem_shared>>) offsets(%dma_start3A_366 : memref<128xi32, #tpu.memory_space<vmem>>) semaphore(%arg19 : memref<!tpu.dma_semaphore, #tpu.memory_space<semaphore_mem>>) {add = true}
    %add3A_369 = arith.constant 160 : i32
    %add3A_370 = arith.addi %add3A, %add3A_369 : i32
    %mul3A_371 = arith.constant 128 : i32
    %mul3A_372 = arith.muli %add3A_370, %mul3A_371 : i32
    %dma_start3A_373 = arith.constant 0 : i32
    %dma_start3A_374 = tpu.memref_slice %arg2[%dma_start3A_373, %mul3A_372] : memref<2x320000xi32, #tpu.memory_space<hbm>> -> memref<2x128xi32, #tpu.memory_space<hbm>>
    %dma_start3A_375 = arith.constant 0 : i32
    %dma_start3A_376 = tpu.memref_slice %arg2[%dma_start3A_375, %mul3A_372] : memref<2x320000xi32, #tpu.memory_space<hbm>> -> memref<2x128xi32, #tpu.memory_space<hbm>>
    tpu.enqueue_dma source(%dma_start3A_376 : memref<2x128xi32, #tpu.memory_space<hbm>>) target(%arg9 : memref<2x128xi32, #tpu.memory_space<vmem>>) target_semaphore(%arg18 : memref<!tpu.dma_semaphore, #tpu.memory_space<semaphore_mem>>)
    %dma_wait3A_377 = arith.constant 0 : i32
    %dma_wait3A_378 = arith.constant 0 : i32
    %dma_wait3A_379 = tpu.memref_slice %arg2[%dma_wait3A_377, %dma_wait3A_378] : memref<2x320000xi32, #tpu.memory_space<hbm>> -> memref<2x128xi32, #tpu.memory_space<hbm>>
    %dma_wait3A_380 = arith.constant 0 : i32
    %dma_wait3A_381 = arith.constant 0 : i32
    %dma_wait3A_382 = tpu.memref_slice %arg2[%dma_wait3A_380, %dma_wait3A_381] : memref<2x320000xi32, #tpu.memory_space<hbm>> -> memref<2x128xi32, #tpu.memory_space<hbm>>
    tpu.wait_dma2 semaphore(%arg16 : memref<!tpu.dma_semaphore, #tpu.memory_space<semaphore_mem>>) src(%dma_wait3A_382 : memref<2x128xi32, #tpu.memory_space<hbm>>) dst(%arg7 : memref<2x128xi32, #tpu.memory_space<vmem>>)
    %dma_wait3A_383 = arith.constant 1 : i32
    %dma_wait3A_384 = arith.constant 0 : i32
    %dma_wait3A_385 = tpu.memref_slice %arg4[%dma_wait3A_383, %dma_wait3A_384] : memref<2x128xi32, #tpu.memory_space<vmem>> -> memref<1x128xi32, #tpu.memory_space<vmem>>
    %dma_wait3A_386 = tpu.memref_squeeze %dma_wait3A_385 : memref<1x128xi32, #tpu.memory_space<vmem>> -> memref<128xi32, #tpu.memory_space<vmem>>
    %dma_wait3A_387 = arith.constant 0 : i32
    %dma_wait3A_388 = tpu.memref_slice %arg12[%dma_wait3A_387] : memref<10240xf32, #tpu.memory_space<vmem_shared>> -> memref<10240xf32, #tpu.memory_space<vmem_shared>>
    tpu.wait_indirect_dma semaphore(%arg20 : memref<!tpu.dma_semaphore, #tpu.memory_space<semaphore_mem>>) src(%arg10 : memref<128xf32, #tpu.memory_space<vmem>>) dst(%dma_wait3A_388 : memref<10240xf32, #tpu.memory_space<vmem_shared>>)
    %dma_start3A_389 = arith.constant 1 : i32
    %dma_start3A_390 = arith.constant 0 : i32
    %dma_start3A_391 = tpu.memref_slice %arg7[%dma_start3A_389, %dma_start3A_390] : memref<2x128xi32, #tpu.memory_space<vmem>> -> memref<1x128xi32, #tpu.memory_space<vmem>>
    %dma_start3A_392 = tpu.memref_squeeze %dma_start3A_391 : memref<1x128xi32, #tpu.memory_space<vmem>> -> memref<128xi32, #tpu.memory_space<vmem>>
    %dma_start3A_393 = arith.constant 0 : i32
    %dma_start3A_394 = tpu.memref_slice %arg12[%dma_start3A_393] : memref<10240xf32, #tpu.memory_space<vmem_shared>> -> memref<10240xf32, #tpu.memory_space<vmem_shared>>
    tpu.enqueue_indirect_dma source(%arg10 : memref<128xf32, #tpu.memory_space<vmem>>) target(%dma_start3A_394 : memref<10240xf32, #tpu.memory_space<vmem_shared>>) offsets(%dma_start3A_392 : memref<128xi32, #tpu.memory_space<vmem>>) semaphore(%arg20 : memref<!tpu.dma_semaphore, #tpu.memory_space<semaphore_mem>>) {add = true}
    %add3A_395 = arith.constant 192 : i32
    %add3A_396 = arith.addi %add3A, %add3A_395 : i32
    %mul3A_397 = arith.constant 128 : i32
    %mul3A_398 = arith.muli %add3A_396, %mul3A_397 : i32
    %dma_start3A_399 = arith.constant 0 : i32
    %dma_start3A_400 = tpu.memref_slice %arg2[%dma_start3A_399, %mul3A_398] : memref<2x320000xi32, #tpu.memory_space<hbm>> -> memref<2x128xi32, #tpu.memory_space<hbm>>
    %dma_start3A_401 = arith.constant 0 : i32
    %dma_start3A_402 = tpu.memref_slice %arg2[%dma_start3A_401, %mul3A_398] : memref<2x320000xi32, #tpu.memory_space<hbm>> -> memref<2x128xi32, #tpu.memory_space<hbm>>
    tpu.enqueue_dma source(%dma_start3A_402 : memref<2x128xi32, #tpu.memory_space<hbm>>) target(%arg4 : memref<2x128xi32, #tpu.memory_space<vmem>>) target_semaphore(%arg13 : memref<!tpu.dma_semaphore, #tpu.memory_space<semaphore_mem>>)
    %dma_wait3A_403 = arith.constant 0 : i32
    %dma_wait3A_404 = arith.constant 0 : i32
    %dma_wait3A_405 = tpu.memref_slice %arg2[%dma_wait3A_403, %dma_wait3A_404] : memref<2x320000xi32, #tpu.memory_space<hbm>> -> memref<2x128xi32, #tpu.memory_space<hbm>>
    %dma_wait3A_406 = arith.constant 0 : i32
    %dma_wait3A_407 = arith.constant 0 : i32
    %dma_wait3A_408 = tpu.memref_slice %arg2[%dma_wait3A_406, %dma_wait3A_407] : memref<2x320000xi32, #tpu.memory_space<hbm>> -> memref<2x128xi32, #tpu.memory_space<hbm>>
    tpu.wait_dma2 semaphore(%arg17 : memref<!tpu.dma_semaphore, #tpu.memory_space<semaphore_mem>>) src(%dma_wait3A_408 : memref<2x128xi32, #tpu.memory_space<hbm>>) dst(%arg8 : memref<2x128xi32, #tpu.memory_space<vmem>>)
    %dma_wait3A_409 = arith.constant 1 : i32
    %dma_wait3A_410 = arith.constant 0 : i32
    %dma_wait3A_411 = tpu.memref_slice %arg4[%dma_wait3A_409, %dma_wait3A_410] : memref<2x128xi32, #tpu.memory_space<vmem>> -> memref<1x128xi32, #tpu.memory_space<vmem>>
    %dma_wait3A_412 = tpu.memref_squeeze %dma_wait3A_411 : memref<1x128xi32, #tpu.memory_space<vmem>> -> memref<128xi32, #tpu.memory_space<vmem>>
    %dma_wait3A_413 = arith.constant 0 : i32
    %dma_wait3A_414 = tpu.memref_slice %arg12[%dma_wait3A_413] : memref<10240xf32, #tpu.memory_space<vmem_shared>> -> memref<10240xf32, #tpu.memory_space<vmem_shared>>
    tpu.wait_indirect_dma semaphore(%arg19 : memref<!tpu.dma_semaphore, #tpu.memory_space<semaphore_mem>>) src(%arg10 : memref<128xf32, #tpu.memory_space<vmem>>) dst(%dma_wait3A_414 : memref<10240xf32, #tpu.memory_space<vmem_shared>>)
    %dma_start3A_415 = arith.constant 1 : i32
    %dma_start3A_416 = arith.constant 0 : i32
    %dma_start3A_417 = tpu.memref_slice %arg8[%dma_start3A_415, %dma_start3A_416] : memref<2x128xi32, #tpu.memory_space<vmem>> -> memref<1x128xi32, #tpu.memory_space<vmem>>
    %dma_start3A_418 = tpu.memref_squeeze %dma_start3A_417 : memref<1x128xi32, #tpu.memory_space<vmem>> -> memref<128xi32, #tpu.memory_space<vmem>>
    %dma_start3A_419 = arith.constant 0 : i32
    %dma_start3A_420 = tpu.memref_slice %arg12[%dma_start3A_419] : memref<10240xf32, #tpu.memory_space<vmem_shared>> -> memref<10240xf32, #tpu.memory_space<vmem_shared>>
    tpu.enqueue_indirect_dma source(%arg10 : memref<128xf32, #tpu.memory_space<vmem>>) target(%dma_start3A_420 : memref<10240xf32, #tpu.memory_space<vmem_shared>>) offsets(%dma_start3A_418 : memref<128xi32, #tpu.memory_space<vmem>>) semaphore(%arg19 : memref<!tpu.dma_semaphore, #tpu.memory_space<semaphore_mem>>) {add = true}
    %add3A_421 = arith.constant 224 : i32
    %add3A_422 = arith.addi %add3A, %add3A_421 : i32
    %mul3A_423 = arith.constant 128 : i32
    %mul3A_424 = arith.muli %add3A_422, %mul3A_423 : i32
    %dma_start3A_425 = arith.constant 0 : i32
    %dma_start3A_426 = tpu.memref_slice %arg2[%dma_start3A_425, %mul3A_424] : memref<2x320000xi32, #tpu.memory_space<hbm>> -> memref<2x128xi32, #tpu.memory_space<hbm>>
    %dma_start3A_427 = arith.constant 0 : i32
    %dma_start3A_428 = tpu.memref_slice %arg2[%dma_start3A_427, %mul3A_424] : memref<2x320000xi32, #tpu.memory_space<hbm>> -> memref<2x128xi32, #tpu.memory_space<hbm>>
    tpu.enqueue_dma source(%dma_start3A_428 : memref<2x128xi32, #tpu.memory_space<hbm>>) target(%arg5 : memref<2x128xi32, #tpu.memory_space<vmem>>) target_semaphore(%arg14 : memref<!tpu.dma_semaphore, #tpu.memory_space<semaphore_mem>>)
    %dma_wait3A_429 = arith.constant 0 : i32
    %dma_wait3A_430 = arith.constant 0 : i32
    %dma_wait3A_431 = tpu.memref_slice %arg2[%dma_wait3A_429, %dma_wait3A_430] : memref<2x320000xi32, #tpu.memory_space<hbm>> -> memref<2x128xi32, #tpu.memory_space<hbm>>
    %dma_wait3A_432 = arith.constant 0 : i32
    %dma_wait3A_433 = arith.constant 0 : i32
    %dma_wait3A_434 = tpu.memref_slice %arg2[%dma_wait3A_432, %dma_wait3A_433] : memref<2x320000xi32, #tpu.memory_space<hbm>> -> memref<2x128xi32, #tpu.memory_space<hbm>>
    tpu.wait_dma2 semaphore(%arg18 : memref<!tpu.dma_semaphore, #tpu.memory_space<semaphore_mem>>) src(%dma_wait3A_434 : memref<2x128xi32, #tpu.memory_space<hbm>>) dst(%arg9 : memref<2x128xi32, #tpu.memory_space<vmem>>)
    %dma_wait3A_435 = arith.constant 1 : i32
    %dma_wait3A_436 = arith.constant 0 : i32
    %dma_wait3A_437 = tpu.memref_slice %arg4[%dma_wait3A_435, %dma_wait3A_436] : memref<2x128xi32, #tpu.memory_space<vmem>> -> memref<1x128xi32, #tpu.memory_space<vmem>>
    %dma_wait3A_438 = tpu.memref_squeeze %dma_wait3A_437 : memref<1x128xi32, #tpu.memory_space<vmem>> -> memref<128xi32, #tpu.memory_space<vmem>>
    %dma_wait3A_439 = arith.constant 0 : i32
    %dma_wait3A_440 = tpu.memref_slice %arg12[%dma_wait3A_439] : memref<10240xf32, #tpu.memory_space<vmem_shared>> -> memref<10240xf32, #tpu.memory_space<vmem_shared>>
    tpu.wait_indirect_dma semaphore(%arg20 : memref<!tpu.dma_semaphore, #tpu.memory_space<semaphore_mem>>) src(%arg10 : memref<128xf32, #tpu.memory_space<vmem>>) dst(%dma_wait3A_440 : memref<10240xf32, #tpu.memory_space<vmem_shared>>)
    %dma_start3A_441 = arith.constant 1 : i32
    %dma_start3A_442 = arith.constant 0 : i32
    %dma_start3A_443 = tpu.memref_slice %arg9[%dma_start3A_441, %dma_start3A_442] : memref<2x128xi32, #tpu.memory_space<vmem>> -> memref<1x128xi32, #tpu.memory_space<vmem>>
    %dma_start3A_444 = tpu.memref_squeeze %dma_start3A_443 : memref<1x128xi32, #tpu.memory_space<vmem>> -> memref<128xi32, #tpu.memory_space<vmem>>
    %dma_start3A_445 = arith.constant 0 : i32
    %dma_start3A_446 = tpu.memref_slice %arg12[%dma_start3A_445] : memref<10240xf32, #tpu.memory_space<vmem_shared>> -> memref<10240xf32, #tpu.memory_space<vmem_shared>>
    tpu.enqueue_indirect_dma source(%arg10 : memref<128xf32, #tpu.memory_space<vmem>>) target(%dma_start3A_446 : memref<10240xf32, #tpu.memory_space<vmem_shared>>) offsets(%dma_start3A_444 : memref<128xi32, #tpu.memory_space<vmem>>) semaphore(%arg20 : memref<!tpu.dma_semaphore, #tpu.memory_space<semaphore_mem>>) {add = true}
    %add3A_447 = arith.constant 256 : i32
    %add3A_448 = arith.addi %add3A, %add3A_447 : i32
    %mul3A_449 = arith.constant 128 : i32
    %mul3A_450 = arith.muli %add3A_448, %mul3A_449 : i32
    %dma_start3A_451 = arith.constant 0 : i32
    %dma_start3A_452 = tpu.memref_slice %arg2[%dma_start3A_451, %mul3A_450] : memref<2x320000xi32, #tpu.memory_space<hbm>> -> memref<2x128xi32, #tpu.memory_space<hbm>>
    %dma_start3A_453 = arith.constant 0 : i32
    %dma_start3A_454 = tpu.memref_slice %arg2[%dma_start3A_453, %mul3A_450] : memref<2x320000xi32, #tpu.memory_space<hbm>> -> memref<2x128xi32, #tpu.memory_space<hbm>>
    tpu.enqueue_dma source(%dma_start3A_454 : memref<2x128xi32, #tpu.memory_space<hbm>>) target(%arg6 : memref<2x128xi32, #tpu.memory_space<vmem>>) target_semaphore(%arg15 : memref<!tpu.dma_semaphore, #tpu.memory_space<semaphore_mem>>)
    %scan3A = arith.constant 0 : i32
    %scan3A_455 = arith.constant 0 : i32
    %scan3A_456 = arith.constant 11 : i32
    %scan3A_457 = arith.addi %scan3A_455, %scan3A_456 : i32
    %scan3A_458 = arith.constant 1 : i32
    scf.for %scan3A_607 = %scan3A_455 to %scan3A_457 step %scan3A_458  : i32 {
      %mul3A_608 = arith.constant 6 : i32
      %mul3A_609 = arith.muli %mul3A_608, %scan3A_607 : i32
      %dma_wait3A_610 = arith.constant 0 : i32
      %dma_wait3A_611 = arith.constant 0 : i32
      %dma_wait3A_612 = tpu.memref_slice %arg2[%dma_wait3A_610, %dma_wait3A_611] : memref<2x320000xi32, #tpu.memory_space<hbm>> -> memref<2x128xi32, #tpu.memory_space<hbm>>
      %dma_wait3A_613 = arith.constant 0 : i32
      %dma_wait3A_614 = arith.constant 0 : i32
      %dma_wait3A_615 = tpu.memref_slice %arg2[%dma_wait3A_613, %dma_wait3A_614] : memref<2x320000xi32, #tpu.memory_space<hbm>> -> memref<2x128xi32, #tpu.memory_space<hbm>>
      tpu.wait_dma2 semaphore(%arg13 : memref<!tpu.dma_semaphore, #tpu.memory_space<semaphore_mem>>) src(%dma_wait3A_615 : memref<2x128xi32, #tpu.memory_space<hbm>>) dst(%arg4 : memref<2x128xi32, #tpu.memory_space<vmem>>)
      %dma_wait3A_616 = arith.constant 1 : i32
      %dma_wait3A_617 = arith.constant 0 : i32
      %dma_wait3A_618 = tpu.memref_slice %arg4[%dma_wait3A_616, %dma_wait3A_617] : memref<2x128xi32, #tpu.memory_space<vmem>> -> memref<1x128xi32, #tpu.memory_space<vmem>>
      %dma_wait3A_619 = tpu.memref_squeeze %dma_wait3A_618 : memref<1x128xi32, #tpu.memory_space<vmem>> -> memref<128xi32, #tpu.memory_space<vmem>>
      %dma_wait3A_620 = arith.constant 0 : i32
      %dma_wait3A_621 = tpu.memref_slice %arg12[%dma_wait3A_620] : memref<10240xf32, #tpu.memory_space<vmem_shared>> -> memref<10240xf32, #tpu.memory_space<vmem_shared>>
      tpu.wait_indirect_dma semaphore(%arg19 : memref<!tpu.dma_semaphore, #tpu.memory_space<semaphore_mem>>) src(%arg10 : memref<128xf32, #tpu.memory_space<vmem>>) dst(%dma_wait3A_621 : memref<10240xf32, #tpu.memory_space<vmem_shared>>)
      %dma_start3A_622 = arith.constant 1 : i32
      %dma_start3A_623 = arith.constant 0 : i32
      %dma_start3A_624 = tpu.memref_slice %arg4[%dma_start3A_622, %dma_start3A_623] : memref<2x128xi32, #tpu.memory_space<vmem>> -> memref<1x128xi32, #tpu.memory_space<vmem>>
      %dma_start3A_625 = tpu.memref_squeeze %dma_start3A_624 : memref<1x128xi32, #tpu.memory_space<vmem>> -> memref<128xi32, #tpu.memory_space<vmem>>
      %dma_start3A_626 = arith.constant 0 : i32
      %dma_start3A_627 = tpu.memref_slice %arg12[%dma_start3A_626] : memref<10240xf32, #tpu.memory_space<vmem_shared>> -> memref<10240xf32, #tpu.memory_space<vmem_shared>>
      tpu.enqueue_indirect_dma source(%arg10 : memref<128xf32, #tpu.memory_space<vmem>>) target(%dma_start3A_627 : memref<10240xf32, #tpu.memory_space<vmem_shared>>) offsets(%dma_start3A_625 : memref<128xi32, #tpu.memory_space<vmem>>) semaphore(%arg19 : memref<!tpu.dma_semaphore, #tpu.memory_space<semaphore_mem>>) {add = true}
      %add3A_628 = arith.constant 0 : i32
      %add3A_629 = arith.addi %mul3A_609, %add3A_628 : i32
      %add3A_630 = arith.constant 9 : i32
      %add3A_631 = arith.addi %add3A_629, %add3A_630 : i32
      %mul3A_632 = arith.constant 32 : i32
      %mul3A_633 = arith.muli %mul3A_632, %add3A_631 : i32
      %add3A_634 = arith.addi %add3A, %mul3A_633 : i32
      %mul3A_635 = arith.constant 128 : i32
      %mul3A_636 = arith.muli %add3A_634, %mul3A_635 : i32
      %dma_start3A_637 = arith.constant 0 : i32
      %dma_start3A_638 = tpu.memref_slice %arg2[%dma_start3A_637, %mul3A_636] : memref<2x320000xi32, #tpu.memory_space<hbm>> -> memref<2x128xi32, #tpu.memory_space<hbm>>
      %dma_start3A_639 = arith.constant 0 : i32
      %dma_start3A_640 = tpu.memref_slice %arg2[%dma_start3A_639, %mul3A_636] : memref<2x320000xi32, #tpu.memory_space<hbm>> -> memref<2x128xi32, #tpu.memory_space<hbm>>
      tpu.enqueue_dma source(%dma_start3A_640 : memref<2x128xi32, #tpu.memory_space<hbm>>) target(%arg7 : memref<2x128xi32, #tpu.memory_space<vmem>>) target_semaphore(%arg16 : memref<!tpu.dma_semaphore, #tpu.memory_space<semaphore_mem>>)
      %dma_wait3A_641 = arith.constant 0 : i32
      %dma_wait3A_642 = arith.constant 0 : i32
      %dma_wait3A_643 = tpu.memref_slice %arg2[%dma_wait3A_641, %dma_wait3A_642] : memref<2x320000xi32, #tpu.memory_space<hbm>> -> memref<2x128xi32, #tpu.memory_space<hbm>>
      %dma_wait3A_644 = arith.constant 0 : i32
      %dma_wait3A_645 = arith.constant 0 : i32
      %dma_wait3A_646 = tpu.memref_slice %arg2[%dma_wait3A_644, %dma_wait3A_645] : memref<2x320000xi32, #tpu.memory_space<hbm>> -> memref<2x128xi32, #tpu.memory_space<hbm>>
      tpu.wait_dma2 semaphore(%arg14 : memref<!tpu.dma_semaphore, #tpu.memory_space<semaphore_mem>>) src(%dma_wait3A_646 : memref<2x128xi32, #tpu.memory_space<hbm>>) dst(%arg5 : memref<2x128xi32, #tpu.memory_space<vmem>>)
      %dma_wait3A_647 = arith.constant 1 : i32
      %dma_wait3A_648 = arith.constant 0 : i32
      %dma_wait3A_649 = tpu.memref_slice %arg4[%dma_wait3A_647, %dma_wait3A_648] : memref<2x128xi32, #tpu.memory_space<vmem>> -> memref<1x128xi32, #tpu.memory_space<vmem>>
      %dma_wait3A_650 = tpu.memref_squeeze %dma_wait3A_649 : memref<1x128xi32, #tpu.memory_space<vmem>> -> memref<128xi32, #tpu.memory_space<vmem>>
      %dma_wait3A_651 = arith.constant 0 : i32
      %dma_wait3A_652 = tpu.memref_slice %arg12[%dma_wait3A_651] : memref<10240xf32, #tpu.memory_space<vmem_shared>> -> memref<10240xf32, #tpu.memory_space<vmem_shared>>
      tpu.wait_indirect_dma semaphore(%arg20 : memref<!tpu.dma_semaphore, #tpu.memory_space<semaphore_mem>>) src(%arg10 : memref<128xf32, #tpu.memory_space<vmem>>) dst(%dma_wait3A_652 : memref<10240xf32, #tpu.memory_space<vmem_shared>>)
      %dma_start3A_653 = arith.constant 1 : i32
      %dma_start3A_654 = arith.constant 0 : i32
      %dma_start3A_655 = tpu.memref_slice %arg5[%dma_start3A_653, %dma_start3A_654] : memref<2x128xi32, #tpu.memory_space<vmem>> -> memref<1x128xi32, #tpu.memory_space<vmem>>
      %dma_start3A_656 = tpu.memref_squeeze %dma_start3A_655 : memref<1x128xi32, #tpu.memory_space<vmem>> -> memref<128xi32, #tpu.memory_space<vmem>>
      %dma_start3A_657 = arith.constant 0 : i32
      %dma_start3A_658 = tpu.memref_slice %arg12[%dma_start3A_657] : memref<10240xf32, #tpu.memory_space<vmem_shared>> -> memref<10240xf32, #tpu.memory_space<vmem_shared>>
      tpu.enqueue_indirect_dma source(%arg10 : memref<128xf32, #tpu.memory_space<vmem>>) target(%dma_start3A_658 : memref<10240xf32, #tpu.memory_space<vmem_shared>>) offsets(%dma_start3A_656 : memref<128xi32, #tpu.memory_space<vmem>>) semaphore(%arg20 : memref<!tpu.dma_semaphore, #tpu.memory_space<semaphore_mem>>) {add = true}
      %add3A_659 = arith.constant 1 : i32
      %add3A_660 = arith.addi %mul3A_609, %add3A_659 : i32
      %add3A_661 = arith.constant 9 : i32
      %add3A_662 = arith.addi %add3A_660, %add3A_661 : i32
      %mul3A_663 = arith.constant 32 : i32
      %mul3A_664 = arith.muli %mul3A_663, %add3A_662 : i32
      %add3A_665 = arith.addi %add3A, %mul3A_664 : i32
      %mul3A_666 = arith.constant 128 : i32
      %mul3A_667 = arith.muli %add3A_665, %mul3A_666 : i32
      %dma_start3A_668 = arith.constant 0 : i32
      %dma_start3A_669 = tpu.memref_slice %arg2[%dma_start3A_668, %mul3A_667] : memref<2x320000xi32, #tpu.memory_space<hbm>> -> memref<2x128xi32, #tpu.memory_space<hbm>>
      %dma_start3A_670 = arith.constant 0 : i32
      %dma_start3A_671 = tpu.memref_slice %arg2[%dma_start3A_670, %mul3A_667] : memref<2x320000xi32, #tpu.memory_space<hbm>> -> memref<2x128xi32, #tpu.memory_space<hbm>>
      tpu.enqueue_dma source(%dma_start3A_671 : memref<2x128xi32, #tpu.memory_space<hbm>>) target(%arg8 : memref<2x128xi32, #tpu.memory_space<vmem>>) target_semaphore(%arg17 : memref<!tpu.dma_semaphore, #tpu.memory_space<semaphore_mem>>)
      %dma_wait3A_672 = arith.constant 0 : i32
      %dma_wait3A_673 = arith.constant 0 : i32
      %dma_wait3A_674 = tpu.memref_slice %arg2[%dma_wait3A_672, %dma_wait3A_673] : memref<2x320000xi32, #tpu.memory_space<hbm>> -> memref<2x128xi32, #tpu.memory_space<hbm>>
      %dma_wait3A_675 = arith.constant 0 : i32
      %dma_wait3A_676 = arith.constant 0 : i32
      %dma_wait3A_677 = tpu.memref_slice %arg2[%dma_wait3A_675, %dma_wait3A_676] : memref<2x320000xi32, #tpu.memory_space<hbm>> -> memref<2x128xi32, #tpu.memory_space<hbm>>
      tpu.wait_dma2 semaphore(%arg15 : memref<!tpu.dma_semaphore, #tpu.memory_space<semaphore_mem>>) src(%dma_wait3A_677 : memref<2x128xi32, #tpu.memory_space<hbm>>) dst(%arg6 : memref<2x128xi32, #tpu.memory_space<vmem>>)
      %dma_wait3A_678 = arith.constant 1 : i32
      %dma_wait3A_679 = arith.constant 0 : i32
      %dma_wait3A_680 = tpu.memref_slice %arg4[%dma_wait3A_678, %dma_wait3A_679] : memref<2x128xi32, #tpu.memory_space<vmem>> -> memref<1x128xi32, #tpu.memory_space<vmem>>
      %dma_wait3A_681 = tpu.memref_squeeze %dma_wait3A_680 : memref<1x128xi32, #tpu.memory_space<vmem>> -> memref<128xi32, #tpu.memory_space<vmem>>
      %dma_wait3A_682 = arith.constant 0 : i32
      %dma_wait3A_683 = tpu.memref_slice %arg12[%dma_wait3A_682] : memref<10240xf32, #tpu.memory_space<vmem_shared>> -> memref<10240xf32, #tpu.memory_space<vmem_shared>>
      tpu.wait_indirect_dma semaphore(%arg19 : memref<!tpu.dma_semaphore, #tpu.memory_space<semaphore_mem>>) src(%arg10 : memref<128xf32, #tpu.memory_space<vmem>>) dst(%dma_wait3A_683 : memref<10240xf32, #tpu.memory_space<vmem_shared>>)
      %dma_start3A_684 = arith.constant 1 : i32
      %dma_start3A_685 = arith.constant 0 : i32
      %dma_start3A_686 = tpu.memref_slice %arg6[%dma_start3A_684, %dma_start3A_685] : memref<2x128xi32, #tpu.memory_space<vmem>> -> memref<1x128xi32, #tpu.memory_space<vmem>>
      %dma_start3A_687 = tpu.memref_squeeze %dma_start3A_686 : memref<1x128xi32, #tpu.memory_space<vmem>> -> memref<128xi32, #tpu.memory_space<vmem>>
      %dma_start3A_688 = arith.constant 0 : i32
      %dma_start3A_689 = tpu.memref_slice %arg12[%dma_start3A_688] : memref<10240xf32, #tpu.memory_space<vmem_shared>> -> memref<10240xf32, #tpu.memory_space<vmem_shared>>
      tpu.enqueue_indirect_dma source(%arg10 : memref<128xf32, #tpu.memory_space<vmem>>) target(%dma_start3A_689 : memref<10240xf32, #tpu.memory_space<vmem_shared>>) offsets(%dma_start3A_687 : memref<128xi32, #tpu.memory_space<vmem>>) semaphore(%arg19 : memref<!tpu.dma_semaphore, #tpu.memory_space<semaphore_mem>>) {add = true}
      %add3A_690 = arith.constant 2 : i32
      %add3A_691 = arith.addi %mul3A_609, %add3A_690 : i32
      %add3A_692 = arith.constant 9 : i32
      %add3A_693 = arith.addi %add3A_691, %add3A_692 : i32
      %mul3A_694 = arith.constant 32 : i32
      %mul3A_695 = arith.muli %mul3A_694, %add3A_693 : i32
      %add3A_696 = arith.addi %add3A, %mul3A_695 : i32
      %mul3A_697 = arith.constant 128 : i32
      %mul3A_698 = arith.muli %add3A_696, %mul3A_697 : i32
      %dma_start3A_699 = arith.constant 0 : i32
      %dma_start3A_700 = tpu.memref_slice %arg2[%dma_start3A_699, %mul3A_698] : memref<2x320000xi32, #tpu.memory_space<hbm>> -> memref<2x128xi32, #tpu.memory_space<hbm>>
      %dma_start3A_701 = arith.constant 0 : i32
      %dma_start3A_702 = tpu.memref_slice %arg2[%dma_start3A_701, %mul3A_698] : memref<2x320000xi32, #tpu.memory_space<hbm>> -> memref<2x128xi32, #tpu.memory_space<hbm>>
      tpu.enqueue_dma source(%dma_start3A_702 : memref<2x128xi32, #tpu.memory_space<hbm>>) target(%arg9 : memref<2x128xi32, #tpu.memory_space<vmem>>) target_semaphore(%arg18 : memref<!tpu.dma_semaphore, #tpu.memory_space<semaphore_mem>>)
      %dma_wait3A_703 = arith.constant 0 : i32
      %dma_wait3A_704 = arith.constant 0 : i32
      %dma_wait3A_705 = tpu.memref_slice %arg2[%dma_wait3A_703, %dma_wait3A_704] : memref<2x320000xi32, #tpu.memory_space<hbm>> -> memref<2x128xi32, #tpu.memory_space<hbm>>
      %dma_wait3A_706 = arith.constant 0 : i32
      %dma_wait3A_707 = arith.constant 0 : i32
      %dma_wait3A_708 = tpu.memref_slice %arg2[%dma_wait3A_706, %dma_wait3A_707] : memref<2x320000xi32, #tpu.memory_space<hbm>> -> memref<2x128xi32, #tpu.memory_space<hbm>>
      tpu.wait_dma2 semaphore(%arg16 : memref<!tpu.dma_semaphore, #tpu.memory_space<semaphore_mem>>) src(%dma_wait3A_708 : memref<2x128xi32, #tpu.memory_space<hbm>>) dst(%arg7 : memref<2x128xi32, #tpu.memory_space<vmem>>)
      %dma_wait3A_709 = arith.constant 1 : i32
      %dma_wait3A_710 = arith.constant 0 : i32
      %dma_wait3A_711 = tpu.memref_slice %arg4[%dma_wait3A_709, %dma_wait3A_710] : memref<2x128xi32, #tpu.memory_space<vmem>> -> memref<1x128xi32, #tpu.memory_space<vmem>>
      %dma_wait3A_712 = tpu.memref_squeeze %dma_wait3A_711 : memref<1x128xi32, #tpu.memory_space<vmem>> -> memref<128xi32, #tpu.memory_space<vmem>>
      %dma_wait3A_713 = arith.constant 0 : i32
      %dma_wait3A_714 = tpu.memref_slice %arg12[%dma_wait3A_713] : memref<10240xf32, #tpu.memory_space<vmem_shared>> -> memref<10240xf32, #tpu.memory_space<vmem_shared>>
      tpu.wait_indirect_dma semaphore(%arg20 : memref<!tpu.dma_semaphore, #tpu.memory_space<semaphore_mem>>) src(%arg10 : memref<128xf32, #tpu.memory_space<vmem>>) dst(%dma_wait3A_714 : memref<10240xf32, #tpu.memory_space<vmem_shared>>)
      %dma_start3A_715 = arith.constant 1 : i32
      %dma_start3A_716 = arith.constant 0 : i32
      %dma_start3A_717 = tpu.memref_slice %arg7[%dma_start3A_715, %dma_start3A_716] : memref<2x128xi32, #tpu.memory_space<vmem>> -> memref<1x128xi32, #tpu.memory_space<vmem>>
      %dma_start3A_718 = tpu.memref_squeeze %dma_start3A_717 : memref<1x128xi32, #tpu.memory_space<vmem>> -> memref<128xi32, #tpu.memory_space<vmem>>
      %dma_start3A_719 = arith.constant 0 : i32
      %dma_start3A_720 = tpu.memref_slice %arg12[%dma_start3A_719] : memref<10240xf32, #tpu.memory_space<vmem_shared>> -> memref<10240xf32, #tpu.memory_space<vmem_shared>>
      tpu.enqueue_indirect_dma source(%arg10 : memref<128xf32, #tpu.memory_space<vmem>>) target(%dma_start3A_720 : memref<10240xf32, #tpu.memory_space<vmem_shared>>) offsets(%dma_start3A_718 : memref<128xi32, #tpu.memory_space<vmem>>) semaphore(%arg20 : memref<!tpu.dma_semaphore, #tpu.memory_space<semaphore_mem>>) {add = true}
      %add3A_721 = arith.constant 3 : i32
      %add3A_722 = arith.addi %mul3A_609, %add3A_721 : i32
      %add3A_723 = arith.constant 9 : i32
      %add3A_724 = arith.addi %add3A_722, %add3A_723 : i32
      %mul3A_725 = arith.constant 32 : i32
      %mul3A_726 = arith.muli %mul3A_725, %add3A_724 : i32
      %add3A_727 = arith.addi %add3A, %mul3A_726 : i32
      %mul3A_728 = arith.constant 128 : i32
      %mul3A_729 = arith.muli %add3A_727, %mul3A_728 : i32
      %dma_start3A_730 = arith.constant 0 : i32
      %dma_start3A_731 = tpu.memref_slice %arg2[%dma_start3A_730, %mul3A_729] : memref<2x320000xi32, #tpu.memory_space<hbm>> -> memref<2x128xi32, #tpu.memory_space<hbm>>
      %dma_start3A_732 = arith.constant 0 : i32
      %dma_start3A_733 = tpu.memref_slice %arg2[%dma_start3A_732, %mul3A_729] : memref<2x320000xi32, #tpu.memory_space<hbm>> -> memref<2x128xi32, #tpu.memory_space<hbm>>
      tpu.enqueue_dma source(%dma_start3A_733 : memref<2x128xi32, #tpu.memory_space<hbm>>) target(%arg4 : memref<2x128xi32, #tpu.memory_space<vmem>>) target_semaphore(%arg13 : memref<!tpu.dma_semaphore, #tpu.memory_space<semaphore_mem>>)
      %dma_wait3A_734 = arith.constant 0 : i32
      %dma_wait3A_735 = arith.constant 0 : i32
      %dma_wait3A_736 = tpu.memref_slice %arg2[%dma_wait3A_734, %dma_wait3A_735] : memref<2x320000xi32, #tpu.memory_space<hbm>> -> memref<2x128xi32, #tpu.memory_space<hbm>>
      %dma_wait3A_737 = arith.constant 0 : i32
      %dma_wait3A_738 = arith.constant 0 : i32
      %dma_wait3A_739 = tpu.memref_slice %arg2[%dma_wait3A_737, %dma_wait3A_738] : memref<2x320000xi32, #tpu.memory_space<hbm>> -> memref<2x128xi32, #tpu.memory_space<hbm>>
      tpu.wait_dma2 semaphore(%arg17 : memref<!tpu.dma_semaphore, #tpu.memory_space<semaphore_mem>>) src(%dma_wait3A_739 : memref<2x128xi32, #tpu.memory_space<hbm>>) dst(%arg8 : memref<2x128xi32, #tpu.memory_space<vmem>>)
      %dma_wait3A_740 = arith.constant 1 : i32
      %dma_wait3A_741 = arith.constant 0 : i32
      %dma_wait3A_742 = tpu.memref_slice %arg4[%dma_wait3A_740, %dma_wait3A_741] : memref<2x128xi32, #tpu.memory_space<vmem>> -> memref<1x128xi32, #tpu.memory_space<vmem>>
      %dma_wait3A_743 = tpu.memref_squeeze %dma_wait3A_742 : memref<1x128xi32, #tpu.memory_space<vmem>> -> memref<128xi32, #tpu.memory_space<vmem>>
      %dma_wait3A_744 = arith.constant 0 : i32
      %dma_wait3A_745 = tpu.memref_slice %arg12[%dma_wait3A_744] : memref<10240xf32, #tpu.memory_space<vmem_shared>> -> memref<10240xf32, #tpu.memory_space<vmem_shared>>
      tpu.wait_indirect_dma semaphore(%arg19 : memref<!tpu.dma_semaphore, #tpu.memory_space<semaphore_mem>>) src(%arg10 : memref<128xf32, #tpu.memory_space<vmem>>) dst(%dma_wait3A_745 : memref<10240xf32, #tpu.memory_space<vmem_shared>>)
      %dma_start3A_746 = arith.constant 1 : i32
      %dma_start3A_747 = arith.constant 0 : i32
      %dma_start3A_748 = tpu.memref_slice %arg8[%dma_start3A_746, %dma_start3A_747] : memref<2x128xi32, #tpu.memory_space<vmem>> -> memref<1x128xi32, #tpu.memory_space<vmem>>
      %dma_start3A_749 = tpu.memref_squeeze %dma_start3A_748 : memref<1x128xi32, #tpu.memory_space<vmem>> -> memref<128xi32, #tpu.memory_space<vmem>>
      %dma_start3A_750 = arith.constant 0 : i32
      %dma_start3A_751 = tpu.memref_slice %arg12[%dma_start3A_750] : memref<10240xf32, #tpu.memory_space<vmem_shared>> -> memref<10240xf32, #tpu.memory_space<vmem_shared>>
      tpu.enqueue_indirect_dma source(%arg10 : memref<128xf32, #tpu.memory_space<vmem>>) target(%dma_start3A_751 : memref<10240xf32, #tpu.memory_space<vmem_shared>>) offsets(%dma_start3A_749 : memref<128xi32, #tpu.memory_space<vmem>>) semaphore(%arg19 : memref<!tpu.dma_semaphore, #tpu.memory_space<semaphore_mem>>) {add = true}
      %add3A_752 = arith.constant 4 : i32
      %add3A_753 = arith.addi %mul3A_609, %add3A_752 : i32
      %add3A_754 = arith.constant 9 : i32
      %add3A_755 = arith.addi %add3A_753, %add3A_754 : i32
      %mul3A_756 = arith.constant 32 : i32
      %mul3A_757 = arith.muli %mul3A_756, %add3A_755 : i32
      %add3A_758 = arith.addi %add3A, %mul3A_757 : i32
      %mul3A_759 = arith.constant 128 : i32
      %mul3A_760 = arith.muli %add3A_758, %mul3A_759 : i32
      %dma_start3A_761 = arith.constant 0 : i32
      %dma_start3A_762 = tpu.memref_slice %arg2[%dma_start3A_761, %mul3A_760] : memref<2x320000xi32, #tpu.memory_space<hbm>> -> memref<2x128xi32, #tpu.memory_space<hbm>>
      %dma_start3A_763 = arith.constant 0 : i32
      %dma_start3A_764 = tpu.memref_slice %arg2[%dma_start3A_763, %mul3A_760] : memref<2x320000xi32, #tpu.memory_space<hbm>> -> memref<2x128xi32, #tpu.memory_space<hbm>>
      tpu.enqueue_dma source(%dma_start3A_764 : memref<2x128xi32, #tpu.memory_space<hbm>>) target(%arg5 : memref<2x128xi32, #tpu.memory_space<vmem>>) target_semaphore(%arg14 : memref<!tpu.dma_semaphore, #tpu.memory_space<semaphore_mem>>)
      %dma_wait3A_765 = arith.constant 0 : i32
      %dma_wait3A_766 = arith.constant 0 : i32
      %dma_wait3A_767 = tpu.memref_slice %arg2[%dma_wait3A_765, %dma_wait3A_766] : memref<2x320000xi32, #tpu.memory_space<hbm>> -> memref<2x128xi32, #tpu.memory_space<hbm>>
      %dma_wait3A_768 = arith.constant 0 : i32
      %dma_wait3A_769 = arith.constant 0 : i32
      %dma_wait3A_770 = tpu.memref_slice %arg2[%dma_wait3A_768, %dma_wait3A_769] : memref<2x320000xi32, #tpu.memory_space<hbm>> -> memref<2x128xi32, #tpu.memory_space<hbm>>
      tpu.wait_dma2 semaphore(%arg18 : memref<!tpu.dma_semaphore, #tpu.memory_space<semaphore_mem>>) src(%dma_wait3A_770 : memref<2x128xi32, #tpu.memory_space<hbm>>) dst(%arg9 : memref<2x128xi32, #tpu.memory_space<vmem>>)
      %dma_wait3A_771 = arith.constant 1 : i32
      %dma_wait3A_772 = arith.constant 0 : i32
      %dma_wait3A_773 = tpu.memref_slice %arg4[%dma_wait3A_771, %dma_wait3A_772] : memref<2x128xi32, #tpu.memory_space<vmem>> -> memref<1x128xi32, #tpu.memory_space<vmem>>
      %dma_wait3A_774 = tpu.memref_squeeze %dma_wait3A_773 : memref<1x128xi32, #tpu.memory_space<vmem>> -> memref<128xi32, #tpu.memory_space<vmem>>
      %dma_wait3A_775 = arith.constant 0 : i32
      %dma_wait3A_776 = tpu.memref_slice %arg12[%dma_wait3A_775] : memref<10240xf32, #tpu.memory_space<vmem_shared>> -> memref<10240xf32, #tpu.memory_space<vmem_shared>>
      tpu.wait_indirect_dma semaphore(%arg20 : memref<!tpu.dma_semaphore, #tpu.memory_space<semaphore_mem>>) src(%arg10 : memref<128xf32, #tpu.memory_space<vmem>>) dst(%dma_wait3A_776 : memref<10240xf32, #tpu.memory_space<vmem_shared>>)
      %dma_start3A_777 = arith.constant 1 : i32
      %dma_start3A_778 = arith.constant 0 : i32
      %dma_start3A_779 = tpu.memref_slice %arg9[%dma_start3A_777, %dma_start3A_778] : memref<2x128xi32, #tpu.memory_space<vmem>> -> memref<1x128xi32, #tpu.memory_space<vmem>>
      %dma_start3A_780 = tpu.memref_squeeze %dma_start3A_779 : memref<1x128xi32, #tpu.memory_space<vmem>> -> memref<128xi32, #tpu.memory_space<vmem>>
      %dma_start3A_781 = arith.constant 0 : i32
      %dma_start3A_782 = tpu.memref_slice %arg12[%dma_start3A_781] : memref<10240xf32, #tpu.memory_space<vmem_shared>> -> memref<10240xf32, #tpu.memory_space<vmem_shared>>
      tpu.enqueue_indirect_dma source(%arg10 : memref<128xf32, #tpu.memory_space<vmem>>) target(%dma_start3A_782 : memref<10240xf32, #tpu.memory_space<vmem_shared>>) offsets(%dma_start3A_780 : memref<128xi32, #tpu.memory_space<vmem>>) semaphore(%arg20 : memref<!tpu.dma_semaphore, #tpu.memory_space<semaphore_mem>>) {add = true}
      %add3A_783 = arith.constant 5 : i32
      %add3A_784 = arith.addi %mul3A_609, %add3A_783 : i32
      %add3A_785 = arith.constant 9 : i32
      %add3A_786 = arith.addi %add3A_784, %add3A_785 : i32
      %mul3A_787 = arith.constant 32 : i32
      %mul3A_788 = arith.muli %mul3A_787, %add3A_786 : i32
      %add3A_789 = arith.addi %add3A, %mul3A_788 : i32
      %mul3A_790 = arith.constant 128 : i32
      %mul3A_791 = arith.muli %add3A_789, %mul3A_790 : i32
      %dma_start3A_792 = arith.constant 0 : i32
      %dma_start3A_793 = tpu.memref_slice %arg2[%dma_start3A_792, %mul3A_791] : memref<2x320000xi32, #tpu.memory_space<hbm>> -> memref<2x128xi32, #tpu.memory_space<hbm>>
      %dma_start3A_794 = arith.constant 0 : i32
      %dma_start3A_795 = tpu.memref_slice %arg2[%dma_start3A_794, %mul3A_791] : memref<2x320000xi32, #tpu.memory_space<hbm>> -> memref<2x128xi32, #tpu.memory_space<hbm>>
      tpu.enqueue_dma source(%dma_start3A_795 : memref<2x128xi32, #tpu.memory_space<hbm>>) target(%arg6 : memref<2x128xi32, #tpu.memory_space<vmem>>) target_semaphore(%arg15 : memref<!tpu.dma_semaphore, #tpu.memory_space<semaphore_mem>>)
    }
    %scan3A_459 = arith.constant 11 : i32
    %dma_wait3A_460 = arith.constant 0 : i32
    %dma_wait3A_461 = arith.constant 0 : i32
    %dma_wait3A_462 = tpu.memref_slice %arg2[%dma_wait3A_460, %dma_wait3A_461] : memref<2x320000xi32, #tpu.memory_space<hbm>> -> memref<2x128xi32, #tpu.memory_space<hbm>>
    %dma_wait3A_463 = arith.constant 0 : i32
    %dma_wait3A_464 = arith.constant 0 : i32
    %dma_wait3A_465 = tpu.memref_slice %arg2[%dma_wait3A_463, %dma_wait3A_464] : memref<2x320000xi32, #tpu.memory_space<hbm>> -> memref<2x128xi32, #tpu.memory_space<hbm>>
    tpu.wait_dma2 semaphore(%arg13 : memref<!tpu.dma_semaphore, #tpu.memory_space<semaphore_mem>>) src(%dma_wait3A_465 : memref<2x128xi32, #tpu.memory_space<hbm>>) dst(%arg4 : memref<2x128xi32, #tpu.memory_space<vmem>>)
    %dma_wait3A_466 = arith.constant 1 : i32
    %dma_wait3A_467 = arith.constant 0 : i32
    %dma_wait3A_468 = tpu.memref_slice %arg4[%dma_wait3A_466, %dma_wait3A_467] : memref<2x128xi32, #tpu.memory_space<vmem>> -> memref<1x128xi32, #tpu.memory_space<vmem>>
    %dma_wait3A_469 = tpu.memref_squeeze %dma_wait3A_468 : memref<1x128xi32, #tpu.memory_space<vmem>> -> memref<128xi32, #tpu.memory_space<vmem>>
    %dma_wait3A_470 = arith.constant 0 : i32
    %dma_wait3A_471 = tpu.memref_slice %arg12[%dma_wait3A_470] : memref<10240xf32, #tpu.memory_space<vmem_shared>> -> memref<10240xf32, #tpu.memory_space<vmem_shared>>
    tpu.wait_indirect_dma semaphore(%arg19 : memref<!tpu.dma_semaphore, #tpu.memory_space<semaphore_mem>>) src(%arg10 : memref<128xf32, #tpu.memory_space<vmem>>) dst(%dma_wait3A_471 : memref<10240xf32, #tpu.memory_space<vmem_shared>>)
    %dma_start3A_472 = arith.constant 1 : i32
    %dma_start3A_473 = arith.constant 0 : i32
    %dma_start3A_474 = tpu.memref_slice %arg4[%dma_start3A_472, %dma_start3A_473] : memref<2x128xi32, #tpu.memory_space<vmem>> -> memref<1x128xi32, #tpu.memory_space<vmem>>
    %dma_start3A_475 = tpu.memref_squeeze %dma_start3A_474 : memref<1x128xi32, #tpu.memory_space<vmem>> -> memref<128xi32, #tpu.memory_space<vmem>>
    %dma_start3A_476 = arith.constant 0 : i32
    %dma_start3A_477 = tpu.memref_slice %arg12[%dma_start3A_476] : memref<10240xf32, #tpu.memory_space<vmem_shared>> -> memref<10240xf32, #tpu.memory_space<vmem_shared>>
    tpu.enqueue_indirect_dma source(%arg10 : memref<128xf32, #tpu.memory_space<vmem>>) target(%dma_start3A_477 : memref<10240xf32, #tpu.memory_space<vmem_shared>>) offsets(%dma_start3A_475 : memref<128xi32, #tpu.memory_space<vmem>>) semaphore(%arg19 : memref<!tpu.dma_semaphore, #tpu.memory_space<semaphore_mem>>) {add = true}
    %add3A_478 = arith.constant 2400 : i32
    %add3A_479 = arith.addi %add3A, %add3A_478 : i32
    %mul3A_480 = arith.constant 128 : i32
    %mul3A_481 = arith.muli %add3A_479, %mul3A_480 : i32
    %dma_start3A_482 = arith.constant 0 : i32
    %dma_start3A_483 = tpu.memref_slice %arg2[%dma_start3A_482, %mul3A_481] : memref<2x320000xi32, #tpu.memory_space<hbm>> -> memref<2x128xi32, #tpu.memory_space<hbm>>
    %dma_start3A_484 = arith.constant 0 : i32
    %dma_start3A_485 = tpu.memref_slice %arg2[%dma_start3A_484, %mul3A_481] : memref<2x320000xi32, #tpu.memory_space<hbm>> -> memref<2x128xi32, #tpu.memory_space<hbm>>
    tpu.enqueue_dma source(%dma_start3A_485 : memref<2x128xi32, #tpu.memory_space<hbm>>) target(%arg7 : memref<2x128xi32, #tpu.memory_space<vmem>>) target_semaphore(%arg16 : memref<!tpu.dma_semaphore, #tpu.memory_space<semaphore_mem>>)
    %dma_wait3A_486 = arith.constant 0 : i32
    %dma_wait3A_487 = arith.constant 0 : i32
    %dma_wait3A_488 = tpu.memref_slice %arg2[%dma_wait3A_486, %dma_wait3A_487] : memref<2x320000xi32, #tpu.memory_space<hbm>> -> memref<2x128xi32, #tpu.memory_space<hbm>>
    %dma_wait3A_489 = arith.constant 0 : i32
    %dma_wait3A_490 = arith.constant 0 : i32
    %dma_wait3A_491 = tpu.memref_slice %arg2[%dma_wait3A_489, %dma_wait3A_490] : memref<2x320000xi32, #tpu.memory_space<hbm>> -> memref<2x128xi32, #tpu.memory_space<hbm>>
    tpu.wait_dma2 semaphore(%arg14 : memref<!tpu.dma_semaphore, #tpu.memory_space<semaphore_mem>>) src(%dma_wait3A_491 : memref<2x128xi32, #tpu.memory_space<hbm>>) dst(%arg5 : memref<2x128xi32, #tpu.memory_space<vmem>>)
    %dma_wait3A_492 = arith.constant 1 : i32
    %dma_wait3A_493 = arith.constant 0 : i32
    %dma_wait3A_494 = tpu.memref_slice %arg4[%dma_wait3A_492, %dma_wait3A_493] : memref<2x128xi32, #tpu.memory_space<vmem>> -> memref<1x128xi32, #tpu.memory_space<vmem>>
    %dma_wait3A_495 = tpu.memref_squeeze %dma_wait3A_494 : memref<1x128xi32, #tpu.memory_space<vmem>> -> memref<128xi32, #tpu.memory_space<vmem>>
    %dma_wait3A_496 = arith.constant 0 : i32
    %dma_wait3A_497 = tpu.memref_slice %arg12[%dma_wait3A_496] : memref<10240xf32, #tpu.memory_space<vmem_shared>> -> memref<10240xf32, #tpu.memory_space<vmem_shared>>
    tpu.wait_indirect_dma semaphore(%arg20 : memref<!tpu.dma_semaphore, #tpu.memory_space<semaphore_mem>>) src(%arg10 : memref<128xf32, #tpu.memory_space<vmem>>) dst(%dma_wait3A_497 : memref<10240xf32, #tpu.memory_space<vmem_shared>>)
    %dma_start3A_498 = arith.constant 1 : i32
    %dma_start3A_499 = arith.constant 0 : i32
    %dma_start3A_500 = tpu.memref_slice %arg5[%dma_start3A_498, %dma_start3A_499] : memref<2x128xi32, #tpu.memory_space<vmem>> -> memref<1x128xi32, #tpu.memory_space<vmem>>
    %dma_start3A_501 = tpu.memref_squeeze %dma_start3A_500 : memref<1x128xi32, #tpu.memory_space<vmem>> -> memref<128xi32, #tpu.memory_space<vmem>>
    %dma_start3A_502 = arith.constant 0 : i32
    %dma_start3A_503 = tpu.memref_slice %arg12[%dma_start3A_502] : memref<10240xf32, #tpu.memory_space<vmem_shared>> -> memref<10240xf32, #tpu.memory_space<vmem_shared>>
    tpu.enqueue_indirect_dma source(%arg10 : memref<128xf32, #tpu.memory_space<vmem>>) target(%dma_start3A_503 : memref<10240xf32, #tpu.memory_space<vmem_shared>>) offsets(%dma_start3A_501 : memref<128xi32, #tpu.memory_space<vmem>>) semaphore(%arg20 : memref<!tpu.dma_semaphore, #tpu.memory_space<semaphore_mem>>) {add = true}
    %add3A_504 = arith.constant 2432 : i32
    %add3A_505 = arith.addi %add3A, %add3A_504 : i32
    %mul3A_506 = arith.constant 128 : i32
    %mul3A_507 = arith.muli %add3A_505, %mul3A_506 : i32
    %dma_start3A_508 = arith.constant 0 : i32
    %dma_start3A_509 = tpu.memref_slice %arg2[%dma_start3A_508, %mul3A_507] : memref<2x320000xi32, #tpu.memory_space<hbm>> -> memref<2x128xi32, #tpu.memory_space<hbm>>
    %dma_start3A_510 = arith.constant 0 : i32
    %dma_start3A_511 = tpu.memref_slice %arg2[%dma_start3A_510, %mul3A_507] : memref<2x320000xi32, #tpu.memory_space<hbm>> -> memref<2x128xi32, #tpu.memory_space<hbm>>
    tpu.enqueue_dma source(%dma_start3A_511 : memref<2x128xi32, #tpu.memory_space<hbm>>) target(%arg8 : memref<2x128xi32, #tpu.memory_space<vmem>>) target_semaphore(%arg17 : memref<!tpu.dma_semaphore, #tpu.memory_space<semaphore_mem>>)
    %dma_wait3A_512 = arith.constant 0 : i32
    %dma_wait3A_513 = arith.constant 0 : i32
    %dma_wait3A_514 = tpu.memref_slice %arg2[%dma_wait3A_512, %dma_wait3A_513] : memref<2x320000xi32, #tpu.memory_space<hbm>> -> memref<2x128xi32, #tpu.memory_space<hbm>>
    %dma_wait3A_515 = arith.constant 0 : i32
    %dma_wait3A_516 = arith.constant 0 : i32
    %dma_wait3A_517 = tpu.memref_slice %arg2[%dma_wait3A_515, %dma_wait3A_516] : memref<2x320000xi32, #tpu.memory_space<hbm>> -> memref<2x128xi32, #tpu.memory_space<hbm>>
    tpu.wait_dma2 semaphore(%arg15 : memref<!tpu.dma_semaphore, #tpu.memory_space<semaphore_mem>>) src(%dma_wait3A_517 : memref<2x128xi32, #tpu.memory_space<hbm>>) dst(%arg6 : memref<2x128xi32, #tpu.memory_space<vmem>>)
    %dma_wait3A_518 = arith.constant 1 : i32
    %dma_wait3A_519 = arith.constant 0 : i32
    %dma_wait3A_520 = tpu.memref_slice %arg4[%dma_wait3A_518, %dma_wait3A_519] : memref<2x128xi32, #tpu.memory_space<vmem>> -> memref<1x128xi32, #tpu.memory_space<vmem>>
    %dma_wait3A_521 = tpu.memref_squeeze %dma_wait3A_520 : memref<1x128xi32, #tpu.memory_space<vmem>> -> memref<128xi32, #tpu.memory_space<vmem>>
    %dma_wait3A_522 = arith.constant 0 : i32
    %dma_wait3A_523 = tpu.memref_slice %arg12[%dma_wait3A_522] : memref<10240xf32, #tpu.memory_space<vmem_shared>> -> memref<10240xf32, #tpu.memory_space<vmem_shared>>
    tpu.wait_indirect_dma semaphore(%arg19 : memref<!tpu.dma_semaphore, #tpu.memory_space<semaphore_mem>>) src(%arg10 : memref<128xf32, #tpu.memory_space<vmem>>) dst(%dma_wait3A_523 : memref<10240xf32, #tpu.memory_space<vmem_shared>>)
    %dma_start3A_524 = arith.constant 1 : i32
    %dma_start3A_525 = arith.constant 0 : i32
    %dma_start3A_526 = tpu.memref_slice %arg6[%dma_start3A_524, %dma_start3A_525] : memref<2x128xi32, #tpu.memory_space<vmem>> -> memref<1x128xi32, #tpu.memory_space<vmem>>
    %dma_start3A_527 = tpu.memref_squeeze %dma_start3A_526 : memref<1x128xi32, #tpu.memory_space<vmem>> -> memref<128xi32, #tpu.memory_space<vmem>>
    %dma_start3A_528 = arith.constant 0 : i32
    %dma_start3A_529 = tpu.memref_slice %arg12[%dma_start3A_528] : memref<10240xf32, #tpu.memory_space<vmem_shared>> -> memref<10240xf32, #tpu.memory_space<vmem_shared>>
    tpu.enqueue_indirect_dma source(%arg10 : memref<128xf32, #tpu.memory_space<vmem>>) target(%dma_start3A_529 : memref<10240xf32, #tpu.memory_space<vmem_shared>>) offsets(%dma_start3A_527 : memref<128xi32, #tpu.memory_space<vmem>>) semaphore(%arg19 : memref<!tpu.dma_semaphore, #tpu.memory_space<semaphore_mem>>) {add = true}
    %add3A_530 = arith.constant 2464 : i32
    %add3A_531 = arith.addi %add3A, %add3A_530 : i32
    %mul3A_532 = arith.constant 128 : i32
    %mul3A_533 = arith.muli %add3A_531, %mul3A_532 : i32
    %dma_start3A_534 = arith.constant 0 : i32
    %dma_start3A_535 = tpu.memref_slice %arg2[%dma_start3A_534, %mul3A_533] : memref<2x320000xi32, #tpu.memory_space<hbm>> -> memref<2x128xi32, #tpu.memory_space<hbm>>
    %dma_start3A_536 = arith.constant 0 : i32
    %dma_start3A_537 = tpu.memref_slice %arg2[%dma_start3A_536, %mul3A_533] : memref<2x320000xi32, #tpu.memory_space<hbm>> -> memref<2x128xi32, #tpu.memory_space<hbm>>
    tpu.enqueue_dma source(%dma_start3A_537 : memref<2x128xi32, #tpu.memory_space<hbm>>) target(%arg9 : memref<2x128xi32, #tpu.memory_space<vmem>>) target_semaphore(%arg18 : memref<!tpu.dma_semaphore, #tpu.memory_space<semaphore_mem>>)
    %dma_wait3A_538 = arith.constant 0 : i32
    %dma_wait3A_539 = arith.constant 0 : i32
    %dma_wait3A_540 = tpu.memref_slice %arg2[%dma_wait3A_538, %dma_wait3A_539] : memref<2x320000xi32, #tpu.memory_space<hbm>> -> memref<2x128xi32, #tpu.memory_space<hbm>>
    %dma_wait3A_541 = arith.constant 0 : i32
    %dma_wait3A_542 = arith.constant 0 : i32
    %dma_wait3A_543 = tpu.memref_slice %arg2[%dma_wait3A_541, %dma_wait3A_542] : memref<2x320000xi32, #tpu.memory_space<hbm>> -> memref<2x128xi32, #tpu.memory_space<hbm>>
    tpu.wait_dma2 semaphore(%arg16 : memref<!tpu.dma_semaphore, #tpu.memory_space<semaphore_mem>>) src(%dma_wait3A_543 : memref<2x128xi32, #tpu.memory_space<hbm>>) dst(%arg7 : memref<2x128xi32, #tpu.memory_space<vmem>>)
    %dma_wait3A_544 = arith.constant 1 : i32
    %dma_wait3A_545 = arith.constant 0 : i32
    %dma_wait3A_546 = tpu.memref_slice %arg4[%dma_wait3A_544, %dma_wait3A_545] : memref<2x128xi32, #tpu.memory_space<vmem>> -> memref<1x128xi32, #tpu.memory_space<vmem>>
    %dma_wait3A_547 = tpu.memref_squeeze %dma_wait3A_546 : memref<1x128xi32, #tpu.memory_space<vmem>> -> memref<128xi32, #tpu.memory_space<vmem>>
    %dma_wait3A_548 = arith.constant 0 : i32
    %dma_wait3A_549 = tpu.memref_slice %arg12[%dma_wait3A_548] : memref<10240xf32, #tpu.memory_space<vmem_shared>> -> memref<10240xf32, #tpu.memory_space<vmem_shared>>
    tpu.wait_indirect_dma semaphore(%arg20 : memref<!tpu.dma_semaphore, #tpu.memory_space<semaphore_mem>>) src(%arg10 : memref<128xf32, #tpu.memory_space<vmem>>) dst(%dma_wait3A_549 : memref<10240xf32, #tpu.memory_space<vmem_shared>>)
    %dma_start3A_550 = arith.constant 1 : i32
    %dma_start3A_551 = arith.constant 0 : i32
    %dma_start3A_552 = tpu.memref_slice %arg7[%dma_start3A_550, %dma_start3A_551] : memref<2x128xi32, #tpu.memory_space<vmem>> -> memref<1x128xi32, #tpu.memory_space<vmem>>
    %dma_start3A_553 = tpu.memref_squeeze %dma_start3A_552 : memref<1x128xi32, #tpu.memory_space<vmem>> -> memref<128xi32, #tpu.memory_space<vmem>>
    %dma_start3A_554 = arith.constant 0 : i32
    %dma_start3A_555 = tpu.memref_slice %arg12[%dma_start3A_554] : memref<10240xf32, #tpu.memory_space<vmem_shared>> -> memref<10240xf32, #tpu.memory_space<vmem_shared>>
    tpu.enqueue_indirect_dma source(%arg10 : memref<128xf32, #tpu.memory_space<vmem>>) target(%dma_start3A_555 : memref<10240xf32, #tpu.memory_space<vmem_shared>>) offsets(%dma_start3A_553 : memref<128xi32, #tpu.memory_space<vmem>>) semaphore(%arg20 : memref<!tpu.dma_semaphore, #tpu.memory_space<semaphore_mem>>) {add = true}
    %dma_wait3A_556 = arith.constant 0 : i32
    %dma_wait3A_557 = arith.constant 0 : i32
    %dma_wait3A_558 = tpu.memref_slice %arg2[%dma_wait3A_556, %dma_wait3A_557] : memref<2x320000xi32, #tpu.memory_space<hbm>> -> memref<2x128xi32, #tpu.memory_space<hbm>>
    %dma_wait3A_559 = arith.constant 0 : i32
    %dma_wait3A_560 = arith.constant 0 : i32
    %dma_wait3A_561 = tpu.memref_slice %arg2[%dma_wait3A_559, %dma_wait3A_560] : memref<2x320000xi32, #tpu.memory_space<hbm>> -> memref<2x128xi32, #tpu.memory_space<hbm>>
    tpu.wait_dma2 semaphore(%arg17 : memref<!tpu.dma_semaphore, #tpu.memory_space<semaphore_mem>>) src(%dma_wait3A_561 : memref<2x128xi32, #tpu.memory_space<hbm>>) dst(%arg8 : memref<2x128xi32, #tpu.memory_space<vmem>>)
    %dma_wait3A_562 = arith.constant 1 : i32
    %dma_wait3A_563 = arith.constant 0 : i32
    %dma_wait3A_564 = tpu.memref_slice %arg4[%dma_wait3A_562, %dma_wait3A_563] : memref<2x128xi32, #tpu.memory_space<vmem>> -> memref<1x128xi32, #tpu.memory_space<vmem>>
    %dma_wait3A_565 = tpu.memref_squeeze %dma_wait3A_564 : memref<1x128xi32, #tpu.memory_space<vmem>> -> memref<128xi32, #tpu.memory_space<vmem>>
    %dma_wait3A_566 = arith.constant 0 : i32
    %dma_wait3A_567 = tpu.memref_slice %arg12[%dma_wait3A_566] : memref<10240xf32, #tpu.memory_space<vmem_shared>> -> memref<10240xf32, #tpu.memory_space<vmem_shared>>
    tpu.wait_indirect_dma semaphore(%arg19 : memref<!tpu.dma_semaphore, #tpu.memory_space<semaphore_mem>>) src(%arg10 : memref<128xf32, #tpu.memory_space<vmem>>) dst(%dma_wait3A_567 : memref<10240xf32, #tpu.memory_space<vmem_shared>>)
    %dma_start3A_568 = arith.constant 1 : i32
    %dma_start3A_569 = arith.constant 0 : i32
    %dma_start3A_570 = tpu.memref_slice %arg8[%dma_start3A_568, %dma_start3A_569] : memref<2x128xi32, #tpu.memory_space<vmem>> -> memref<1x128xi32, #tpu.memory_space<vmem>>
    %dma_start3A_571 = tpu.memref_squeeze %dma_start3A_570 : memref<1x128xi32, #tpu.memory_space<vmem>> -> memref<128xi32, #tpu.memory_space<vmem>>
    %dma_start3A_572 = arith.constant 0 : i32
    %dma_start3A_573 = tpu.memref_slice %arg12[%dma_start3A_572] : memref<10240xf32, #tpu.memory_space<vmem_shared>> -> memref<10240xf32, #tpu.memory_space<vmem_shared>>
    tpu.enqueue_indirect_dma source(%arg10 : memref<128xf32, #tpu.memory_space<vmem>>) target(%dma_start3A_573 : memref<10240xf32, #tpu.memory_space<vmem_shared>>) offsets(%dma_start3A_571 : memref<128xi32, #tpu.memory_space<vmem>>) semaphore(%arg19 : memref<!tpu.dma_semaphore, #tpu.memory_space<semaphore_mem>>) {add = true}
    %dma_wait3A_574 = arith.constant 0 : i32
    %dma_wait3A_575 = arith.constant 0 : i32
    %dma_wait3A_576 = tpu.memref_slice %arg2[%dma_wait3A_574, %dma_wait3A_575] : memref<2x320000xi32, #tpu.memory_space<hbm>> -> memref<2x128xi32, #tpu.memory_space<hbm>>
    %dma_wait3A_577 = arith.constant 0 : i32
    %dma_wait3A_578 = arith.constant 0 : i32
    %dma_wait3A_579 = tpu.memref_slice %arg2[%dma_wait3A_577, %dma_wait3A_578] : memref<2x320000xi32, #tpu.memory_space<hbm>> -> memref<2x128xi32, #tpu.memory_space<hbm>>
    tpu.wait_dma2 semaphore(%arg18 : memref<!tpu.dma_semaphore, #tpu.memory_space<semaphore_mem>>) src(%dma_wait3A_579 : memref<2x128xi32, #tpu.memory_space<hbm>>) dst(%arg9 : memref<2x128xi32, #tpu.memory_space<vmem>>)
    %dma_wait3A_580 = arith.constant 1 : i32
    %dma_wait3A_581 = arith.constant 0 : i32
    %dma_wait3A_582 = tpu.memref_slice %arg4[%dma_wait3A_580, %dma_wait3A_581] : memref<2x128xi32, #tpu.memory_space<vmem>> -> memref<1x128xi32, #tpu.memory_space<vmem>>
    %dma_wait3A_583 = tpu.memref_squeeze %dma_wait3A_582 : memref<1x128xi32, #tpu.memory_space<vmem>> -> memref<128xi32, #tpu.memory_space<vmem>>
    %dma_wait3A_584 = arith.constant 0 : i32
    %dma_wait3A_585 = tpu.memref_slice %arg12[%dma_wait3A_584] : memref<10240xf32, #tpu.memory_space<vmem_shared>> -> memref<10240xf32, #tpu.memory_space<vmem_shared>>
    tpu.wait_indirect_dma semaphore(%arg20 : memref<!tpu.dma_semaphore, #tpu.memory_space<semaphore_mem>>) src(%arg10 : memref<128xf32, #tpu.memory_space<vmem>>) dst(%dma_wait3A_585 : memref<10240xf32, #tpu.memory_space<vmem_shared>>)
    %dma_start3A_586 = arith.constant 1 : i32
    %dma_start3A_587 = arith.constant 0 : i32
    %dma_start3A_588 = tpu.memref_slice %arg9[%dma_start3A_586, %dma_start3A_587] : memref<2x128xi32, #tpu.memory_space<vmem>> -> memref<1x128xi32, #tpu.memory_space<vmem>>
    %dma_start3A_589 = tpu.memref_squeeze %dma_start3A_588 : memref<1x128xi32, #tpu.memory_space<vmem>> -> memref<128xi32, #tpu.memory_space<vmem>>
    %dma_start3A_590 = arith.constant 0 : i32
    %dma_start3A_591 = tpu.memref_slice %arg12[%dma_start3A_590] : memref<10240xf32, #tpu.memory_space<vmem_shared>> -> memref<10240xf32, #tpu.memory_space<vmem_shared>>
    tpu.enqueue_indirect_dma source(%arg10 : memref<128xf32, #tpu.memory_space<vmem>>) target(%dma_start3A_591 : memref<10240xf32, #tpu.memory_space<vmem_shared>>) offsets(%dma_start3A_589 : memref<128xi32, #tpu.memory_space<vmem>>) semaphore(%arg20 : memref<!tpu.dma_semaphore, #tpu.memory_space<semaphore_mem>>) {add = true}
    %dma_wait3A_592 = arith.constant 1 : i32
    %dma_wait3A_593 = arith.constant 0 : i32
    %dma_wait3A_594 = tpu.memref_slice %arg4[%dma_wait3A_592, %dma_wait3A_593] : memref<2x128xi32, #tpu.memory_space<vmem>> -> memref<1x128xi32, #tpu.memory_space<vmem>>
    %dma_wait3A_595 = tpu.memref_squeeze %dma_wait3A_594 : memref<1x128xi32, #tpu.memory_space<vmem>> -> memref<128xi32, #tpu.memory_space<vmem>>
    %dma_wait3A_596 = arith.constant 0 : i32
    %dma_wait3A_597 = tpu.memref_slice %arg12[%dma_wait3A_596] : memref<10240xf32, #tpu.memory_space<vmem_shared>> -> memref<10240xf32, #tpu.memory_space<vmem_shared>>
    tpu.wait_indirect_dma semaphore(%arg19 : memref<!tpu.dma_semaphore, #tpu.memory_space<semaphore_mem>>) src(%arg10 : memref<128xf32, #tpu.memory_space<vmem>>) dst(%dma_wait3A_597 : memref<10240xf32, #tpu.memory_space<vmem_shared>>)
    %dma_wait3A_598 = arith.constant 1 : i32
    %dma_wait3A_599 = arith.constant 0 : i32
    %dma_wait3A_600 = tpu.memref_slice %arg4[%dma_wait3A_598, %dma_wait3A_599] : memref<2x128xi32, #tpu.memory_space<vmem>> -> memref<1x128xi32, #tpu.memory_space<vmem>>
    %dma_wait3A_601 = tpu.memref_squeeze %dma_wait3A_600 : memref<1x128xi32, #tpu.memory_space<vmem>> -> memref<128xi32, #tpu.memory_space<vmem>>
    %dma_wait3A_602 = arith.constant 0 : i32
    %dma_wait3A_603 = tpu.memref_slice %arg12[%dma_wait3A_602] : memref<10240xf32, #tpu.memory_space<vmem_shared>> -> memref<10240xf32, #tpu.memory_space<vmem_shared>>
    tpu.wait_indirect_dma semaphore(%arg20 : memref<!tpu.dma_semaphore, #tpu.memory_space<semaphore_mem>>) src(%arg10 : memref<128xf32, #tpu.memory_space<vmem>>) dst(%dma_wait3A_603 : memref<10240xf32, #tpu.memory_space<vmem_shared>>)
    %lt3A = arith.constant 4 : i32
    %lt3A_604 = arith.cmpi slt, %add3A, %lt3A : i32
    %convert_element_type3A = arith.extui %lt3A_604 : i1 to i32
    %cond3A = arith.constant 0 : i32
    %cond3A_605 = arith.cmpi ne, %convert_element_type3A, %cond3A : i32
    scf.if %cond3A_605 {
      %add3A_607 = arith.constant 2496 : i32
      %add3A_608 = arith.addi %add3A, %add3A_607 : i32
      %mul3A_609 = arith.constant 128 : i32
      %mul3A_610 = arith.muli %add3A_608, %mul3A_609 : i32
      "tpu.region"() ({
        %run_scoped3A_611 = tpu.sem_alloc : memref<!tpu.dma_semaphore, #tpu.memory_space<semaphore_mem>>
        %dma_start3A_612 = arith.constant 0 : i32
        %dma_start3A_613 = tpu.memref_slice %arg2[%dma_start3A_612, %mul3A_610] : memref<2x320000xi32, #tpu.memory_space<hbm>> -> memref<2x128xi32, #tpu.memory_space<hbm>>
        %dma_start3A_614 = arith.constant 0 : i32
        %dma_start3A_615 = tpu.memref_slice %arg2[%dma_start3A_614, %mul3A_610] : memref<2x320000xi32, #tpu.memory_space<hbm>> -> memref<2x128xi32, #tpu.memory_space<hbm>>
        tpu.enqueue_dma source(%dma_start3A_615 : memref<2x128xi32, #tpu.memory_space<hbm>>) target(%arg4 : memref<2x128xi32, #tpu.memory_space<vmem>>) target_semaphore(%run_scoped3A_611 : memref<!tpu.dma_semaphore, #tpu.memory_space<semaphore_mem>>)
        %dma_wait3A_616 = arith.constant 0 : i32
        %dma_wait3A_617 = tpu.memref_slice %arg2[%dma_wait3A_616, %mul3A_610] : memref<2x320000xi32, #tpu.memory_space<hbm>> -> memref<2x128xi32, #tpu.memory_space<hbm>>
        %dma_wait3A_618 = arith.constant 0 : i32
        %dma_wait3A_619 = tpu.memref_slice %arg2[%dma_wait3A_618, %mul3A_610] : memref<2x320000xi32, #tpu.memory_space<hbm>> -> memref<2x128xi32, #tpu.memory_space<hbm>>
        tpu.wait_dma2 semaphore(%run_scoped3A_611 : memref<!tpu.dma_semaphore, #tpu.memory_space<semaphore_mem>>) src(%dma_wait3A_619 : memref<2x128xi32, #tpu.memory_space<hbm>>) dst(%arg4 : memref<2x128xi32, #tpu.memory_space<vmem>>)
        tpu.yield
      }) : () -> ()
      %run_scoped3A = arith.constant 1 : i32
      "tpu.region"() ({
        %run_scoped3A_611 = tpu.sem_alloc : memref<!tpu.dma_semaphore, #tpu.memory_space<semaphore_mem>>
        %dma_start3A_612 = arith.constant 0 : i32
        %dma_start3A_613 = tpu.memref_slice %arg4[%run_scoped3A, %dma_start3A_612] : memref<2x128xi32, #tpu.memory_space<vmem>> -> memref<1x128xi32, #tpu.memory_space<vmem>>
        %dma_start3A_614 = tpu.memref_squeeze %dma_start3A_613 : memref<1x128xi32, #tpu.memory_space<vmem>> -> memref<128xi32, #tpu.memory_space<vmem>>
        %dma_start3A_615 = arith.constant 0 : i32
        %dma_start3A_616 = tpu.memref_slice %arg12[%dma_start3A_615] : memref<10240xf32, #tpu.memory_space<vmem_shared>> -> memref<10240xf32, #tpu.memory_space<vmem_shared>>
        tpu.enqueue_indirect_dma source(%arg10 : memref<128xf32, #tpu.memory_space<vmem>>) target(%dma_start3A_616 : memref<10240xf32, #tpu.memory_space<vmem_shared>>) offsets(%dma_start3A_614 : memref<128xi32, #tpu.memory_space<vmem>>) semaphore(%run_scoped3A_611 : memref<!tpu.dma_semaphore, #tpu.memory_space<semaphore_mem>>) {add = true}
        %dma_wait3A_617 = arith.constant 0 : i32
        %dma_wait3A_618 = tpu.memref_slice %arg4[%run_scoped3A, %dma_wait3A_617] : memref<2x128xi32, #tpu.memory_space<vmem>> -> memref<1x128xi32, #tpu.memory_space<vmem>>
        %dma_wait3A_619 = tpu.memref_squeeze %dma_wait3A_618 : memref<1x128xi32, #tpu.memory_space<vmem>> -> memref<128xi32, #tpu.memory_space<vmem>>
        %dma_wait3A_620 = arith.constant 0 : i32
        %dma_wait3A_621 = tpu.memref_slice %arg12[%dma_wait3A_620] : memref<10240xf32, #tpu.memory_space<vmem_shared>> -> memref<10240xf32, #tpu.memory_space<vmem_shared>>
        tpu.wait_indirect_dma semaphore(%run_scoped3A_611 : memref<!tpu.dma_semaphore, #tpu.memory_space<semaphore_mem>>) src(%arg10 : memref<128xf32, #tpu.memory_space<vmem>>) dst(%dma_wait3A_621 : memref<10240xf32, #tpu.memory_space<vmem_shared>>)
        tpu.yield
      }) : () -> ()
    } else {
    }
    %barrier3A_606 = arith.constant 0 : index
    tpu.barrier barrier_id(%barrier3A_606)
    "tpu.region"() ({
      %run_scoped3A = tpu.sem_alloc : memref<!tpu.dma_semaphore, #tpu.memory_space<semaphore_mem>>
      %dma_start3A_607 = tpu.memref_slice %arg3[%arg0, %mul3A_2] : memref<2x10240xf32, #tpu.memory_space<hbm>> -> memref<1x640xf32, #tpu.memory_space<hbm>>
      %dma_start3A_608 = tpu.memref_squeeze %dma_start3A_607 : memref<1x640xf32, #tpu.memory_space<hbm>> -> memref<640xf32, #tpu.memory_space<hbm>>
      %dma_start3A_609 = tpu.memref_slice %arg12[%mul3A_2] : memref<10240xf32, #tpu.memory_space<vmem_shared>> -> memref<640xf32, #tpu.memory_space<vmem_shared>>
      tpu.enqueue_dma source(%dma_start3A_609 : memref<640xf32, #tpu.memory_space<vmem_shared>>) target(%dma_start3A_608 : memref<640xf32, #tpu.memory_space<hbm>>) target_semaphore(%run_scoped3A : memref<!tpu.dma_semaphore, #tpu.memory_space<semaphore_mem>>)
      %dma_wait3A_610 = tpu.memref_slice %arg3[%arg0, %mul3A_2] : memref<2x10240xf32, #tpu.memory_space<hbm>> -> memref<1x640xf32, #tpu.memory_space<hbm>>
      %dma_wait3A_611 = tpu.memref_squeeze %dma_wait3A_610 : memref<1x640xf32, #tpu.memory_space<hbm>> -> memref<640xf32, #tpu.memory_space<hbm>>
      %dma_wait3A_612 = tpu.memref_slice %arg12[%mul3A_2] : memref<10240xf32, #tpu.memory_space<vmem_shared>> -> memref<640xf32, #tpu.memory_space<vmem_shared>>
      tpu.wait_dma2 semaphore(%run_scoped3A : memref<!tpu.dma_semaphore, #tpu.memory_space<semaphore_mem>>) src(%dma_wait3A_612 : memref<640xf32, #tpu.memory_space<vmem_shared>>) dst(%dma_wait3A_611 : memref<640xf32, #tpu.memory_space<hbm>>)
      tpu.yield
    }) : () -> ()
    return
  }
}

module attributes {stable_mosaic.version = 14 : i64} {
  func.func @_final_body(%arg0: i32, %arg1: memref<2x640x128xf32, #tpu.memory_space<vmem>>, %arg2: memref<640x128xf32, #tpu.memory_space<vmem>>, %arg3: memref<10240xf32, #tpu.memory_space<vmem>>, %arg4: memref<128x256xf32, #tpu.memory_space<vmem>>, %arg5: memref<256xf32, #tpu.memory_space<vmem>>, %arg6: memref<256x256xf32, #tpu.memory_space<vmem>>, %arg7: memref<256xf32, #tpu.memory_space<vmem>>, %arg8: memref<256x256xf32, #tpu.memory_space<vmem>>, %arg9: memref<256xf32, #tpu.memory_space<vmem>>, %arg10: memref<128x256xf32, #tpu.memory_space<vmem>>, %arg11: memref<128xf32, #tpu.memory_space<vmem>>, %arg12: memref<128x256xf32, #tpu.memory_space<vmem>>, %arg13: memref<128xf32, #tpu.memory_space<vmem>>, %arg14: memref<256xf32, #tpu.memory_space<vmem>>, %arg15: memref<256xf32, #tpu.memory_space<vmem>>, %arg16: memref<128xf32, #tpu.memory_space<vmem>>, %arg17: memref<128xf32, #tpu.memory_space<vmem>>, %arg18: memref<1x256xf32, #tpu.memory_space<vmem>>) attributes {dimension_semantics = [#tpu.dimension_semantics<arbitrary>], iteration_bounds = array<i64: 16>, scalar_prefetch = 0 : i64, scratch_operands = 1 : i64, tpu.core_type = #tpu.core_type<tc>, window_params = [{transform_indices = @transform_0, window_bounds = array<i64: 2, 640, 128>}, {transform_indices = @transform_1, window_bounds = array<i64: 640, 128>}, {pipeline_mode = #tpu.pipeline_mode<synchronous>, transform_indices = @transform_2, window_bounds = array<i64: 10240>}, {pipeline_mode = #tpu.pipeline_mode<synchronous>, transform_indices = @transform_3, window_bounds = array<i64: 128, 256>}, {pipeline_mode = #tpu.pipeline_mode<synchronous>, transform_indices = @transform_4, window_bounds = array<i64: 256>}, {pipeline_mode = #tpu.pipeline_mode<synchronous>, transform_indices = @transform_5, window_bounds = array<i64: 256, 256>}, {pipeline_mode = #tpu.pipeline_mode<synchronous>, transform_indices = @transform_6, window_bounds = array<i64: 256>}, {pipeline_mode = #tpu.pipeline_mode<synchronous>, transform_indices = @transform_7, window_bounds = array<i64: 256, 256>}, {pipeline_mode = #tpu.pipeline_mode<synchronous>, transform_indices = @transform_8, window_bounds = array<i64: 256>}, {pipeline_mode = #tpu.pipeline_mode<synchronous>, transform_indices = @transform_9, window_bounds = array<i64: 128, 256>}, {pipeline_mode = #tpu.pipeline_mode<synchronous>, transform_indices = @transform_10, window_bounds = array<i64: 128>}, {pipeline_mode = #tpu.pipeline_mode<synchronous>, transform_indices = @transform_11, window_bounds = array<i64: 128, 256>}, {pipeline_mode = #tpu.pipeline_mode<synchronous>, transform_indices = @transform_12, window_bounds = array<i64: 128>}, {pipeline_mode = #tpu.pipeline_mode<synchronous>, transform_indices = @transform_13, window_bounds = array<i64: 256>}, {pipeline_mode = #tpu.pipeline_mode<synchronous>, transform_indices = @transform_14, window_bounds = array<i64: 256>}, {pipeline_mode = #tpu.pipeline_mode<synchronous>, transform_indices = @transform_15, window_bounds = array<i64: 128>}, {pipeline_mode = #tpu.pipeline_mode<synchronous>, transform_indices = @transform_16, window_bounds = array<i64: 128>}]} {
    %mul3A = arith.constant 640 : i32
    %mul3A_0 = arith.muli %arg0, %mul3A : i32
    %get3A = arith.index_cast %mul3A_0 : i32 to index
    %get3A_1 = vector.load %arg3[%get3A] : memref<10240xf32, #tpu.memory_space<vmem>>, vector<640xf32>
    %reshape3A = vector.shape_cast %get3A_1 : vector<640xf32> to vector<640x1xf32>
    %get3A_2 = arith.constant 0 : index
    %get3A_3 = arith.constant 0 : index
    %get3A_4 = arith.constant 0 : index
    %get3A_5 = vector.load %arg1[%get3A_2, %get3A_3, %get3A_4] : memref<2x640x128xf32, #tpu.memory_space<vmem>>, vector<1x640x128xf32>
    %get3A_6 = vector.shape_cast %get3A_5 : vector<1x640x128xf32> to vector<640x128xf32>
    %get3A_7 = arith.constant 1 : index
    %get3A_8 = arith.constant 0 : index
    %get3A_9 = arith.constant 0 : index
    %get3A_10 = vector.load %arg1[%get3A_7, %get3A_8, %get3A_9] : memref<2x640x128xf32, #tpu.memory_space<vmem>>, vector<1x640x128xf32>
    %get3A_11 = vector.shape_cast %get3A_10 : vector<1x640x128xf32> to vector<640x128xf32>
    %add3A = arith.addf %get3A_6, %get3A_11 : vector<640x128xf32>
    %mul3A_12 = vector.broadcast %reshape3A : vector<640x1xf32> to vector<640x128xf32>
    %mul3A_13 = arith.mulf %mul3A_12, %add3A : vector<640x128xf32>
    %mul3A_14 = arith.mulf %reshape3A, %reshape3A : vector<640x1xf32>
    %get3A_15 = arith.constant 0 : index
    %get3A_16 = arith.constant 0 : index
    %get3A_17 = vector.load %arg2[%get3A_15, %get3A_16] : memref<640x128xf32, #tpu.memory_space<vmem>>, vector<640x128xf32>
    %mul3A_18 = vector.broadcast %mul3A_14 : vector<640x1xf32> to vector<640x128xf32>
    %mul3A_19 = arith.mulf %mul3A_18, %get3A_17 : vector<640x128xf32>
    %add3A_20 = arith.addf %mul3A_13, %mul3A_19 : vector<640x128xf32>
    %get3A_21 = arith.constant 0 : index
    %get3A_22 = arith.constant 0 : index
    %get3A_23 = vector.load %arg4[%get3A_21, %get3A_22] : memref<128x256xf32, #tpu.memory_space<vmem>>, vector<128x256xf32>
    %dot_general3A = arith.constant dense<0.000000e+00> : vector<640x256xf32>
    %dot_general3A_24 = tpu.matmul %add3A_20, %get3A_23, %dot_general3A {dimension_numbers = #tpu.dot_dimension_numbers<[1], [0], [0], [1], [0, 0, 1, 1], [], []>, transpose_lhs_hint = false} : vector<640x128xf32>, vector<128x256xf32>, vector<640x256xf32> -> vector<640x256xf32>
    %get3A_25 = arith.constant 0 : index
    %get3A_26 = vector.load %arg5[%get3A_25] : memref<256xf32, #tpu.memory_space<vmem>>, vector<256xf32>
    %broadcast_in_dim3A = vector.shape_cast %get3A_26 : vector<256xf32> to vector<1x256xf32>
    %add3A_27 = vector.broadcast %broadcast_in_dim3A : vector<1x256xf32> to vector<640x256xf32>
    %add3A_28 = arith.addf %dot_general3A_24, %add3A_27 : vector<640x256xf32>
    %max3A = arith.constant 0.000000e+00 : f32
    %max3A_29 = vector.broadcast %max3A : f32 to vector<640x256xf32>
    %max3A_30 = arith.maximumf %add3A_28, %max3A_29 : vector<640x256xf32>
    %mul3A_31 = arith.constant 640 : i32
    %mul3A_32 = arith.muli %arg0, %mul3A_31 : i32
    %iota3A = tpu.iota {dimensions = array<i32: 0>} : vector<640x1xi32>
    %add3A_33 = vector.broadcast %mul3A_32 : i32 to vector<640x1xi32>
    %add3A_34 = arith.addi %add3A_33, %iota3A : vector<640x1xi32>
    %lt3A = arith.constant 10000 : i32
    %lt3A_35 = vector.broadcast %lt3A : i32 to vector<640x1xi32>
    %lt3A_36 = arith.cmpi slt, %add3A_34, %lt3A_35 : vector<640x1xi32>
    %jit3A = arith.constant 0.000000e+00 : f32
    %broadcast_in_dim3A_37 = vector.shape_cast %lt3A_36 : vector<640x1xi1> to vector<640x1xi1>
    %broadcast_in_dim3A_38 = vector.broadcast %broadcast_in_dim3A_37 : vector<640x1xi1> to vector<640x256xi1>
    %broadcast_in_dim3A_39 = vector.broadcast %jit3A : f32 to vector<640x256xf32>
    %select_n3A = arith.select %broadcast_in_dim3A_38, %max3A_30, %broadcast_in_dim3A_39 : vector<640x256xi1>, vector<640x256xf32>
    %eq3A = arith.constant 0 : i32
    %eq3A_40 = arith.cmpi eq, %arg0, %eq3A : i32
    %convert_element_type3A = arith.extui %eq3A_40 : i1 to i32
    %cond3A = arith.constant 0 : i32
    %cond3A_41 = arith.cmpi ne, %convert_element_type3A, %cond3A : i32
    scf.if %cond3A_41 {
      %broadcast_in_dim3A_55 = arith.constant 0.000000e+00 : f32
      %broadcast_in_dim3A_56 = vector.broadcast %broadcast_in_dim3A_55 : f32 to vector<1x256xf32>
      %swap3A_57 = arith.constant 0 : index
      %swap3A_58 = arith.constant 0 : index
      %swap3A_59 = vector.load %arg18[%swap3A_57, %swap3A_58] : memref<1x256xf32, #tpu.memory_space<vmem>>, vector<1x256xf32>
      tpu.vector_store %arg18[%swap3A_57, %swap3A_58], %broadcast_in_dim3A_56 {strides = array<i32>} : memref<1x256xf32, #tpu.memory_space<vmem>>, vector<1x256xf32>,
    } else {
    }
    %get3A_42 = arith.constant 0 : index
    %get3A_43 = arith.constant 0 : index
    %get3A_44 = vector.load %arg18[%get3A_42, %get3A_43] : memref<1x256xf32, #tpu.memory_space<vmem>>, vector<1x256xf32>
    %reduce_sum3A = arith.constant dense<0.000000e+00> : vector<256xf32>
    %reduce_sum3A_45 = vector.multi_reduction <add>, %select_n3A, %reduce_sum3A [0] : vector<640x256xf32> to vector<256xf32>
    %broadcast_in_dim3A_46 = vector.shape_cast %reduce_sum3A_45 : vector<256xf32> to vector<1x256xf32>
    %add3A_47 = arith.addf %get3A_44, %broadcast_in_dim3A_46 : vector<1x256xf32>
    %swap3A = arith.constant 0 : index
    %swap3A_48 = arith.constant 0 : index
    %swap3A_49 = vector.load %arg18[%swap3A, %swap3A_48] : memref<1x256xf32, #tpu.memory_space<vmem>>, vector<1x256xf32>
    tpu.vector_store %arg18[%swap3A, %swap3A_48], %add3A_47 {strides = array<i32>} : memref<1x256xf32, #tpu.memory_space<vmem>>, vector<1x256xf32>,
    %eq3A_50 = arith.constant 15 : i32
    %eq3A_51 = arith.cmpi eq, %arg0, %eq3A_50 : i32
    %convert_element_type3A_52 = arith.extui %eq3A_51 : i1 to i32
    %cond3A_53 = arith.constant 0 : i32
    %cond3A_54 = arith.cmpi ne, %convert_element_type3A_52, %cond3A_53 : i32
    scf.if %cond3A_54 {
      %get3A_55 = arith.constant 0 : index
      %get3A_56 = arith.constant 0 : index
      %get3A_57 = vector.load %arg18[%get3A_55, %get3A_56] : memref<1x256xf32, #tpu.memory_space<vmem>>, vector<1x256xf32>
      %mul3A_58 = arith.constant 9.99999974E-5 : f32
      %mul3A_59 = vector.broadcast %mul3A_58 : f32 to vector<1x256xf32>
      %mul3A_60 = arith.mulf %get3A_57, %mul3A_59 : vector<1x256xf32>
      %get3A_61 = arith.constant 0 : index
      %get3A_62 = arith.constant 0 : index
      %get3A_63 = vector.load %arg6[%get3A_61, %get3A_62] : memref<256x256xf32, #tpu.memory_space<vmem>>, vector<256x256xf32>
      %dot_general3A_64 = arith.constant dense<0.000000e+00> : vector<1x256xf32>
      %dot_general3A_65 = tpu.matmul %mul3A_60, %get3A_63, %dot_general3A_64 {dimension_numbers = #tpu.dot_dimension_numbers<[1], [1], [0], [0], [0, 0, 1, 0], [], []>, transpose_lhs_hint = false} : vector<1x256xf32>, vector<256x256xf32>, vector<1x256xf32> -> vector<1x256xf32>
      %squeeze3A = vector.shape_cast %dot_general3A_65 : vector<1x256xf32> to vector<256xf32>
      %get3A_66 = arith.constant 0 : index
      %get3A_67 = vector.load %arg7[%get3A_66] : memref<256xf32, #tpu.memory_space<vmem>>, vector<256xf32>
      %add3A_68 = arith.addf %squeeze3A, %get3A_67 : vector<256xf32>
      %tanh3A = math.tanh %add3A_68 : vector<256xf32>
      %swap3A_69 = arith.constant 0 : index
      %swap3A_70 = vector.load %arg14[%swap3A_69] : memref<256xf32, #tpu.memory_space<vmem>>, vector<256xf32>
      tpu.vector_store %arg14[%swap3A_69], %tanh3A {strides = array<i32>} : memref<256xf32, #tpu.memory_space<vmem>>, vector<256xf32>,
      %get3A_71 = arith.constant 0 : index
      %get3A_72 = arith.constant 0 : index
      %get3A_73 = vector.load %arg8[%get3A_71, %get3A_72] : memref<256x256xf32, #tpu.memory_space<vmem>>, vector<256x256xf32>
      %dot_general3A_74 = arith.constant dense<0.000000e+00> : vector<1x256xf32>
      %dot_general3A_75 = tpu.matmul %mul3A_60, %get3A_73, %dot_general3A_74 {dimension_numbers = #tpu.dot_dimension_numbers<[1], [1], [0], [0], [0, 0, 1, 0], [], []>, transpose_lhs_hint = false} : vector<1x256xf32>, vector<256x256xf32>, vector<1x256xf32> -> vector<1x256xf32>
      %squeeze3A_76 = vector.shape_cast %dot_general3A_75 : vector<1x256xf32> to vector<256xf32>
      %get3A_77 = arith.constant 0 : index
      %get3A_78 = vector.load %arg9[%get3A_77] : memref<256xf32, #tpu.memory_space<vmem>>, vector<256xf32>
      %add3A_79 = arith.addf %squeeze3A_76, %get3A_78 : vector<256xf32>
      %tanh3A_80 = math.tanh %add3A_79 : vector<256xf32>
      %swap3A_81 = arith.constant 0 : index
      %swap3A_82 = vector.load %arg15[%swap3A_81] : memref<256xf32, #tpu.memory_space<vmem>>, vector<256xf32>
      tpu.vector_store %arg15[%swap3A_81], %tanh3A_80 {strides = array<i32>} : memref<256xf32, #tpu.memory_space<vmem>>, vector<256xf32>,
      %get3A_83 = arith.constant 0 : index
      %get3A_84 = arith.constant 0 : index
      %get3A_85 = vector.load %arg10[%get3A_83, %get3A_84] : memref<128x256xf32, #tpu.memory_space<vmem>>, vector<128x256xf32>
      %dot_general3A_86 = arith.constant dense<0.000000e+00> : vector<1x128xf32>
      %dot_general3A_87 = tpu.matmul %mul3A_60, %get3A_85, %dot_general3A_86 {dimension_numbers = #tpu.dot_dimension_numbers<[1], [1], [0], [0], [0, 0, 1, 0], [], []>, transpose_lhs_hint = false} : vector<1x256xf32>, vector<128x256xf32>, vector<1x128xf32> -> vector<1x128xf32>
      %squeeze3A_88 = vector.shape_cast %dot_general3A_87 : vector<1x128xf32> to vector<128xf32>
      %get3A_89 = arith.constant 0 : index
      %get3A_90 = vector.load %arg11[%get3A_89] : memref<128xf32, #tpu.memory_space<vmem>>, vector<128xf32>
      %add3A_91 = arith.addf %squeeze3A_88, %get3A_90 : vector<128xf32>
      %tanh3A_92 = math.tanh %add3A_91 : vector<128xf32>
      %swap3A_93 = arith.constant 0 : index
      %swap3A_94 = vector.load %arg16[%swap3A_93] : memref<128xf32, #tpu.memory_space<vmem>>, vector<128xf32>
      tpu.vector_store %arg16[%swap3A_93], %tanh3A_92 {strides = array<i32>} : memref<128xf32, #tpu.memory_space<vmem>>, vector<128xf32>,
      %get3A_95 = arith.constant 0 : index
      %get3A_96 = arith.constant 0 : index
      %get3A_97 = vector.load %arg12[%get3A_95, %get3A_96] : memref<128x256xf32, #tpu.memory_space<vmem>>, vector<128x256xf32>
      %dot_general3A_98 = arith.constant dense<0.000000e+00> : vector<1x128xf32>
      %dot_general3A_99 = tpu.matmul %mul3A_60, %get3A_97, %dot_general3A_98 {dimension_numbers = #tpu.dot_dimension_numbers<[1], [1], [0], [0], [0, 0, 1, 0], [], []>, transpose_lhs_hint = false} : vector<1x256xf32>, vector<128x256xf32>, vector<1x128xf32> -> vector<1x128xf32>
      %squeeze3A_100 = vector.shape_cast %dot_general3A_99 : vector<1x128xf32> to vector<128xf32>
      %get3A_101 = arith.constant 0 : index
      %get3A_102 = vector.load %arg13[%get3A_101] : memref<128xf32, #tpu.memory_space<vmem>>, vector<128xf32>
      %add3A_103 = arith.addf %squeeze3A_100, %get3A_102 : vector<128xf32>
      %tanh3A_104 = math.tanh %add3A_103 : vector<128xf32>
      %swap3A_105 = arith.constant 0 : index
      %swap3A_106 = vector.load %arg17[%swap3A_105] : memref<128xf32, #tpu.memory_space<vmem>>, vector<128xf32>
      tpu.vector_store %arg17[%swap3A_105], %tanh3A_104 {strides = array<i32>} : memref<128xf32, #tpu.memory_space<vmem>>, vector<128xf32>,
    } else {
    }
    return
  }
  func.func @transform_0(%arg0: i32) -> (i32, i32, i32) {
    %c0_i32 = arith.constant 0 : i32
    %c0_i32_0 = arith.constant 0 : i32
    %c0_i32_1 = arith.constant 0 : i32
    return %c0_i32, %arg0, %c0_i32_0 : i32, i32, i32
  }
  func.func @transform_1(%arg0: i32) -> (i32, i32) {
    %c0_i32 = arith.constant 0 : i32
    %c0_i32_0 = arith.constant 0 : i32
    return %arg0, %c0_i32 : i32, i32
  }
  func.func @transform_2(%arg0: i32) -> i32 {
    %c0_i32 = arith.constant 0 : i32
    %c0_i32_0 = arith.constant 0 : i32
    return %c0_i32 : i32
  }
  func.func @transform_3(%arg0: i32) -> (i32, i32) {
    %c0_i32 = arith.constant 0 : i32
    %c0_i32_0 = arith.constant 0 : i32
    %c0_i32_1 = arith.constant 0 : i32
    return %c0_i32, %c0_i32_0 : i32, i32
  }
  func.func @transform_4(%arg0: i32) -> i32 {
    %c0_i32 = arith.constant 0 : i32
    %c0_i32_0 = arith.constant 0 : i32
    return %c0_i32 : i32
  }
  func.func @transform_5(%arg0: i32) -> (i32, i32) {
    %c0_i32 = arith.constant 0 : i32
    %c0_i32_0 = arith.constant 0 : i32
    %c0_i32_1 = arith.constant 0 : i32
    return %c0_i32, %c0_i32_0 : i32, i32
  }
  func.func @transform_6(%arg0: i32) -> i32 {
    %c0_i32 = arith.constant 0 : i32
    %c0_i32_0 = arith.constant 0 : i32
    return %c0_i32 : i32
  }
  func.func @transform_7(%arg0: i32) -> (i32, i32) {
    %c0_i32 = arith.constant 0 : i32
    %c0_i32_0 = arith.constant 0 : i32
    %c0_i32_1 = arith.constant 0 : i32
    return %c0_i32, %c0_i32_0 : i32, i32
  }
  func.func @transform_8(%arg0: i32) -> i32 {
    %c0_i32 = arith.constant 0 : i32
    %c0_i32_0 = arith.constant 0 : i32
    return %c0_i32 : i32
  }
  func.func @transform_9(%arg0: i32) -> (i32, i32) {
    %c0_i32 = arith.constant 0 : i32
    %c0_i32_0 = arith.constant 0 : i32
    %c0_i32_1 = arith.constant 0 : i32
    return %c0_i32, %c0_i32_0 : i32, i32
  }
  func.func @transform_10(%arg0: i32) -> i32 {
    %c0_i32 = arith.constant 0 : i32
    %c0_i32_0 = arith.constant 0 : i32
    return %c0_i32 : i32
  }
  func.func @transform_11(%arg0: i32) -> (i32, i32) {
    %c0_i32 = arith.constant 0 : i32
    %c0_i32_0 = arith.constant 0 : i32
    %c0_i32_1 = arith.constant 0 : i32
    return %c0_i32, %c0_i32_0 : i32, i32
  }
  func.func @transform_12(%arg0: i32) -> i32 {
    %c0_i32 = arith.constant 0 : i32
    %c0_i32_0 = arith.constant 0 : i32
    return %c0_i32 : i32
  }
  func.func @transform_13(%arg0: i32) -> i32 {
    %c0_i32 = arith.constant 0 : i32
    %c0_i32_0 = arith.constant 0 : i32
    return %c0_i32 : i32
  }
  func.func @transform_14(%arg0: i32) -> i32 {
    %c0_i32 = arith.constant 0 : i32
    %c0_i32_0 = arith.constant 0 : i32
    return %c0_i32 : i32
  }
  func.func @transform_15(%arg0: i32) -> i32 {
    %c0_i32 = arith.constant 0 : i32
    %c0_i32_0 = arith.constant 0 : i32
    return %c0_i32 : i32
  }
  func.func @transform_16(%arg0: i32) -> i32 {
    %c0_i32 = arith.constant 0 : i32
    %c0_i32_0 = arith.constant 0 : i32
    return %c0_i32 : i32
  }
}

module attributes {stable_mosaic.version = 14 : i64} {
  func.func @_prep_body(%arg0: memref<2x10240xf32, #tpu.memory_space<vmem>>, %arg1: memref<10000x128xf32, #tpu.memory_space<vmem>>, %arg2: memref<10240x128xf32, #tpu.memory_space<vmem>>, %arg3: memref<10240xf32, #tpu.memory_space<vmem>>) attributes {dimension_semantics = [], scalar_prefetch = 0 : i64, scratch_operands = 0 : i64, tpu.core_type = #tpu.core_type<tc>} {
    %get3A = arith.constant 0 : index
    %get3A_0 = arith.constant 0 : index
    %get3A_1 = vector.load %arg0[%get3A, %get3A_0] : memref<2x10240xf32, #tpu.memory_space<vmem>>, vector<1x10240xf32>
    %get3A_2 = vector.shape_cast %get3A_1 : vector<1x10240xf32> to vector<10240xf32>
    %get3A_3 = arith.constant 1 : index
    %get3A_4 = arith.constant 0 : index
    %get3A_5 = vector.load %arg0[%get3A_3, %get3A_4] : memref<2x10240xf32, #tpu.memory_space<vmem>>, vector<1x10240xf32>
    %get3A_6 = vector.shape_cast %get3A_5 : vector<1x10240xf32> to vector<10240xf32>
    %add3A = arith.addf %get3A_2, %get3A_6 : vector<10240xf32>
    %add3A_7 = arith.constant 1.000000e+00 : f32
    %add3A_8 = vector.broadcast %add3A_7 : f32 to vector<10240xf32>
    %add3A_9 = arith.addf %add3A, %add3A_8 : vector<10240xf32>
    %rsqrt3A = math.rsqrt %add3A_9 : vector<10240xf32>
    %swap3A = arith.constant 0 : index
    %swap3A_10 = vector.load %arg3[%swap3A] : memref<10240xf32, #tpu.memory_space<vmem>>, vector<10240xf32>
    tpu.vector_store %arg3[%swap3A], %rsqrt3A {strides = array<i32>} : memref<10240xf32, #tpu.memory_space<vmem>>, vector<10240xf32>,
    %reshape3A = vector.shape_cast %rsqrt3A : vector<10240xf32> to vector<10240x1xf32>
    %get3A_11 = arith.constant 0 : index
    %get3A_12 = arith.constant 0 : index
    %get3A_13 = vector.load %arg1[%get3A_11, %get3A_12] : memref<10000x128xf32, #tpu.memory_space<vmem>>, vector<10000x128xf32>
    %slice3A = vector.extract_strided_slice %reshape3A {offsets = [0, 0], sizes = [10000, 1], strides = [1, 1]} : vector<10240x1xf32> to vector<10000x1xf32>
    %mul3A = vector.broadcast %slice3A : vector<10000x1xf32> to vector<10000x128xf32>
    %mul3A_14 = arith.mulf %get3A_13, %mul3A : vector<10000x128xf32>
    %swap3A_15 = arith.constant 0 : index
    %swap3A_16 = arith.constant 0 : index
    %swap3A_17 = vector.load %arg2[%swap3A_15, %swap3A_16] : memref<10240x128xf32, #tpu.memory_space<vmem>>, vector<10000x128xf32>
    tpu.vector_store %arg2[%swap3A_15, %swap3A_16], %mul3A_14 {strides = array<i32>} : memref<10240x128xf32, #tpu.memory_space<vmem>>, vector<10000x128xf32>,
    %broadcast_in_dim3A = arith.constant 0.000000e+00 : f32
    %broadcast_in_dim3A_18 = vector.broadcast %broadcast_in_dim3A : f32 to vector<240x128xf32>
    %swap3A_19 = arith.constant 10000 : index
    %swap3A_20 = arith.constant 0 : index
    %swap3A_21 = vector.load %arg2[%swap3A_19, %swap3A_20] : memref<10240x128xf32, #tpu.memory_space<vmem>>, vector<240x128xf32>
    tpu.vector_store %arg2[%swap3A_19, %swap3A_20], %broadcast_in_dim3A_18 {strides = array<i32>} : memref<10240x128xf32, #tpu.memory_space<vmem>>, vector<240x128xf32>,
    return
  }
}

</mosaic_0001>

<sc_bundles>
// kernel: kernel.6.cloned.1.call-start
scs
__scs_entry_jumppad:
0x0: {  	(pc) =	sbr.rel $0x88, $3  }
0x1: {  	(tag) =	ssettag $0x0;
	lr =	simm.s32 $0x1  }
0x2: {  	[smem:$0x3F95] =	sst lr;
	_ =	strace $0xD0000000  }
0x3: {  	_ = 	snop  }
0x4: {  	_ = 	snop  }
0x5: {  	_ = 	snop  }
0x6: {  	_ = 	snop  }
0x7: {  	_ = 	snop  }
__scs_overlays_trampoline_lowered:
0x8: {  	[smem:$0x3FA4] =	sst s0  }
0x9: {  	[smem:$0x3FA5] =	sst s1  }
0xa: {  	[smem:$0x3FA6] =	sst s2  }
0xb: {  	[smem:$0x3FA7] =	sst s3  }
0xc: {  	[smem:$0x3FA8] =	sst s4  }
0xd: {  	[smem:$0x3FA9] =	sst s5  }
0xe: {  	[smem:$0x3FAA] =	sst s6  }
0xf: {  	[smem:$0x3FAB] =	sst s7  }
0x10: {  	[smem:$0x3FAC] =	sst s8  }
0x11: {  	[smem:$0x3FAD] =	sst s9;
	s0 =	simm.s32 @!p0 $0x0  }
0x12: {  	s1 =	sld [smem:$0x3F93];
	s0 =	simm.s32 @p0 $0x1  }
0x13: {  	[smem:$0x3FAE] =	sst s0;
	s0 =	simm.s32 @!p1 $0x0  }
0x14: {  	s2 =	sld [smem:$0x3F92];
	s0 =	simm.s32 @p1 $0x1  }
0x15: {  	[smem:$0x3FAF] =	sst s0;
	s0 =	simm.s32 @!p2 $0x0  }
0x16: {  	s3 =	sld [smem:$0x3FDB];
	s0 =	simm.s32 @p2 $0x1  }
0x17: {  	s4 =	simm.s32 $0x1BF5;
	[smem:$0x3FB1] =	sst s0  }
0x18: {  	s0 =	sld [smem:$0x3F94];
	_ =	swait.ge [sflag:s4], $0x0  }
0x19: {  	s7 =	sld [smem:$0x3F95]  }
0x1a: {  	s8 =	sadd.s32 $0xFFFFE003, lr  }
0x1b: {  	s9 =	sadd.s32 $0xFFFFFEF7, lr;
	s5 =	simm.s32 $0xFFFFFFFF;
	p2 =	slt.u32 s8, $0xFFFFF086  }
0x1c: {  	p1 =	slt.u32 s9, $0xF7A;
	s5 =	simm.s32 @!p2 $0x0  }
0x1d: {  	s5 =	simm.s32 @p1 $0x1;
	p0 =	seq.s32 s7, s2  }
0x1e: {  	s7 =	smul.u32 @!p0 $0xF7A, s2;
	p2 =	seq.s32 @!p0 s5, $0x0  }
0x1f: {  	s9 =	smul.u32 $0xF7A, s1;
	s8 =	simm.s32 @!p0 $0x1BF5;
	p2 =	por !p2, p0  }
0x20: {  	[sflag:s8] =	ssyncset.s32 @!p0 $0xFFFFF086;
	s6 =	sadd.s32 @!p0 s3, s7;
	s7 =	simm.s32 @!p0 $0x108  }
0x21: {  	s3 =	sadd.s32 s3, s9;
	s6 =	sadd.s32 @!p0 $0x88, s6;
	s7 =	simm.s32 @p2 $0x1082  }
0x22: {  	[simem:s7], [sflag:s8] =	dma.local @!p0 [hbm:s6], $0xF7A  }
0x23: {  	s9 =	sor.u32 $0xD0000000, s2;
	s6 =	simm.s32 $0x108;
	_ =	swait.ge @!p0 [sflag:s8], $0x0  }
0x24: {  	s3 =	sadd.s32 $0x88, s3;
	s6 =	simm.s32 @!p1 $0x1082;
	[sflag:s4] =	ssyncset.s32 $0xFFFFF086  }
0x25: {  	[simem:s6], [sflag:s4] =	dma.local [hbm:s3], $0xF7A  }
0x26: {  	[smem:$0x3F95] =	sst s1;
	(tag) =	ssettag s2;
	_ =	strace s9  }
0x27: {  	s1 =	sld [smem:$0x3FA5]  }
0x28: {  	s2 =	sld [smem:$0x3FA6]  }
0x29: {  	s4 =	sld [smem:$0x3FA8]  }
0x2a: {  	p0 =	seq.s32 s5, $0x0;
	s5 =	sld [smem:$0x3FA9]  }
0x2b: {  	s6 =	sld [smem:$0x3FAA]  }
0x2c: {  	s7 =	sld [smem:$0x3FAB]  }
0x2d: {  	s3 =	simm.s32 $0x108;
	s8 =	sld [smem:$0x3FAC]  }
0x2e: {  	s3 =	simm.s32 @!p0 $0x1082;
	s9 =	sld [smem:$0x3FAD]  }
0x2f: {  	lr =	sadd.s32 s0, s3;
	s0 =	sld [smem:$0x3FA4]  }
0x30: {  	s3 =	sld [smem:$0x3FA7]  }
0x31: {  	[smem:$0x3FB0] =	sst s10  }
0x32: {  	s10 =	sld [smem:$0x3FAE];
	_ =	sdelay $0x3  }
0x33: {  	p0 =	seq.s32 s10, $0x1;
	s10 =	sld [smem:$0x3FB0];
	_ =	sdelay $0x3  }
0x34: {  	[smem:$0x3FB0] =	sst s10  }
0x35: {  	s10 =	sld [smem:$0x3FAF];
	_ =	sdelay $0x3  }
0x36: {  	p1 =	seq.s32 s10, $0x1;
	s10 =	sld [smem:$0x3FB0];
	_ =	sdelay $0x3  }
0x37: {  	[smem:$0x3FB0] =	sst s10  }
0x38: {  	s10 =	sld [smem:$0x3FB1]  }
0x39: {  	_ = 	snop;
	(pc) =	sbr.ind lr, $3  }
0x3a: {  	_ = 	snop  }
0x3b: {  	_ = 	snop  }
0x3c: {  	p2 =	seq.s32 s10, $0x1;
	s10 =	sld [smem:$0x3FB0]  }
0x3d: {  	_ =	shalt  }
0x3e: {  	_ =	shalt  }
0x3f: {  	_ =	shalt  }
0x40: {  	_ =	shalt  }
0x41: {  	_ =	shalt  }
0x42: {  	_ =	shalt  }
0x43: {  	_ =	shalt  }
0x44: {  	_ =	shalt  }
0x45: {  	_ =	shalt  }
0x46: {  	_ =	shalt  }
0x47: {  	_ =	shalt  }
0x48: {  	_ =	shalt  }
0x49: {  	_ =	shalt  }
0x4a: {  	_ =	shalt  }
0x4b: {  	_ =	shalt  }
0x4c: {  	_ =	shalt  }
0x4d: {  	_ =	shalt  }
0x4e: {  	_ =	shalt  }
0x4f: {  	_ =	shalt  }
0x50: {  	_ =	shalt  }
0x51: {  	_ =	shalt  }
0x52: {  	_ =	shalt  }
0x53: {  	_ =	shalt  }
0x54: {  	_ =	shalt  }
0x55: {  	_ =	shalt  }
0x56: {  	_ =	shalt  }
0x57: {  	_ =	shalt  }
0x58: {  	_ =	shalt  }
0x59: {  	_ =	shalt  }
0x5a: {  	_ =	shalt  }
0x5b: {  	_ =	shalt  }
0x5c: {  	_ =	shalt  }
0x5d: {  	_ =	shalt  }
0x5e: {  	_ =	shalt  }
0x5f: {  	_ =	shalt  }
0x60: {  	_ =	shalt  }
0x61: {  	_ =	shalt  }
0x62: {  	_ =	shalt  }
0x63: {  	_ =	shalt  }
0x64: {  	_ =	shalt  }
0x65: {  	_ =	shalt  }
0x66: {  	_ =	shalt  }
0x67: {  	_ =	shalt  }
0x68: {  	_ =	shalt  }
0x69: {  	_ =	shalt  }
0x6a: {  	_ =	shalt  }
0x6b: {  	_ =	shalt  }
0x6c: {  	_ =	shalt  }
0x6d: {  	_ =	shalt  }
0x6e: {  	_ =	shalt  }
0x6f: {  	_ =	shalt  }
0x70: {  	_ =	shalt  }
0x71: {  	_ =	shalt  }
0x72: {  	_ =	shalt  }
0x73: {  	_ =	shalt  }
0x74: {  	_ =	shalt  }
0x75: {  	_ =	shalt  }
0x76: {  	_ =	shalt  }
0x77: {  	_ =	shalt  }
0x78: {  	_ =	shalt  }
0x79: {  	_ =	shalt  }
0x7a: {  	_ =	shalt  }
0x7b: {  	_ =	shalt  }
0x7c: {  	_ =	shalt  }
0x7d: {  	_ =	shalt  }
0x7e: {  	_ =	shalt  }
0x7f: {  	_ =	shalt  }
0x80: {  	_ =	shalt  }
0x81: {  	_ =	shalt  }
0x82: {  	_ =	shalt  }
0x83: {  	_ =	shalt  }
0x84: {  	_ =	shalt  }
0x85: {  	_ =	shalt  }
0x86: {  	_ =	shalt  }
0x87: {  	_ =	shalt  }
.Lfunc_end0:
.L_simem_size_0:
called_computation_lowered:
.L_overlay_start_0:
0x88: {  	s2 =	sld [smem:$0x3FD9]  }
0x89: {  	s3 =	sld [smem:$0x3FFE];
	_ =	sdelay $0x1  }
0x8a: {  	s1 =	srdreg.scid  }
0x8b: {  	s0 =	sand.u32 $0x1, s1  }
0x8c: {  	s17 =	sshll.u32 s0, $0xA;
	s2 =	sadd.s32 s3, s2  }
0x8d: {  	s2 =	sadd.s32 s2, s17  }
0x8e: {  	[smem:$0x3FBC] =	sst s2  }
0x8f: {  	_ = 	snop  }
0x90: {  	s2 =	sld [smem:$0x3FC8];
	(tm) =	ssettm $0x1  }
0x91: {  	s18 =	sld [smem:$0x3FFB];
	_ =	sdelay $0x3  }
0x92: {  	_ =	strace s18  }
0x93: {  	s3 =	sld [smem:$0x3FFC];
	_ =	sdelay $0x3  }
0x94: {  	_ =	strace s3  }
0x95: {  	s3 =	sld [smem:$0x3FFD];
	_ =	sdelay $0x3  }
0x96: {  	_ =	strace s3  }
0x97: {  	_ =	strace $0x8FFFFFFF  }
0x98: {  	s19 =	sld [smem:$0x3FDB];
	_ =	sdelay $0x1  }
0x99: {  	s4 =	simm.s32 $_scs_section_size  }
0x9a: {  	s5 =	simm.s32 $_size__tile_overlayer_lowered;
	s6 =	simm.s32 $_tile_overlayer_lowered  }
0x9b: {  	s22 =	simm.s32 $0x1BFF;
	s21 =	sshll.u32 s6, $0x1;
	s3 =	sadd.s32 s4, s19  }
0x9c: {  	s7 =	simm.s32 $0x0;
	s20 =	sshll.u32 s5, $0x1;
	s5 =	sadd.s32 s21, s3  }
0x9d: {  	[timem:s7], [sflag:s22] =	dma.local [hbm:s5], s20  }
0x9e: {  	_ =	swait.ge [sflag:s22], s20  }
0x9f: {  	s4 =	ssub.s32 $0x0, s20;
	[sflag:s22] =	ssyncset.done $0x0  }
0xa0: {  	[sflag:s22] =	ssyncadd.s32 s4;
	_ =	sdelay $0x1  }
0xa1: {  	s23 =	simm.s32 $0x1B8B  }
0xa2: {  	_ =	swait.ge [sflag:s23], $0x1  }
0xa3: {  	[sflag:s23] =	ssyncset.done $0x0  }
0xa4: {  	s25 =	simm.s32 $0x1B8E;
	s24 =	sld [smem:$0x3FFE];
	[sflag:s23] =	ssyncadd.s32 $0xFFFFFFFF  }
0xa5: {  	s26 =	simm.s32 $execute0_lowered;
	[smem:$0x3FD2] =	sst s25  }
0xa6: {  	s5 =	sshll.u32 s26, $0x1;
	_ =	strace $0x80000046;
	[dreg:$0x1] =	wrdreg $0xFFFFFFFF  }
0xa7: {  	s28 =	simm.s32 $_size_execute0_lowered;
	s3 =	sadd.s32 s3, s5;
	[dreg:$0x0] =	wrdreg $0x0  }
0xa8: {  	s5 =	sshll.u32 s28, $0x1;
	[dreg:$0x2] =	wrdreg s3  }
0xa9: {  	[dreg:$0x3] =	wrdreg s5  }
0xaa: {  	[dreg:$0x4] =	wrdreg $0xC0  }
0xab: {  	_ =	task [dreg:s7], $0x5FFFF  }
0xac: {  	[dreg:$0x1] =	wrdreg $0xFFFFFFFF  }
0xad: {  	[dreg:$0x0] =	wrdreg $0x60  }
0xae: {  	[dreg:$0x2] =	wrdreg s2  }
0xaf: {  	[dreg:$0x3] =	wrdreg s24  }
0xb0: {  	[dreg:$0x4] =	wrdreg $0x9000  }
0xb1: {  	[dreg:$0x5] =	wrdreg $0x9  }
0xb2: {  	_ =	task.clear_ibuf [dreg:s7], $0x6FFFF;
	_ =	strace $0x90000046  }
0xb3: {  	s29 =	simm.s32 $0x9;
	_ =	strace $0x80000048  }
0xb4: {  	_ =	swait.ge [sflag:s29], $0x1  }
0xb5: {  	[sflag:s29] =	ssyncadd.s32 $0xFFFFFFFF  }
0xb6: {  	_ =	strace $0x90000048  }
0xb7: {  	_ =	sfence  }
0xb8: {  	s30 =	sld [smem:$0x0];
	_ =	sdelay $0x2  }
0xb9: {  	s31 =	sshll.u32 s1, $0xD;
	s1 =	sshrl.u32 s1, $0x2  }
0xba: {  	s3 =	sand.u32 $0x4000, s31;
	s1 =	sadd.s32 s1, s30  }
0xbb: {  	s0 =	sor.u32 s3, s0;
	s1 =	sshll.u32 s1, $0x11  }
0xbc: {  	s0 =	sor.u32 s1, s0  }
0xbd: {  	s0 =	sadd.s32 $0x8F2B, s0  }
0xbe: {  	[sflag:s0] =	ssyncadd.remote.s32 $0x1  }
0xbf: {  	_ =	sfence.sel $0xFFFF  }
0xc0: {  	[dreg:$0x0] =	wrdreg $0xFFFFFFFF;
	(pc) =	sbr.abs _section_cstart, $3  }
0xc1: {  	[dreg:$0x1] =	wrdreg $0xFFFFFFFF  }
0xc2: {  	_ =	task.clear_ibuf [dreg:s7], $0x2FFFF;
	_ =	strace $0x9FFFFFFF  }
0xc3: {  	(tm) =	ssettm $0x7FFFFFFF  }
tec
execute0_lowered:
.L_overlay_start_1:
0x0: {  	(tag) =	ssettag $0x1  }
0x1: {  	s0 =	rddreg [dreg:$0x0]  }
0x2: {  	s1 =	rddreg [dreg:$0x1];
	s3 =	srdreg.scid  }
0x3: {  	s10 =	stileid.u32;
	s2 =	rddreg [dreg:$0x2]  }
0x4: {  	s28 =	simm.s32 $0x600;
	s29 =	simm.s32 $0x300;
	s30 =	simm.s32 $0x2  }
0x5: {  	s31 =	simm.s32 $0x180;
	s5 =	sand.u32 $0x1, s3;
	s4 =	smul.u32 $0x500, s10  }
0x6: {  	s3 =	simm.s32 $0x0;
	s7 =	smul.u32 $0xA00, s10;
	s11 =	sshll.u32 s10, $0x6  }
0x7: {  	p0 =	sgt.u32 s10, $0x1;
	s10 =	simm.s32 $0x8;
	s8 =	sshll.u32 s5, $0x5  }
0x8: {  	s6 =	sshll.u32 s5, $0x7;
	[smem:$0x7FF] =	sst s3;
	s13 =	sor.u32 s8, s11  }
0x9: {  	s12 =	ssub.s32 $0x2, s5;
	s4 =	sor.u32 s6, s4;
	s5 =	sadd.s32 s0, s13  }
0xa: {  	_ =	strace $0x80000047;
	[dreg:$0x13] =	wrdreg s11;
	s14 =	sadd.s32 $0x400, s5  }
0xb: {  	s9 =	sshrl.u32 s12, $0x1;
	s15 =	sadd.s32 $0x800, s5;
	[dreg:$0x5] =	wrdreg s14  }
0xc: {  	s7 =	sshrl.u32 s7, $0x2;
	s16 =	sadd.s32 $0xC00, s5;
	[dreg:$0x6] =	wrdreg s15  }
0xd: {  	s6 =	sshrl.u32 s4, $0x3;
	s17 =	sadd.s32 $0x1000, s5;
	[dreg:$0x7] =	wrdreg s16  }
0xe: {  	s9 =	ssub.s32 s12, s9;
	s18 =	sadd.s32 $0x1400, s5;
	[dreg:$0x8] =	wrdreg s17  }
0xf: {  	s0 =	sadd.s32 s11, s0;
	s19 =	sadd.s32 $0x1800, s5;
	[dreg:$0x9] =	wrdreg s18  }
0x10: {  	s11 =	simm.s32 $0x380;
	s20 =	sadd.s32 $0x1C00, s5;
	[dreg:$0xa] =	wrdreg s19  }
0x11: {  	s12 =	simm.s32 $0x5;
	s21 =	sadd.s32 $0x2000, s5;
	[dreg:$0xb] =	wrdreg s20  }
0x12: {  	s13 =	simm.s32 $0x480;
	s22 =	sadd.s32 $0x12C00, s5;
	[dreg:$0xc] =	wrdreg s21  }
0x13: {  	s1 =	sadd.s32 s6, s1;
	s23 =	sadd.s32 $0x13000, s5;
	[dreg:$0xd] =	wrdreg s22  }
0x14: {  	s6 =	sadd.s32 s7, s2;
	s24 =	sadd.s32 $0x13400, s5;
	[dreg:$0xe] =	wrdreg s23  }
0x15: {  	s25 =	sadd.s32 $0x13800, s5;
	s26 =	smax.u32 s9, $0x1;
	[dreg:$0xf] =	wrdreg s24  }
0x16: {  	s0 =	sadd.s32 s8, s0;
	s7 =	simm.s32 $0x280;
	[dreg:$0x10] =	wrdreg s25  }
0x17: {  	s8 =	simm.s32 $0x500;
	s9 =	simm.s32 $0x4;
	[dreg:$0x12] =	wrdreg s26  }
0x18: {  	s1 =	sadd.s32 $0x2600, s1;
	[dreg:$0x4] =	wrdreg s0;
	s22 =	simm.s32 $0x9  }
0x19: {  	s23 =	simm.s32 $0x100;
	s24 =	simm.s32 $0x200;
	s25 =	simm.s32 $0x1  }
0x1a: {  	s26 =	simm.s32 $0x80;
	s0 =	simm.s32 $0x3;
	s21 =	simm.s32 $0x7  }
0x1b: {  	s14 =	simm.s32 $0x6;
	s15 =	simm.s32 $0x580;
	s16 =	simm.s32 $0x0  }
0x1c: {  	v0 =	vimm.f32 $1.000000000e+00;
	v1 =	vimm.f32 $0.0e+00;
	s20 =	simm.s32 $0x20;
	[dreg:$0x11] =	wrdreg s1;
	s1 =	simm.s32 $0x400  }
.LBB2_1:
0x1d: {  	[tilespmem:$0x600] =	vst v0  }
0x1e: {  	[tilespmem:$0x610] =	vst v0  }
0x1f: {  	[tilespmem:$0x620] =	vst v0  }
0x20: {  	[tilespmem:$0x630] =	vst v0  }
0x21: {  	[tilespmem:$0x640] =	vst v0  }
0x22: {  	[tilespmem:$0x650] =	vst v0  }
0x23: {  	[tilespmem:$0x660] =	vst v0  }
0x24: {  	[tilespmem:$0x670] =	vst v0  }
0x25: {  	[tilespmem:$0x680] =	vst v1  }
0x26: {  	[tilespmem:$0x690] =	vst v1  }
0x27: {  	[tilespmem:$0x6A0] =	vst v1  }
0x28: {  	[tilespmem:$0x6B0] =	vst v1  }
0x29: {  	[tilespmem:$0x6C0] =	vst v1  }
0x2a: {  	[tilespmem:$0x6D0] =	vst v1  }
0x2b: {  	[tilespmem:$0x6E0] =	vst v1  }
0x2c: {  	[tilespmem:$0x6F0] =	vst v1  }
0x2d: {  	[tilespmem:$0x700] =	vst v1  }
0x2e: {  	[tilespmem:$0x710] =	vst v1  }
0x2f: {  	[tilespmem:$0x720] =	vst v1  }
0x30: {  	[tilespmem:$0x730] =	vst v1  }
0x31: {  	[tilespmem:$0x740] =	vst v1  }
0x32: {  	[tilespmem:$0x750] =	vst v1  }
0x33: {  	[tilespmem:$0x760] =	vst v1  }
0x34: {  	[tilespmem:$0x770] =	vst v1  }
0x35: {  	[tilespmem:$0x780] =	vst v1  }
0x36: {  	[tilespmem:$0x790] =	vst v1  }
0x37: {  	[tilespmem:$0x7A0] =	vst v1  }
0x38: {  	[tilespmem:$0x7B0] =	vst v1  }
0x39: {  	[tilespmem:$0x7C0] =	vst v1  }
0x3a: {  	[tilespmem:$0x7D0] =	vst v1  }
0x3b: {  	[tilespmem:$0x7E0] =	vst v1  }
0x3c: {  	[tilespmem:$0x7F0] =	vst v1  }
0x3d: {  	[tilespmem:$0x800] =	vst v1  }
0x3e: {  	[tilespmem:$0x810] =	vst v1  }
0x3f: {  	[tilespmem:$0x820] =	vst v1  }
0x40: {  	[tilespmem:$0x830] =	vst v1  }
0x41: {  	[tilespmem:$0x840] =	vst v1  }
0x42: {  	[tilespmem:$0x850] =	vst v1  }
0x43: {  	[tilespmem:$0x860] =	vst v1  }
0x44: {  	[tilespmem:$0x870] =	vst v1  }
0x45: {  	[tilespmem:$0x880] =	vst v1  }
0x46: {  	[tilespmem:$0x890] =	vst v1  }
0x47: {  	[tilespmem:$0x8A0] =	vst v1  }
0x48: {  	[tilespmem:$0x8B0] =	vst v1  }
0x49: {  	[tilespmem:$0x8C0] =	vst v1  }
0x4a: {  	[tilespmem:$0x8D0] =	vst v1  }
0x4b: {  	[tilespmem:$0x8E0] =	vst v1  }
0x4c: {  	[tilespmem:$0x8F0] =	vst v1;
	s17 =	simm.s32 $0x680  }
0x4d: {  	[spmem:s6] =	stream.linear.scatter [tilespmem:s17], [sflag:$0x9], $0x280, $0x38;
	[tilespmem:$0xB80] =	vst v63  }
0x4e: {  	_ =	swait.ge [sflag:s22], $0x280  }
0x4f: {  	[sflag:s22] =	ssyncset.done $0x0  }
0x50: {  	[sflag:s22] =	ssyncadd.s32 $0xFFFFFD80  }
0x51: {  	[bflag:$0x0] =	sbarrier.arrive $0xFFFF  }
0x52: {  	[tilespmem:s3], [sflag:$0x1] =	stream.linear.gather [hbm4b:s5+s3], $0x100, $0x38;
	[tilespmem:$0xB80] =	vst v63  }
0x53: {  	s4 =	rddreg [dreg:$0x5]  }
0x54: {  	[tilespmem:s23], [sflag:$0x2] =	stream.linear.gather [hbm4b:s4+s3], $0x100, $0x38;
	[tilespmem:$0xB80] =	vst v63  }
0x55: {  	s18 =	rddreg [dreg:$0x6]  }
0x56: {  	[tilespmem:s24], [sflag:$0x3] =	stream.linear.gather [hbm4b:s18+s3], $0x100, $0x38;
	[tilespmem:$0xB80] =	vst v63  }
0x57: {  	_ =	swait.ge [sflag:s25], $0x100  }
0x58: {  	[sflag:s25] =	ssyncset.done $0x0  }
0x59: {  	[sflag:s25] =	ssyncadd.s32 $0xFFFFFF00  }
0x5a: {  	[spmem:s2] =	stream.indirect.scatter.add.f32 [tilespmem:s28], [sflag:$0x7], $0x1, s26, s26, $0xb8;
	[tilespmem:$0xB80] =	vst v63  }
0x5b: {  	s19 =	rddreg [dreg:$0x7]  }
0x5c: {  	[tilespmem:s29], [sflag:$0x4] =	stream.linear.gather [hbm4b:s19+s3], $0x100, $0x38;
	[tilespmem:$0xB80] =	vst v63  }
0x5d: {  	_ =	swait.ge [sflag:s30], $0x100  }
0x5e: {  	[sflag:s30] =	ssyncset.done $0x0  }
0x5f: {  	[sflag:s30] =	ssyncadd.s32 $0xFFFFFF00  }
0x60: {  	[spmem:s2] =	stream.indirect.scatter.add.f32 [tilespmem:s28], [sflag:$0x8], $0x1, s31, s26, $0xb8;
	[tilespmem:$0xB80] =	vst v63  }
0x61: {  	s4 =	rddreg [dreg:$0x8]  }
0x62: {  	[tilespmem:s1], [sflag:$0x5] =	stream.linear.gather [hbm4b:s4+s3], $0x100, $0x38;
	[tilespmem:$0xB80] =	vst v63  }
0x63: {  	_ =	swait.ge [sflag:s0], $0x100  }
0x64: {  	[sflag:s0] =	ssyncset.done $0x0  }
0x65: {  	[sflag:s0] =	ssyncadd.s32 $0xFFFFFF00  }
0x66: {  	_ =	swait.ge [sflag:s21], $0x80  }
0x67: {  	[sflag:s21] =	ssyncset.done $0x0  }
0x68: {  	[sflag:s21] =	ssyncadd.s32 $0xFFFFFF80  }
0x69: {  	[spmem:s2] =	stream.indirect.scatter.add.f32 [tilespmem:s28], [sflag:$0x7], $0x1, s7, s26, $0xb8;
	[tilespmem:$0xB80] =	vst v63  }
0x6a: {  	s18 =	rddreg [dreg:$0x9]  }
0x6b: {  	[tilespmem:s8], [sflag:$0x6] =	stream.linear.gather [hbm4b:s18+s3], $0x100, $0x38;
	[tilespmem:$0xB80] =	vst v63  }
0x6c: {  	_ =	swait.ge [sflag:s9], $0x100  }
0x6d: {  	[sflag:s9] =	ssyncset.done $0x0  }
0x6e: {  	[sflag:s9] =	ssyncadd.s32 $0xFFFFFF00  }
0x6f: {  	_ =	swait.ge [sflag:s10], $0x80  }
0x70: {  	[sflag:s10] =	ssyncset.done $0x0  }
0x71: {  	[sflag:s10] =	ssyncadd.s32 $0xFFFFFF80  }
0x72: {  	[spmem:s2] =	stream.indirect.scatter.add.f32 [tilespmem:s28], [sflag:$0x8], $0x1, s11, s26, $0xb8;
	[tilespmem:$0xB80] =	vst v63  }
0x73: {  	s19 =	rddreg [dreg:$0xa]  }
0x74: {  	[tilespmem:s3], [sflag:$0x1] =	stream.linear.gather [hbm4b:s19+s3], $0x100, $0x38;
	[tilespmem:$0xB80] =	vst v63  }
0x75: {  	_ =	swait.ge [sflag:s12], $0x100  }
0x76: {  	[sflag:s12] =	ssyncset.done $0x0  }
0x77: {  	[sflag:s12] =	ssyncadd.s32 $0xFFFFFF00  }
0x78: {  	_ =	swait.ge [sflag:s21], $0x80  }
0x79: {  	[sflag:s21] =	ssyncset.done $0x0  }
0x7a: {  	[sflag:s21] =	ssyncadd.s32 $0xFFFFFF80  }
0x7b: {  	[spmem:s2] =	stream.indirect.scatter.add.f32 [tilespmem:s28], [sflag:$0x7], $0x1, s13, s26, $0xb8;
	[tilespmem:$0xB80] =	vst v63  }
0x7c: {  	s4 =	rddreg [dreg:$0xb]  }
0x7d: {  	[tilespmem:s23], [sflag:$0x2] =	stream.linear.gather [hbm4b:s4+s3], $0x100, $0x38;
	[tilespmem:$0xB80] =	vst v63  }
0x7e: {  	_ =	swait.ge [sflag:s14], $0x100  }
0x7f: {  	[sflag:s14] =	ssyncset.done $0x0  }
0x80: {  	[sflag:s14] =	ssyncadd.s32 $0xFFFFFF00  }
0x81: {  	_ =	swait.ge [sflag:s10], $0x80  }
0x82: {  	[sflag:s10] =	ssyncset.done $0x0  }
0x83: {  	[sflag:s10] =	ssyncadd.s32 $0xFFFFFF80  }
0x84: {  	[spmem:s2] =	stream.indirect.scatter.add.f32 [tilespmem:s28], [sflag:$0x8], $0x1, s15, s26, $0xb8;
	[tilespmem:$0xB80] =	vst v63  }
0x85: {  	s18 =	rddreg [dreg:$0xc]  }
0x86: {  	[tilespmem:s24], [sflag:$0x3] =	stream.linear.gather [hbm4b:s18+s3], $0x100, $0x38;
	[tilespmem:$0xB80] =	vst v63  }
0x87: {  	_ =	swait.ge [sflag:s25], $0x100  }
0x88: {  	[sflag:s25] =	ssyncset.done $0x0  }
0x89: {  	[sflag:s25] =	ssyncadd.s32 $0xFFFFFF00  }
0x8a: {  	_ =	swait.ge [sflag:s21], $0x80  }
0x8b: {  	[sflag:s21] =	ssyncset.done $0x0;
	s19 =	rddreg [dreg:$0x4]  }
0x8c: {  	[sflag:s21] =	ssyncadd.s32 $0xFFFFFF80;
	s18 =	sadd.s32 $0x0, s19  }
0x8d: {  	[spmem:s2] =	stream.indirect.scatter.add.f32 [tilespmem:s28], [sflag:$0x7], $0x1, s26, s26, $0xb8;
	[tilespmem:$0xB80] =	vst v63  }
0x8e: {  	s17 =	sadd.s32 $0x2400, s18  }
0x8f: {  	[tilespmem:s29], [sflag:$0x4] =	stream.linear.gather [hbm4b:s17+s3], $0x100, $0x38;
	[tilespmem:$0xB80] =	vst v63  }
0x90: {  	_ =	swait.ge [sflag:s30], $0x100  }
0x91: {  	[sflag:s30] =	ssyncset.done $0x0  }
0x92: {  	[sflag:s30] =	ssyncadd.s32 $0xFFFFFF00  }
0x93: {  	_ =	swait.ge [sflag:s10], $0x80  }
0x94: {  	[sflag:s10] =	ssyncset.done $0x0  }
0x95: {  	[sflag:s10] =	ssyncadd.s32 $0xFFFFFF80  }
0x96: {  	[spmem:s2] =	stream.indirect.scatter.add.f32 [tilespmem:s28], [sflag:$0x8], $0x1, s31, s26, $0xb8;
	[tilespmem:$0xB80] =	vst v63  }
0x97: {  	s4 =	sadd.s32 $0x2800, s18  }
0x98: {  	[tilespmem:s1], [sflag:$0x5] =	stream.linear.gather [hbm4b:s4+s3], $0x100, $0x38;
	[tilespmem:$0xB80] =	vst v63  }
0x99: {  	_ =	swait.ge [sflag:s0], $0x100  }
0x9a: {  	[sflag:s0] =	ssyncset.done $0x0  }
0x9b: {  	[sflag:s0] =	ssyncadd.s32 $0xFFFFFF00  }
0x9c: {  	_ =	swait.ge [sflag:s21], $0x80  }
0x9d: {  	[sflag:s21] =	ssyncset.done $0x0  }
0x9e: {  	[sflag:s21] =	ssyncadd.s32 $0xFFFFFF80  }
0x9f: {  	[spmem:s2] =	stream.indirect.scatter.add.f32 [tilespmem:s28], [sflag:$0x7], $0x1, s7, s26, $0xb8;
	[tilespmem:$0xB80] =	vst v63  }
0xa0: {  	s19 =	sadd.s32 $0x2C00, s18  }
0xa1: {  	[tilespmem:s8], [sflag:$0x6] =	stream.linear.gather [hbm4b:s19+s3], $0x100, $0x38;
	[tilespmem:$0xB80] =	vst v63  }
0xa2: {  	_ =	swait.ge [sflag:s9], $0x100  }
0xa3: {  	[sflag:s9] =	ssyncset.done $0x0  }
0xa4: {  	[sflag:s9] =	ssyncadd.s32 $0xFFFFFF00  }
0xa5: {  	_ =	swait.ge [sflag:s10], $0x80  }
0xa6: {  	[sflag:s10] =	ssyncset.done $0x0  }
0xa7: {  	[sflag:s10] =	ssyncadd.s32 $0xFFFFFF80  }
0xa8: {  	[spmem:s2] =	stream.indirect.scatter.add.f32 [tilespmem:s28], [sflag:$0x8], $0x1, s11, s26, $0xb8;
	[tilespmem:$0xB80] =	vst v63  }
0xa9: {  	s4 =	sadd.s32 $0x3000, s18  }
0xaa: {  	[tilespmem:s3], [sflag:$0x1] =	stream.linear.gather [hbm4b:s4+s3], $0x100, $0x38;
	[tilespmem:$0xB80] =	vst v63  }
0xab: {  	_ =	swait.ge [sflag:s12], $0x100  }
0xac: {  	[sflag:s12] =	ssyncset.done $0x0  }
0xad: {  	[sflag:s12] =	ssyncadd.s32 $0xFFFFFF00  }
0xae: {  	_ =	swait.ge [sflag:s21], $0x80  }
0xaf: {  	[sflag:s21] =	ssyncset.done $0x0  }
0xb0: {  	[sflag:s21] =	ssyncadd.s32 $0xFFFFFF80  }
0xb1: {  	[spmem:s2] =	stream.indirect.scatter.add.f32 [tilespmem:s28], [sflag:$0x7], $0x1, s13, s26, $0xb8;
	[tilespmem:$0xB80] =	vst v63  }
0xb2: {  	s19 =	sadd.s32 $0x3400, s18  }
0xb3: {  	[tilespmem:s23], [sflag:$0x2] =	stream.linear.gather [hbm4b:s19+s3], $0x100, $0x38;
	[tilespmem:$0xB80] =	vst v63  }
0xb4: {  	_ =	swait.ge [sflag:s14], $0x100  }
0xb5: {  	[sflag:s14] =	ssyncset.done $0x0  }
0xb6: {  	[sflag:s14] =	ssyncadd.s32 $0xFFFFFF00  }
0xb7: {  	_ =	swait.ge [sflag:s10], $0x80  }
0xb8: {  	[sflag:s10] =	ssyncset.done $0x0  }
0xb9: {  	s17 =	simm.s32 $0x1800;
	s18 =	sadd.s32 $0x3800, s18;
	[sflag:s10] =	ssyncadd.s32 $0xFFFFFF80  }
0xba: {  	[spmem:s2] =	stream.indirect.scatter.add.f32 [tilespmem:s28], [sflag:$0x8], $0x1, s15, s26, $0xb8;
	[tilespmem:$0xB80] =	vst v63  }
.LBB2_2:
0xbb: {  	[tilespmem:s24], [sflag:$0x3] =	stream.linear.gather [hbm4b:s18+s3], $0x100, $0x38;
	[tilespmem:$0xB80] =	vst v63  }
0xbc: {  	_ =	swait.ge [sflag:s25], $0x100  }
0xbd: {  	[sflag:s25] =	ssyncset.done $0x0  }
0xbe: {  	[sflag:s25] =	ssyncadd.s32 $0xFFFFFF00  }
0xbf: {  	_ =	swait.ge [sflag:s21], $0x80  }
0xc0: {  	s19 =	smov.u32 s17;
	[sflag:s21] =	ssyncset.done $0x0;
	s4 =	rddreg [dreg:$0x4]  }
0xc1: {  	[sflag:s21] =	ssyncadd.s32 $0xFFFFFF80;
	s18 =	sadd.s32 s19, s4  }
0xc2: {  	[spmem:s2] =	stream.indirect.scatter.add.f32 [tilespmem:s28], [sflag:$0x7], $0x1, s26, s26, $0xb8;
	[tilespmem:$0xB80] =	vst v63  }
0xc3: {  	s19 =	sadd.s32 $0x2400, s18  }
0xc4: {  	[tilespmem:s29], [sflag:$0x4] =	stream.linear.gather [hbm4b:s19+s3], $0x100, $0x38;
	[tilespmem:$0xB80] =	vst v63  }
0xc5: {  	_ =	swait.ge [sflag:s30], $0x100  }
0xc6: {  	[sflag:s30] =	ssyncset.done $0x0  }
0xc7: {  	[sflag:s30] =	ssyncadd.s32 $0xFFFFFF00  }
0xc8: {  	_ =	swait.ge [sflag:s10], $0x80  }
0xc9: {  	[sflag:s10] =	ssyncset.done $0x0  }
0xca: {  	[sflag:s10] =	ssyncadd.s32 $0xFFFFFF80  }
0xcb: {  	[spmem:s2] =	stream.indirect.scatter.add.f32 [tilespmem:s28], [sflag:$0x8], $0x1, s31, s26, $0xb8;
	[tilespmem:$0xB80] =	vst v63  }
0xcc: {  	s4 =	sadd.s32 $0x2800, s18  }
0xcd: {  	[tilespmem:s1], [sflag:$0x5] =	stream.linear.gather [hbm4b:s4+s3], $0x100, $0x38;
	[tilespmem:$0xB80] =	vst v63  }
0xce: {  	_ =	swait.ge [sflag:s0], $0x100  }
0xcf: {  	[sflag:s0] =	ssyncset.done $0x0  }
0xd0: {  	[sflag:s0] =	ssyncadd.s32 $0xFFFFFF00  }
0xd1: {  	_ =	swait.ge [sflag:s21], $0x80  }
0xd2: {  	[sflag:s21] =	ssyncset.done $0x0  }
0xd3: {  	[sflag:s21] =	ssyncadd.s32 $0xFFFFFF80  }
0xd4: {  	[spmem:s2] =	stream.indirect.scatter.add.f32 [tilespmem:s28], [sflag:$0x7], $0x1, s7, s26, $0xb8;
	[tilespmem:$0xB80] =	vst v63  }
0xd5: {  	s4 =	sadd.s32 $0x2C00, s18  }
0xd6: {  	[tilespmem:s8], [sflag:$0x6] =	stream.linear.gather [hbm4b:s4+s3], $0x100, $0x38;
	[tilespmem:$0xB80] =	vst v63  }
0xd7: {  	_ =	swait.ge [sflag:s9], $0x100  }
0xd8: {  	[sflag:s9] =	ssyncset.done $0x0  }
0xd9: {  	[sflag:s9] =	ssyncadd.s32 $0xFFFFFF00  }
0xda: {  	_ =	swait.ge [sflag:s10], $0x80  }
0xdb: {  	[sflag:s10] =	ssyncset.done $0x0  }
0xdc: {  	[sflag:s10] =	ssyncadd.s32 $0xFFFFFF80  }
0xdd: {  	[spmem:s2] =	stream.indirect.scatter.add.f32 [tilespmem:s28], [sflag:$0x8], $0x1, s11, s26, $0xb8;
	[tilespmem:$0xB80] =	vst v63  }
0xde: {  	s4 =	sadd.s32 $0x3000, s18  }
0xdf: {  	[tilespmem:s3], [sflag:$0x1] =	stream.linear.gather [hbm4b:s4+s3], $0x100, $0x38;
	[tilespmem:$0xB80] =	vst v63  }
0xe0: {  	_ =	swait.ge [sflag:s12], $0x100  }
0xe1: {  	[sflag:s12] =	ssyncset.done $0x0  }
0xe2: {  	[sflag:s12] =	ssyncadd.s32 $0xFFFFFF00  }
0xe3: {  	_ =	swait.ge [sflag:s21], $0x80  }
0xe4: {  	[sflag:s21] =	ssyncset.done $0x0  }
0xe5: {  	[sflag:s21] =	ssyncadd.s32 $0xFFFFFF80  }
0xe6: {  	[spmem:s2] =	stream.indirect.scatter.add.f32 [tilespmem:s28], [sflag:$0x7], $0x1, s13, s26, $0xb8;
	[tilespmem:$0xB80] =	vst v63  }
0xe7: {  	s4 =	sadd.s32 $0x3400, s18  }
0xe8: {  	[tilespmem:s23], [sflag:$0x2] =	stream.linear.gather [hbm4b:s4+s3], $0x100, $0x38;
	[tilespmem:$0xB80] =	vst v63  }
0xe9: {  	_ =	swait.ge [sflag:s14], $0x100  }
0xea: {  	p1 =	sne.s32 s17, $0xF000;
	[sflag:s14] =	ssyncset.done $0x0  }
.Ltmp0:
0xeb: {  	[sflag:s14] =	ssyncadd.s32 $0xFFFFFF00;
	(pc) =	sbr.rel @p1 .LBB2_2-.Ltmp0, $4  }
0xec: {  	_ =	swait.ge [sflag:s10], $0x80  }
0xed: {  	[sflag:s10] =	ssyncset.done $0x0  }
0xee: {  	s17 =	sadd.s32 $0x1800, s17;
	s18 =	sadd.s32 $0x3800, s18;
	[sflag:s10] =	ssyncadd.s32 $0xFFFFFF80  }
0xef: {  	[spmem:s2] =	stream.indirect.scatter.add.f32 [tilespmem:s28], [sflag:$0x8], $0x1, s15, s26, $0xb8;
	[tilespmem:$0xB80] =	vst v63  }
0xf0: {  	[tilespmem:s24], [sflag:$0x3] =	stream.linear.gather [hbm4b:s18+s3], $0x100, $0x38;
	[tilespmem:$0xB80] =	vst v63  }
0xf1: {  	_ =	swait.ge [sflag:s25], $0x100  }
0xf2: {  	[sflag:s25] =	ssyncset.done $0x0  }
0xf3: {  	[sflag:s25] =	ssyncadd.s32 $0xFFFFFF00  }
0xf4: {  	_ =	swait.ge [sflag:s21], $0x80  }
0xf5: {  	[sflag:s21] =	ssyncset.done $0x0  }
0xf6: {  	[sflag:s21] =	ssyncadd.s32 $0xFFFFFF80  }
0xf7: {  	[spmem:s2] =	stream.indirect.scatter.add.f32 [tilespmem:s28], [sflag:$0x7], $0x1, s26, s26, $0xb8;
	[tilespmem:$0xB80] =	vst v63  }
0xf8: {  	s17 =	rddreg [dreg:$0xd]  }
0xf9: {  	[tilespmem:s29], [sflag:$0x4] =	stream.linear.gather [hbm4b:s17+s3], $0x100, $0x38;
	[tilespmem:$0xB80] =	vst v63  }
0xfa: {  	_ =	swait.ge [sflag:s30], $0x100  }
0xfb: {  	[sflag:s30] =	ssyncset.done $0x0  }
0xfc: {  	[sflag:s30] =	ssyncadd.s32 $0xFFFFFF00  }
0xfd: {  	_ =	swait.ge [sflag:s10], $0x80  }
0xfe: {  	[sflag:s10] =	ssyncset.done $0x0  }
0xff: {  	[sflag:s10] =	ssyncadd.s32 $0xFFFFFF80  }
0x100: {  	[spmem:s2] =	stream.indirect.scatter.add.f32 [tilespmem:s28], [sflag:$0x8], $0x1, s31, s26, $0xb8;
	[tilespmem:$0xB80] =	vst v63  }
0x101: {  	s4 =	rddreg [dreg:$0xe]  }
0x102: {  	[tilespmem:s1], [sflag:$0x5] =	stream.linear.gather [hbm4b:s4+s3], $0x100, $0x38;
	[tilespmem:$0xB80] =	vst v63  }
0x103: {  	_ =	swait.ge [sflag:s0], $0x100  }
0x104: {  	[sflag:s0] =	ssyncset.done $0x0  }
0x105: {  	[sflag:s0] =	ssyncadd.s32 $0xFFFFFF00  }
0x106: {  	_ =	swait.ge [sflag:s21], $0x80  }
0x107: {  	[sflag:s21] =	ssyncset.done $0x0  }
0x108: {  	[sflag:s21] =	ssyncadd.s32 $0xFFFFFF80  }
0x109: {  	[spmem:s2] =	stream.indirect.scatter.add.f32 [tilespmem:s28], [sflag:$0x7], $0x1, s7, s26, $0xb8;
	[tilespmem:$0xB80] =	vst v63  }
0x10a: {  	s18 =	rddreg [dreg:$0xf]  }
0x10b: {  	[tilespmem:s8], [sflag:$0x6] =	stream.linear.gather [hbm4b:s18+s3], $0x100, $0x38;
	[tilespmem:$0xB80] =	vst v63  }
0x10c: {  	_ =	swait.ge [sflag:s9], $0x100  }
0x10d: {  	[sflag:s9] =	ssyncset.done $0x0  }
0x10e: {  	[sflag:s9] =	ssyncadd.s32 $0xFFFFFF00  }
0x10f: {  	_ =	swait.ge [sflag:s10], $0x80  }
0x110: {  	[sflag:s10] =	ssyncset.done $0x0  }
0x111: {  	[sflag:s10] =	ssyncadd.s32 $0xFFFFFF80  }
0x112: {  	[spmem:s2] =	stream.indirect.scatter.add.f32 [tilespmem:s28], [sflag:$0x8], $0x1, s11, s26, $0xb8;
	[tilespmem:$0xB80] =	vst v63  }
0x113: {  	_ =	swait.ge [sflag:s12], $0x100  }
0x114: {  	[sflag:s12] =	ssyncset.done $0x0  }
0x115: {  	[sflag:s12] =	ssyncadd.s32 $0xFFFFFF00  }
0x116: {  	_ =	swait.ge [sflag:s21], $0x80  }
0x117: {  	[sflag:s21] =	ssyncset.done $0x0  }
0x118: {  	[sflag:s21] =	ssyncadd.s32 $0xFFFFFF80  }
0x119: {  	[spmem:s2] =	stream.indirect.scatter.add.f32 [tilespmem:s28], [sflag:$0x7], $0x1, s13, s26, $0xb8;
	[tilespmem:$0xB80] =	vst v63  }
0x11a: {  	_ =	swait.ge [sflag:s14], $0x100  }
0x11b: {  	[sflag:s14] =	ssyncset.done $0x0  }
0x11c: {  	[sflag:s14] =	ssyncadd.s32 $0xFFFFFF00  }
0x11d: {  	_ =	swait.ge [sflag:s10], $0x80  }
0x11e: {  	[sflag:s10] =	ssyncset.done $0x0  }
0x11f: {  	[sflag:s10] =	ssyncadd.s32 $0xFFFFFF80  }
0x120: {  	[spmem:s2] =	stream.indirect.scatter.add.f32 [tilespmem:s28], [sflag:$0x8], $0x1, s15, s26, $0xb8;
	[tilespmem:$0xB80] =	vst v63  }
0x121: {  	_ =	swait.ge [sflag:s21], $0x80  }
0x122: {  	[sflag:s21] =	ssyncset.done $0x0  }
0x123: {  	[sflag:s21] =	ssyncadd.s32 $0xFFFFFF80  }
0x124: {  	_ =	swait.ge [sflag:s10], $0x80  }
0x125: {  	[sflag:s10] =	ssyncset.done $0x0  }
0x126: {  	s17 =	simm.s32 @!p0 $0x0;
	s18 =	rddreg [dreg:$0x10];
	[sflag:s10] =	ssyncadd.s32 $0xFFFFFF80  }
0x127: {  	[tilespmem:s17], [sflag:$0x9] =	stream.linear.gather @!p0 [hbm4b:s18+s17], $0x100, $0x38;
	[tilespmem:$0xB80] =	vst v63  }
0x128: {  	s17 =	simm.s32 @!p0 $0x9  }
0x129: {  	_ =	swait.ge @!p0 [sflag:s17], $0x100  }
0x12a: {  	[sflag:s17] =	ssyncset.done @!p0 $0x0  }
0x12b: {  	s19 =	simm.s32 @!p0 $0x600;
	s18 =	simm.s32 @!p0 $0x80;
	[sflag:s17] =	ssyncadd.s32 @!p0 $0xFFFFFF00  }
0x12c: {  	[spmem:s2] =	stream.indirect.scatter.add.f32 @!p0 [tilespmem:s19], [sflag:$0x9], $0x1, s18, s18, $0xb8;
	[tilespmem:$0xB80] =	vst v63  }
0x12d: {  	_ =	swait.ge @!p0 [sflag:s17], $0x80  }
0x12e: {  	[sflag:s17] =	ssyncset.done @!p0 $0x0  }
0x12f: {  	[sflag:s17] =	ssyncadd.s32 @!p0 $0xFFFFFF80  }
0x130: {  	[bflag:$0x0] =	sbarrier.arrive $0xFFFF  }
0x131: {  	s18 =	sshrl.u32 s6, $0x3;
	s4 =	rddreg [dreg:$0x13]  }
0x132: {  	s19 =	rddreg [dreg:$0x11];
	s17 =	sor.u32 $0x1C09, s4;
	s4 =	simm.s32 $0x10  }
0x133: {  	[hbm:s19@s20], [sflag:s17] =	dma.strided [spmem:s18@s4], $0x50, s25, $0x10   }
0x134: {  	_ =	swait.ge [sflag:s22], $0x50  }
0x135: {  	s16 =	sadd.s32 $0x1, s16;
	s19 =	rddreg [dreg:$0x12]  }
0x136: {  	p1 =	sne.s32 s16, s19  }
.Ltmp1:
0x137: {  	_ = 	snop;
	(pc) =	sbr.rel @p1 .LBB2_1-.Ltmp1, $3  }
0x138: {  	_ =	sdelay $0x1  }
0x139: {  	[sflag:s22] =	ssyncset.done $0x0  }
0x13a: {  	[sflag:s22] =	ssyncadd.s32 $0xFFFFFFB0  }
0x13b: {  	_ =	sfence.sel $0x180000  }
0x13c: {  	[bflag:$0x0] =	sbarrier.arrive $0xFFFF  }
0x13d: {  	_ =	strace $0x90000047  }
0x13e: {  	s0 =	stileid.u32;
	[bflag:$0x2] =	sbarrier.arrive $0xFFFF  }
0x13f: {  	p0 =	sne.s32 s0, $0x0;
	s0 =	rddreg [dreg:$0x3]  }
0x140: {  	s0 =	sadd.s32 @!p0 $0x100000, s0  }
0x141: {  	[sflag:s0] =	ssyncadd.tile.s32 @!p0 $0x1;
	_ =	shalt  }
.Lfunc_end2:
_tile_overlayer_lowered:
.L_overlay_start_2:
0x142: {  	(tag) =	ssettag $0x2  }
0x143: {  	s0 =	rddreg [dreg:$0x0];
	s2 =	stileid.u32  }
0x144: {  	s1 =	rddreg [dreg:$0x1];
	p0 =	sne.s32 s2, $0x0  }
0x145: {  	s3 =	rddreg [dreg:$0x2];
	[bflag:$0x3] =	sbarrier.arrive $0xFFFF;
	s2 =	simm.s32 @!p0 $0x1C09  }
0x146: {  	[timem:s3], [sflag:s2] =	dma.local @!p0 [hbm:s0], s1  }
0x147: {  	s0 =	simm.s32 @!p0 $0x9  }
0x148: {  	_ =	swait.ge @!p0 [sflag:s0], s1  }
0x149: {  	s1 =	ssub.s32 @!p0 $0x0, s1;
	[sflag:s0] =	ssyncset.done @!p0 $0x0  }
0x14a: {  	[sflag:s0] =	ssyncadd.s32 @!p0 s1  }
0x14b: {  	[bflag:$0x3] =	sbarrier.arrive $0xFFFF  }
0x14c: {  	_ =	shalt  }

// kernel: kernel.9.cloned.1.call-start
scs
__scs_entry_jumppad:
0x0: {  	(pc) =	sbr.rel $0x88, $3  }
0x1: {  	(tag) =	ssettag $0x0;
	lr =	simm.s32 $0x1  }
0x2: {  	[smem:$0x3F95] =	sst lr;
	_ =	strace $0xD0000000  }
0x3: {  	_ = 	snop  }
0x4: {  	_ = 	snop  }
0x5: {  	_ = 	snop  }
0x6: {  	_ = 	snop  }
0x7: {  	_ = 	snop  }
__scs_overlays_trampoline_lowered:
0x8: {  	[smem:$0x3FA4] =	sst s0  }
0x9: {  	[smem:$0x3FA5] =	sst s1  }
0xa: {  	[smem:$0x3FA6] =	sst s2  }
0xb: {  	[smem:$0x3FA7] =	sst s3  }
0xc: {  	[smem:$0x3FA8] =	sst s4  }
0xd: {  	[smem:$0x3FA9] =	sst s5  }
0xe: {  	[smem:$0x3FAA] =	sst s6  }
0xf: {  	[smem:$0x3FAB] =	sst s7  }
0x10: {  	[smem:$0x3FAC] =	sst s8  }
0x11: {  	[smem:$0x3FAD] =	sst s9;
	s0 =	simm.s32 @!p0 $0x0  }
0x12: {  	s1 =	sld [smem:$0x3F93];
	s0 =	simm.s32 @p0 $0x1  }
0x13: {  	[smem:$0x3FAE] =	sst s0;
	s0 =	simm.s32 @!p1 $0x0  }
0x14: {  	s2 =	sld [smem:$0x3F92];
	s0 =	simm.s32 @p1 $0x1  }
0x15: {  	[smem:$0x3FAF] =	sst s0;
	s0 =	simm.s32 @!p2 $0x0  }
0x16: {  	s3 =	sld [smem:$0x3FDB];
	s0 =	simm.s32 @p2 $0x1  }
0x17: {  	s4 =	simm.s32 $0x1BF5;
	[smem:$0x3FB1] =	sst s0  }
0x18: {  	s0 =	sld [smem:$0x3F94];
	_ =	swait.ge [sflag:s4], $0x0  }
0x19: {  	s7 =	sld [smem:$0x3F95]  }
0x1a: {  	s8 =	sadd.s32 $0xFFFFE003, lr  }
0x1b: {  	s9 =	sadd.s32 $0xFFFFFEF7, lr;
	s5 =	simm.s32 $0xFFFFFFFF;
	p2 =	slt.u32 s8, $0xFFFFF086  }
0x1c: {  	p1 =	slt.u32 s9, $0xF7A;
	s5 =	simm.s32 @!p2 $0x0  }
0x1d: {  	s5 =	simm.s32 @p1 $0x1;
	p0 =	seq.s32 s7, s2  }
0x1e: {  	s7 =	smul.u32 @!p0 $0xF7A, s2;
	p2 =	seq.s32 @!p0 s5, $0x0  }
0x1f: {  	s9 =	smul.u32 $0xF7A, s1;
	s8 =	simm.s32 @!p0 $0x1BF5;
	p2 =	por !p2, p0  }
0x20: {  	[sflag:s8] =	ssyncset.s32 @!p0 $0xFFFFF086;
	s6 =	sadd.s32 @!p0 s3, s7;
	s7 =	simm.s32 @!p0 $0x108  }
0x21: {  	s3 =	sadd.s32 s3, s9;
	s6 =	sadd.s32 @!p0 $0x88, s6;
	s7 =	simm.s32 @p2 $0x1082  }
0x22: {  	[simem:s7], [sflag:s8] =	dma.local @!p0 [hbm:s6], $0xF7A  }
0x23: {  	s9 =	sor.u32 $0xD0000000, s2;
	s6 =	simm.s32 $0x108;
	_ =	swait.ge @!p0 [sflag:s8], $0x0  }
0x24: {  	s3 =	sadd.s32 $0x88, s3;
	s6 =	simm.s32 @!p1 $0x1082;
	[sflag:s4] =	ssyncset.s32 $0xFFFFF086  }
0x25: {  	[simem:s6], [sflag:s4] =	dma.local [hbm:s3], $0xF7A  }
0x26: {  	[smem:$0x3F95] =	sst s1;
	(tag) =	ssettag s2;
	_ =	strace s9  }
0x27: {  	s1 =	sld [smem:$0x3FA5]  }
0x28: {  	s2 =	sld [smem:$0x3FA6]  }
0x29: {  	s4 =	sld [smem:$0x3FA8]  }
0x2a: {  	p0 =	seq.s32 s5, $0x0;
	s5 =	sld [smem:$0x3FA9]  }
0x2b: {  	s6 =	sld [smem:$0x3FAA]  }
0x2c: {  	s7 =	sld [smem:$0x3FAB]  }
0x2d: {  	s3 =	simm.s32 $0x108;
	s8 =	sld [smem:$0x3FAC]  }
0x2e: {  	s3 =	simm.s32 @!p0 $0x1082;
	s9 =	sld [smem:$0x3FAD]  }
0x2f: {  	lr =	sadd.s32 s0, s3;
	s0 =	sld [smem:$0x3FA4]  }
0x30: {  	s3 =	sld [smem:$0x3FA7]  }
0x31: {  	[smem:$0x3FB0] =	sst s10  }
0x32: {  	s10 =	sld [smem:$0x3FAE];
	_ =	sdelay $0x3  }
0x33: {  	p0 =	seq.s32 s10, $0x1;
	s10 =	sld [smem:$0x3FB0];
	_ =	sdelay $0x3  }
0x34: {  	[smem:$0x3FB0] =	sst s10  }
0x35: {  	s10 =	sld [smem:$0x3FAF];
	_ =	sdelay $0x3  }
0x36: {  	p1 =	seq.s32 s10, $0x1;
	s10 =	sld [smem:$0x3FB0];
	_ =	sdelay $0x3  }
0x37: {  	[smem:$0x3FB0] =	sst s10  }
0x38: {  	s10 =	sld [smem:$0x3FB1]  }
0x39: {  	_ = 	snop;
	(pc) =	sbr.ind lr, $3  }
0x3a: {  	_ = 	snop  }
0x3b: {  	_ = 	snop  }
0x3c: {  	p2 =	seq.s32 s10, $0x1;
	s10 =	sld [smem:$0x3FB0]  }
0x3d: {  	_ =	shalt  }
0x3e: {  	_ =	shalt  }
0x3f: {  	_ =	shalt  }
0x40: {  	_ =	shalt  }
0x41: {  	_ =	shalt  }
0x42: {  	_ =	shalt  }
0x43: {  	_ =	shalt  }
0x44: {  	_ =	shalt  }
0x45: {  	_ =	shalt  }
0x46: {  	_ =	shalt  }
0x47: {  	_ =	shalt  }
0x48: {  	_ =	shalt  }
0x49: {  	_ =	shalt  }
0x4a: {  	_ =	shalt  }
0x4b: {  	_ =	shalt  }
0x4c: {  	_ =	shalt  }
0x4d: {  	_ =	shalt  }
0x4e: {  	_ =	shalt  }
0x4f: {  	_ =	shalt  }
0x50: {  	_ =	shalt  }
0x51: {  	_ =	shalt  }
0x52: {  	_ =	shalt  }
0x53: {  	_ =	shalt  }
0x54: {  	_ =	shalt  }
0x55: {  	_ =	shalt  }
0x56: {  	_ =	shalt  }
0x57: {  	_ =	shalt  }
0x58: {  	_ =	shalt  }
0x59: {  	_ =	shalt  }
0x5a: {  	_ =	shalt  }
0x5b: {  	_ =	shalt  }
0x5c: {  	_ =	shalt  }
0x5d: {  	_ =	shalt  }
0x5e: {  	_ =	shalt  }
0x5f: {  	_ =	shalt  }
0x60: {  	_ =	shalt  }
0x61: {  	_ =	shalt  }
0x62: {  	_ =	shalt  }
0x63: {  	_ =	shalt  }
0x64: {  	_ =	shalt  }
0x65: {  	_ =	shalt  }
0x66: {  	_ =	shalt  }
0x67: {  	_ =	shalt  }
0x68: {  	_ =	shalt  }
0x69: {  	_ =	shalt  }
0x6a: {  	_ =	shalt  }
0x6b: {  	_ =	shalt  }
0x6c: {  	_ =	shalt  }
0x6d: {  	_ =	shalt  }
0x6e: {  	_ =	shalt  }
0x6f: {  	_ =	shalt  }
0x70: {  	_ =	shalt  }
0x71: {  	_ =	shalt  }
0x72: {  	_ =	shalt  }
0x73: {  	_ =	shalt  }
0x74: {  	_ =	shalt  }
0x75: {  	_ =	shalt  }
0x76: {  	_ =	shalt  }
0x77: {  	_ =	shalt  }
0x78: {  	_ =	shalt  }
0x79: {  	_ =	shalt  }
0x7a: {  	_ =	shalt  }
0x7b: {  	_ =	shalt  }
0x7c: {  	_ =	shalt  }
0x7d: {  	_ =	shalt  }
0x7e: {  	_ =	shalt  }
0x7f: {  	_ =	shalt  }
0x80: {  	_ =	shalt  }
0x81: {  	_ =	shalt  }
0x82: {  	_ =	shalt  }
0x83: {  	_ =	shalt  }
0x84: {  	_ =	shalt  }
0x85: {  	_ =	shalt  }
0x86: {  	_ =	shalt  }
0x87: {  	_ =	shalt  }
.Lfunc_end0:
.L_simem_size_0:
called_computation.1_lowered:
.L_overlay_start_0:
0x88: {  	s2 =	sld [smem:$0x3FD9]  }
0x89: {  	s3 =	sld [smem:$0x3FFE];
	_ =	sdelay $0x1  }
0x8a: {  	s1 =	srdreg.scid  }
0x8b: {  	s0 =	sand.u32 $0x1, s1  }
0x8c: {  	s17 =	sshll.u32 s0, $0xA;
	s2 =	sadd.s32 s3, s2  }
0x8d: {  	s2 =	sadd.s32 s2, s17  }
0x8e: {  	[smem:$0x3FBC] =	sst s2  }
0x8f: {  	_ = 	snop  }
0x90: {  	s2 =	sld [smem:$0x3FC8];
	(tm) =	ssettm $0x1  }
0x91: {  	s18 =	sld [smem:$0x3FFB];
	_ =	sdelay $0x3  }
0x92: {  	_ =	strace s18  }
0x93: {  	s3 =	sld [smem:$0x3FFC];
	_ =	sdelay $0x3  }
0x94: {  	_ =	strace s3  }
0x95: {  	s3 =	sld [smem:$0x3FFD];
	_ =	sdelay $0x3  }
0x96: {  	_ =	strace s3  }
0x97: {  	_ =	strace $0x8FFFFFFF  }
0x98: {  	s19 =	sld [smem:$0x3FDB];
	_ =	sdelay $0x1  }
0x99: {  	s4 =	simm.s32 $_scs_section_size  }
0x9a: {  	s5 =	simm.s32 $_size__tile_overlayer_lowered;
	s6 =	simm.s32 $_tile_overlayer_lowered  }
0x9b: {  	s22 =	simm.s32 $0x1BFF;
	s21 =	sshll.u32 s6, $0x1;
	s3 =	sadd.s32 s4, s19  }
0x9c: {  	s7 =	simm.s32 $0x0;
	s20 =	sshll.u32 s5, $0x1;
	s5 =	sadd.s32 s21, s3  }
0x9d: {  	[timem:s7], [sflag:s22] =	dma.local [hbm:s5], s20  }
0x9e: {  	_ =	swait.ge [sflag:s22], s20  }
0x9f: {  	s4 =	ssub.s32 $0x0, s20;
	[sflag:s22] =	ssyncset.done $0x0  }
0xa0: {  	[sflag:s22] =	ssyncadd.s32 s4;
	_ =	sdelay $0x1  }
0xa1: {  	s23 =	simm.s32 $0x1B8B  }
0xa2: {  	_ =	swait.ge [sflag:s23], $0x1  }
0xa3: {  	[sflag:s23] =	ssyncset.done $0x0  }
0xa4: {  	s25 =	simm.s32 $0x1B8E;
	s24 =	sld [smem:$0x3FFE];
	[sflag:s23] =	ssyncadd.s32 $0xFFFFFFFF  }
0xa5: {  	s26 =	simm.s32 $execute0_lowered;
	[smem:$0x3FD2] =	sst s25  }
0xa6: {  	s5 =	sshll.u32 s26, $0x1;
	_ =	strace $0x80000049;
	[dreg:$0x1] =	wrdreg $0xFFFFFFFF  }
0xa7: {  	s28 =	simm.s32 $_size_execute0_lowered;
	s3 =	sadd.s32 s3, s5;
	[dreg:$0x0] =	wrdreg $0x0  }
0xa8: {  	s5 =	sshll.u32 s28, $0x1;
	[dreg:$0x2] =	wrdreg s3  }
0xa9: {  	[dreg:$0x3] =	wrdreg s5  }
0xaa: {  	[dreg:$0x4] =	wrdreg $0xC0  }
0xab: {  	_ =	task [dreg:s7], $0x5FFFF  }
0xac: {  	[dreg:$0x1] =	wrdreg $0xFFFFFFFF  }
0xad: {  	[dreg:$0x0] =	wrdreg $0x60  }
0xae: {  	[dreg:$0x2] =	wrdreg s2  }
0xaf: {  	[dreg:$0x3] =	wrdreg s24  }
0xb0: {  	[dreg:$0x4] =	wrdreg $0x84000  }
0xb1: {  	[dreg:$0x5] =	wrdreg $0x9  }
0xb2: {  	_ =	task.clear_ibuf [dreg:s7], $0x6FFFF;
	_ =	strace $0x90000049  }
0xb3: {  	s29 =	simm.s32 $0x9;
	_ =	strace $0x8000004B  }
0xb4: {  	_ =	swait.ge [sflag:s29], $0x1  }
0xb5: {  	[sflag:s29] =	ssyncadd.s32 $0xFFFFFFFF  }
0xb6: {  	_ =	strace $0x9000004B  }
0xb7: {  	_ =	sfence  }
0xb8: {  	s30 =	sld [smem:$0x0];
	_ =	sdelay $0x2  }
0xb9: {  	s31 =	sshll.u32 s1, $0xD;
	s1 =	sshrl.u32 s1, $0x2  }
0xba: {  	s3 =	sand.u32 $0x4000, s31;
	s1 =	sadd.s32 s1, s30  }
0xbb: {  	s0 =	sor.u32 s3, s0;
	s1 =	sshll.u32 s1, $0x11  }
0xbc: {  	s0 =	sor.u32 s1, s0  }
0xbd: {  	s0 =	sadd.s32 $0x8F2B, s0  }
0xbe: {  	[sflag:s0] =	ssyncadd.remote.s32 $0x1  }
0xbf: {  	_ =	sfence.sel $0xFFFF  }
0xc0: {  	[dreg:$0x0] =	wrdreg $0xFFFFFFFF;
	(pc) =	sbr.abs _section_cstart, $3  }
0xc1: {  	[dreg:$0x1] =	wrdreg $0xFFFFFFFF  }
0xc2: {  	_ =	task.clear_ibuf [dreg:s7], $0x2FFFF;
	_ =	strace $0x9FFFFFFF  }
0xc3: {  	(tm) =	ssettm $0x7FFFFFFF  }
tec
execute0_lowered:
.L_overlay_start_1:
0x0: {  	(tag) =	ssettag $0x1  }
0x1: {  	s0 =	rddreg [dreg:$0x0]  }
0x2: {  	s1 =	rddreg [dreg:$0x1];
	s3 =	srdreg.scid  }
0x3: {  	s2 =	rddreg [dreg:$0x2];
	s11 =	stileid.u32;
	s28 =	simm.s32 $0x2  }
0x4: {  	s29 =	simm.s32 $0x4400;
	s30 =	simm.s32 $0x5;
	s31 =	simm.s32 $0x300  }
0x5: {  	s12 =	simm.s32 $0x0;
	s6 =	sand.u32 $0x1, s3;
	s5 =	smul.u32 $0x14000, s11  }
0x6: {  	s3 =	simm.s32 $0x0;
	s8 =	smul.u32 $0x50000, s11;
	p0 =	sgt.u32 s11, $0x1  }
0x7: {  	s4 =	smul.u32 $0x140000, s6;
	[smem:$0x7FF] =	sst s3;
	s7 =	ssub.s32 $0x2, s6  }
0x8: {  	s10 =	sshll.u32 s6, $0x5;
	_ =	strace $0x8000004A;
	s8 =	sshrl.u32 s8, $0x2  }
0x9: {  	s9 =	sshrl.u32 s7, $0x1;
	s4 =	sadd.s32 s5, s4;
	s6 =	sadd.s32 s8, s2  }
0xa: {  	s7 =	ssub.s32 s7, s9;
	s8 =	simm.s32 $0x4;
	s18 =	sadd.s32 $0x4000, s6  }
0xb: {  	s5 =	sshrl.u32 s4, $0x3;
	s19 =	sadd.s32 $0x8000, s6;
	[dreg:$0x4] =	wrdreg s18  }
0xc: {  	s4 =	sadd.s32 $0x2600, s1;
	s20 =	sadd.s32 $0xC000, s6;
	[dreg:$0x5] =	wrdreg s19  }
0xd: {  	s21 =	sadd.s32 $0x10000, s6;
	s1 =	sadd.s32 s5, s1;
	[dreg:$0x6] =	wrdreg s20  }
0xe: {  	s5 =	sshll.u32 s11, $0x6;
	[dreg:$0x7] =	wrdreg s21;
	s19 =	smax.u32 s7, $0x1  }
0xf: {  	s21 =	simm.s32 $0x400;
	s7 =	simm.s32 $0x180;
	s17 =	sor.u32 s10, s5  }
0x10: {  	s11 =	simm.s32 $0x380;
	s18 =	sadd.s32 $0x2A600, s1;
	s9 =	sadd.s32 s0, s17  }
0x11: {  	s1 =	simm.s32 $0x6;
	s0 =	sadd.s32 s5, s0;
	s22 =	sadd.s32 $0x400, s9  }
0x12: {  	s23 =	sadd.s32 $0x800, s9;
	s24 =	sadd.s32 $0xC00, s9;
	[dreg:$0x8] =	wrdreg s22  }
0x13: {  	s25 =	sadd.s32 $0x13000, s9;
	s26 =	sadd.s32 $0x13400, s9;
	[dreg:$0x9] =	wrdreg s23  }
0x14: {  	s17 =	sadd.s32 $0x13800, s9;
	s20 =	sadd.s32 s10, s0;
	[dreg:$0xa] =	wrdreg s24  }
0x15: {  	s0 =	simm.s32 $0x3;
	s10 =	simm.s32 $0x280;
	[dreg:$0xb] =	wrdreg s25  }
0x16: {  	[dreg:$0xc] =	wrdreg s26;
	s22 =	simm.s32 $0x7;
	s23 =	simm.s32 $0x100  }
0x17: {  	v0 =	vimm.f32 $0.0e+00;
	s24 =	simm.s32 $0x1;
	s25 =	simm.s32 $0x80;
	s26 =	simm.s32 $0x200  }
.LBB2_1:
0x18: {  	s13 =	simm.s32 $0x0;
	s14 =	simm.s32 $0x200  }
.LBB2_2:
0x19: {  	p1 =	sne.s32 s14, $0xFE00;
	[tilespmem:s13+$0x470] =	vst v0  }
0x1a: {  	[tilespmem:s13+$0x400] =	vst v0  }
0x1b: {  	[tilespmem:s13+$0x410] =	vst v0  }
.Ltmp0:
0x1c: {  	[tilespmem:s13+$0x420] =	vst v0;
	(pc) =	sbr.rel @p1 .LBB2_2-.Ltmp0, $4  }
0x1d: {  	[tilespmem:s13+$0x430] =	vst v0  }
0x1e: {  	[tilespmem:s13+$0x440] =	vst v0  }
0x1f: {  	[tilespmem:s13+$0x450] =	vst v0  }
0x20: {  	[tilespmem:s13+$0x460] =	vst v0;
	s13 =	sshra.s32 s14, $0x2;
	s14 =	sadd.s32 $0x200, s14  }
0x21: {  	[tilespmem:s13+$0x470] =	vst v0  }
0x22: {  	[tilespmem:s13+$0x400] =	vst v0  }
0x23: {  	[tilespmem:s13+$0x410] =	vst v0  }
0x24: {  	[tilespmem:s13+$0x420] =	vst v0  }
0x25: {  	[tilespmem:s13+$0x430] =	vst v0  }
0x26: {  	[tilespmem:s13+$0x440] =	vst v0  }
0x27: {  	[tilespmem:s13+$0x450] =	vst v0  }
0x28: {  	[tilespmem:s13+$0x460] =	vst v0  }
0x29: {  	[spmem:s6] =	stream.linear.scatter [tilespmem:s21], [sflag:$0x7], $0x4000, $0x38;
	[tilespmem:$0x1C400] =	vst v63  }
0x2a: {  	_ =	swait.ge [sflag:s22], $0x4000  }
0x2b: {  	[sflag:s22] =	ssyncset.done $0x0  }
0x2c: {  	s15 =	rddreg [dreg:$0x4];
	[sflag:s22] =	ssyncadd.s32 $0xFFFFC000  }
0x2d: {  	[spmem:s15] =	stream.linear.scatter [tilespmem:s21], [sflag:$0x7], $0x4000, $0x38;
	[tilespmem:$0x1C400] =	vst v63  }
0x2e: {  	_ =	swait.ge [sflag:s22], $0x4000  }
0x2f: {  	[sflag:s22] =	ssyncset.done $0x0  }
0x30: {  	s16 =	rddreg [dreg:$0x5];
	[sflag:s22] =	ssyncadd.s32 $0xFFFFC000  }
0x31: {  	[spmem:s16] =	stream.linear.scatter [tilespmem:s21], [sflag:$0x7], $0x4000, $0x38;
	[tilespmem:$0x1C400] =	vst v63  }
0x32: {  	_ =	swait.ge [sflag:s22], $0x4000  }
0x33: {  	[sflag:s22] =	ssyncset.done $0x0  }
0x34: {  	s14 =	rddreg [dreg:$0x6];
	[sflag:s22] =	ssyncadd.s32 $0xFFFFC000  }
0x35: {  	[spmem:s14] =	stream.linear.scatter [tilespmem:s21], [sflag:$0x7], $0x4000, $0x38;
	[tilespmem:$0x1C400] =	vst v63  }
0x36: {  	_ =	swait.ge [sflag:s22], $0x4000  }
0x37: {  	[sflag:s22] =	ssyncset.done $0x0  }
0x38: {  	s15 =	rddreg [dreg:$0x7];
	[sflag:s22] =	ssyncadd.s32 $0xFFFFC000  }
0x39: {  	[spmem:s15] =	stream.linear.scatter [tilespmem:s21], [sflag:$0x7], $0x4000, $0x38;
	[tilespmem:$0x1C400] =	vst v63  }
0x3a: {  	_ =	swait.ge [sflag:s22], $0x4000  }
0x3b: {  	[sflag:s22] =	ssyncset.done $0x0  }
0x3c: {  	[sflag:s22] =	ssyncadd.s32 $0xFFFFC000  }
0x3d: {  	s13 =	simm.s32 $0x0;
	[bflag:$0x0] =	sbarrier.arrive $0xFFFF  }
0x3e: {  	[tilespmem:s13], [sflag:$0x1] =	stream.linear.gather [hbm4b:s9+s13], $0x100, $0x38;
	[tilespmem:$0x1C400] =	vst v63  }
0x3f: {  	s14 =	rddreg [dreg:$0x8]  }
0x40: {  	[tilespmem:s23], [sflag:$0x2] =	stream.linear.gather [hbm4b:s14+s13], $0x100, $0x38;
	[tilespmem:$0x1C400] =	vst v63  }
0x41: {  	_ =	swait.ge [sflag:s24], $0x100  }
0x42: {  	[sflag:s24] =	ssyncset.done $0x0  }
0x43: {  	[sflag:s24] =	ssyncadd.s32 $0xFFFFFF00  }
0x44: {  	[tilespmem:s21], [sflag:$0x5] =	stream.indirect.gather [hbm4b:s4+s25], $0x80, s13, s25, $0xb8;
	[tilespmem:$0x1C400] =	vst v63  }
0x45: {  	s16 =	rddreg [dreg:$0x9]  }
0x46: {  	[tilespmem:s26], [sflag:$0x3] =	stream.linear.gather [hbm4b:s16+s13], $0x100, $0x38;
	[tilespmem:$0x1C400] =	vst v63  }
0x47: {  	_ =	swait.ge [sflag:s28], $0x100  }
0x48: {  	[sflag:s28] =	ssyncset.done $0x0  }
0x49: {  	[sflag:s28] =	ssyncadd.s32 $0xFFFFFF00  }
0x4a: {  	[tilespmem:s29], [sflag:$0x6] =	stream.indirect.gather [hbm4b:s4+s25], $0x80, s23, s25, $0xb8;
	[tilespmem:$0x1C400] =	vst v63  }
0x4b: {  	_ =	swait.ge [sflag:s30], $0x4000  }
0x4c: {  	[sflag:s30] =	ssyncset.done $0x0  }
0x4d: {  	[sflag:s30] =	ssyncadd.s32 $0xFFFFC000  }
0x4e: {  	[spmem:s2] =	stream.indirect.scatter.add.f32 [tilespmem:s21], [sflag:$0x7], $0x80, s25, s25, $0xb8;
	[tilespmem:$0x1C400] =	vst v63  }
0x4f: {  	_ =	swait.ge [sflag:s22], $0x4000  }
0x50: {  	[sflag:s22] =	ssyncset.done $0x0  }
0x51: {  	s15 =	rddreg [dreg:$0xa];
	[sflag:s22] =	ssyncadd.s32 $0xFFFFC000  }
0x52: {  	[tilespmem:s31], [sflag:$0x4] =	stream.linear.gather [hbm4b:s15+s13], $0x100, $0x38;
	[tilespmem:$0x1C400] =	vst v63  }
0x53: {  	_ =	swait.ge [sflag:s0], $0x100  }
0x54: {  	[sflag:s0] =	ssyncset.done $0x0  }
0x55: {  	[sflag:s0] =	ssyncadd.s32 $0xFFFFFF00  }
0x56: {  	[tilespmem:s21], [sflag:$0x5] =	stream.indirect.gather [hbm4b:s4+s25], $0x80, s26, s25, $0xb8;
	[tilespmem:$0x1C400] =	vst v63  }
0x57: {  	_ =	swait.ge [sflag:s1], $0x4000  }
0x58: {  	[sflag:s1] =	ssyncset.done $0x0  }
0x59: {  	[sflag:s1] =	ssyncadd.s32 $0xFFFFC000  }
0x5a: {  	[spmem:s2] =	stream.indirect.scatter.add.f32 [tilespmem:s29], [sflag:$0x7], $0x80, s7, s25, $0xb8;
	[tilespmem:$0x1C400] =	vst v63  }
0x5b: {  	_ =	swait.ge [sflag:s22], $0x4000  }
0x5c: {  	s14 =	sadd.s32 $0x0, s20;
	[sflag:s22] =	ssyncset.done $0x0  }
0x5d: {  	s16 =	sadd.s32 $0x1000, s14;
	[sflag:s22] =	ssyncadd.s32 $0xFFFFC000  }
0x5e: {  	[tilespmem:s3], [sflag:$0x1] =	stream.linear.gather [hbm4b:s16+s3], $0x100, $0x38;
	[tilespmem:$0x1C400] =	vst v63  }
0x5f: {  	_ =	swait.ge [sflag:s8], $0x100  }
0x60: {  	[sflag:s8] =	ssyncset.done $0x0  }
0x61: {  	[sflag:s8] =	ssyncadd.s32 $0xFFFFFF00  }
0x62: {  	[tilespmem:s29], [sflag:$0x6] =	stream.indirect.gather [hbm4b:s4+s25], $0x80, s31, s25, $0xb8;
	[tilespmem:$0x1C400] =	vst v63  }
0x63: {  	_ =	swait.ge [sflag:s30], $0x4000  }
0x64: {  	[sflag:s30] =	ssyncset.done $0x0  }
0x65: {  	[sflag:s30] =	ssyncadd.s32 $0xFFFFC000  }
0x66: {  	[spmem:s2] =	stream.indirect.scatter.add.f32 [tilespmem:s21], [sflag:$0x7], $0x80, s10, s25, $0xb8;
	[tilespmem:$0x1C400] =	vst v63  }
0x67: {  	_ =	swait.ge [sflag:s22], $0x4000  }
0x68: {  	[sflag:s22] =	ssyncset.done $0x0  }
0x69: {  	s15 =	sadd.s32 $0x1400, s14;
	[sflag:s22] =	ssyncadd.s32 $0xFFFFC000  }
0x6a: {  	[tilespmem:s23], [sflag:$0x2] =	stream.linear.gather [hbm4b:s15+s3], $0x100, $0x38;
	[tilespmem:$0x1C400] =	vst v63  }
0x6b: {  	_ =	swait.ge [sflag:s24], $0x100  }
0x6c: {  	[sflag:s24] =	ssyncset.done $0x0  }
0x6d: {  	[sflag:s24] =	ssyncadd.s32 $0xFFFFFF00  }
0x6e: {  	[tilespmem:s21], [sflag:$0x5] =	stream.indirect.gather [hbm4b:s4+s25], $0x80, s3, s25, $0xb8;
	[tilespmem:$0x1C400] =	vst v63  }
0x6f: {  	_ =	swait.ge [sflag:s1], $0x4000  }
0x70: {  	[sflag:s1] =	ssyncset.done $0x0  }
0x71: {  	[sflag:s1] =	ssyncadd.s32 $0xFFFFC000  }
0x72: {  	[spmem:s2] =	stream.indirect.scatter.add.f32 [tilespmem:s29], [sflag:$0x7], $0x80, s11, s25, $0xb8;
	[tilespmem:$0x1C400] =	vst v63  }
0x73: {  	_ =	swait.ge [sflag:s22], $0x4000  }
0x74: {  	[sflag:s22] =	ssyncset.done $0x0  }
0x75: {  	s16 =	sadd.s32 $0x1800, s14;
	[sflag:s22] =	ssyncadd.s32 $0xFFFFC000  }
0x76: {  	[tilespmem:s26], [sflag:$0x3] =	stream.linear.gather [hbm4b:s16+s3], $0x100, $0x38;
	[tilespmem:$0x1C400] =	vst v63  }
0x77: {  	_ =	swait.ge [sflag:s28], $0x100  }
0x78: {  	[sflag:s28] =	ssyncset.done $0x0  }
0x79: {  	[sflag:s28] =	ssyncadd.s32 $0xFFFFFF00  }
0x7a: {  	[tilespmem:s29], [sflag:$0x6] =	stream.indirect.gather [hbm4b:s4+s25], $0x80, s23, s25, $0xb8;
	[tilespmem:$0x1C400] =	vst v63  }
0x7b: {  	_ =	swait.ge [sflag:s30], $0x4000  }
0x7c: {  	[sflag:s30] =	ssyncset.done $0x0  }
0x7d: {  	[sflag:s30] =	ssyncadd.s32 $0xFFFFC000  }
0x7e: {  	[spmem:s2] =	stream.indirect.scatter.add.f32 [tilespmem:s21], [sflag:$0x7], $0x80, s25, s25, $0xb8;
	[tilespmem:$0x1C400] =	vst v63  }
0x7f: {  	_ =	swait.ge [sflag:s22], $0x4000  }
0x80: {  	[sflag:s22] =	ssyncset.done $0x0  }
0x81: {  	s13 =	simm.s32 $0x1000;
	s14 =	sadd.s32 $0x1C00, s14;
	[sflag:s22] =	ssyncadd.s32 $0xFFFFC000  }
.LBB2_4:
0x82: {  	[tilespmem:s31], [sflag:$0x4] =	stream.linear.gather [hbm4b:s14+s3], $0x100, $0x38;
	[tilespmem:$0x1C400] =	vst v63  }
0x83: {  	s14 =	smov.u32 s13  }
0x84: {  	p1 =	sne.s32 s13, $0x11000;
	s13 =	sadd.s32 $0x1000, s13;
	_ =	swait.ge [sflag:s0], $0x100  }
0x85: {  	[sflag:s0] =	ssyncset.done $0x0  }
0x86: {  	[sflag:s0] =	ssyncadd.s32 $0xFFFFFF00  }
0x87: {  	[tilespmem:s21], [sflag:$0x5] =	stream.indirect.gather [hbm4b:s4+s25], $0x80, s26, s25, $0xb8;
	[tilespmem:$0x1C400] =	vst v63  }
0x88: {  	_ =	swait.ge [sflag:s1], $0x4000  }
0x89: {  	[sflag:s1] =	ssyncset.done $0x0  }
0x8a: {  	[sflag:s1] =	ssyncadd.s32 $0xFFFFC000  }
0x8b: {  	[spmem:s2] =	stream.indirect.scatter.add.f32 [tilespmem:s29], [sflag:$0x7], $0x80, s7, s25, $0xb8;
	[tilespmem:$0x1C400] =	vst v63  }
0x8c: {  	_ =	swait.ge [sflag:s22], $0x4000  }
0x8d: {  	s14 =	sadd.s32 s14, s20;
	[sflag:s22] =	ssyncset.done $0x0  }
0x8e: {  	s15 =	sadd.s32 $0x1000, s14;
	[sflag:s22] =	ssyncadd.s32 $0xFFFFC000  }
0x8f: {  	[tilespmem:s3], [sflag:$0x1] =	stream.linear.gather [hbm4b:s15+s3], $0x100, $0x38;
	[tilespmem:$0x1C400] =	vst v63  }
0x90: {  	_ =	swait.ge [sflag:s8], $0x100  }
0x91: {  	[sflag:s8] =	ssyncset.done $0x0  }
0x92: {  	[sflag:s8] =	ssyncadd.s32 $0xFFFFFF00  }
0x93: {  	[tilespmem:s29], [sflag:$0x6] =	stream.indirect.gather [hbm4b:s4+s25], $0x80, s31, s25, $0xb8;
	[tilespmem:$0x1C400] =	vst v63  }
0x94: {  	_ =	swait.ge [sflag:s30], $0x4000  }
0x95: {  	[sflag:s30] =	ssyncset.done $0x0  }
0x96: {  	[sflag:s30] =	ssyncadd.s32 $0xFFFFC000  }
0x97: {  	[spmem:s2] =	stream.indirect.scatter.add.f32 [tilespmem:s21], [sflag:$0x7], $0x80, s10, s25, $0xb8;
	[tilespmem:$0x1C400] =	vst v63  }
0x98: {  	_ =	swait.ge [sflag:s22], $0x4000  }
0x99: {  	[sflag:s22] =	ssyncset.done $0x0  }
0x9a: {  	s15 =	sadd.s32 $0x1400, s14;
	[sflag:s22] =	ssyncadd.s32 $0xFFFFC000  }
0x9b: {  	[tilespmem:s23], [sflag:$0x2] =	stream.linear.gather [hbm4b:s15+s3], $0x100, $0x38;
	[tilespmem:$0x1C400] =	vst v63  }
0x9c: {  	_ =	swait.ge [sflag:s24], $0x100  }
0x9d: {  	[sflag:s24] =	ssyncset.done $0x0  }
0x9e: {  	[sflag:s24] =	ssyncadd.s32 $0xFFFFFF00  }
0x9f: {  	[tilespmem:s21], [sflag:$0x5] =	stream.indirect.gather [hbm4b:s4+s25], $0x80, s3, s25, $0xb8;
	[tilespmem:$0x1C400] =	vst v63  }
0xa0: {  	_ =	swait.ge [sflag:s1], $0x4000  }
0xa1: {  	[sflag:s1] =	ssyncset.done $0x0  }
0xa2: {  	[sflag:s1] =	ssyncadd.s32 $0xFFFFC000  }
0xa3: {  	[spmem:s2] =	stream.indirect.scatter.add.f32 [tilespmem:s29], [sflag:$0x7], $0x80, s11, s25, $0xb8;
	[tilespmem:$0x1C400] =	vst v63  }
0xa4: {  	_ =	swait.ge [sflag:s22], $0x4000  }
0xa5: {  	[sflag:s22] =	ssyncset.done $0x0  }
0xa6: {  	s15 =	sadd.s32 $0x1800, s14;
	[sflag:s22] =	ssyncadd.s32 $0xFFFFC000  }
0xa7: {  	[tilespmem:s26], [sflag:$0x3] =	stream.linear.gather [hbm4b:s15+s3], $0x100, $0x38;
	[tilespmem:$0x1C400] =	vst v63  }
0xa8: {  	_ =	swait.ge [sflag:s28], $0x100  }
0xa9: {  	[sflag:s28] =	ssyncset.done $0x0  }
0xaa: {  	[sflag:s28] =	ssyncadd.s32 $0xFFFFFF00  }
0xab: {  	[tilespmem:s29], [sflag:$0x6] =	stream.indirect.gather [hbm4b:s4+s25], $0x80, s23, s25, $0xb8;
	[tilespmem:$0x1C400] =	vst v63  }
0xac: {  	_ =	swait.ge [sflag:s30], $0x4000  }
0xad: {  	[sflag:s30] =	ssyncset.done $0x0  }
.Ltmp1:
0xae: {  	[sflag:s30] =	ssyncadd.s32 $0xFFFFC000;
	(pc) =	sbr.rel @p1 .LBB2_4-.Ltmp1, $4  }
0xaf: {  	[spmem:s2] =	stream.indirect.scatter.add.f32 [tilespmem:s21], [sflag:$0x7], $0x80, s25, s25, $0xb8;
	[tilespmem:$0x1C400] =	vst v63  }
0xb0: {  	_ =	swait.ge [sflag:s22], $0x4000  }
0xb1: {  	[sflag:s22] =	ssyncset.done $0x0  }
0xb2: {  	s14 =	sadd.s32 $0x1C00, s14;
	[sflag:s22] =	ssyncadd.s32 $0xFFFFC000  }
0xb3: {  	[tilespmem:s31], [sflag:$0x4] =	stream.linear.gather [hbm4b:s14+s3], $0x100, $0x38;
	[tilespmem:$0x1C400] =	vst v63  }
0xb4: {  	_ =	swait.ge [sflag:s0], $0x100  }
0xb5: {  	[sflag:s0] =	ssyncset.done $0x0  }
0xb6: {  	[sflag:s0] =	ssyncadd.s32 $0xFFFFFF00  }
0xb7: {  	[tilespmem:s21], [sflag:$0x5] =	stream.indirect.gather [hbm4b:s4+s25], $0x80, s26, s25, $0xb8;
	[tilespmem:$0x1C400] =	vst v63  }
0xb8: {  	_ =	swait.ge [sflag:s1], $0x4000  }
0xb9: {  	[sflag:s1] =	ssyncset.done $0x0  }
0xba: {  	[sflag:s1] =	ssyncadd.s32 $0xFFFFC000  }
0xbb: {  	[spmem:s2] =	stream.indirect.scatter.add.f32 [tilespmem:s29], [sflag:$0x7], $0x80, s7, s25, $0xb8;
	[tilespmem:$0x1C400] =	vst v63  }
0xbc: {  	_ =	swait.ge [sflag:s22], $0x4000  }
0xbd: {  	[sflag:s22] =	ssyncset.done $0x0  }
0xbe: {  	s13 =	rddreg [dreg:$0xb];
	[sflag:s22] =	ssyncadd.s32 $0xFFFFC000  }
0xbf: {  	[tilespmem:s3], [sflag:$0x1] =	stream.linear.gather [hbm4b:s13+s3], $0x100, $0x38;
	[tilespmem:$0x1C400] =	vst v63  }
0xc0: {  	_ =	swait.ge [sflag:s8], $0x100  }
0xc1: {  	[sflag:s8] =	ssyncset.done $0x0  }
0xc2: {  	[sflag:s8] =	ssyncadd.s32 $0xFFFFFF00  }
0xc3: {  	[tilespmem:s29], [sflag:$0x6] =	stream.indirect.gather [hbm4b:s4+s25], $0x80, s31, s25, $0xb8;
	[tilespmem:$0x1C400] =	vst v63  }
0xc4: {  	_ =	swait.ge [sflag:s30], $0x4000  }
0xc5: {  	[sflag:s30] =	ssyncset.done $0x0  }
0xc6: {  	[sflag:s30] =	ssyncadd.s32 $0xFFFFC000  }
0xc7: {  	[spmem:s2] =	stream.indirect.scatter.add.f32 [tilespmem:s21], [sflag:$0x7], $0x80, s10, s25, $0xb8;
	[tilespmem:$0x1C400] =	vst v63  }
0xc8: {  	_ =	swait.ge [sflag:s22], $0x4000  }
0xc9: {  	[sflag:s22] =	ssyncset.done $0x0  }
0xca: {  	s14 =	rddreg [dreg:$0xc];
	[sflag:s22] =	ssyncadd.s32 $0xFFFFC000  }
0xcb: {  	[tilespmem:s23], [sflag:$0x2] =	stream.linear.gather [hbm4b:s14+s3], $0x100, $0x38;
	[tilespmem:$0x1C400] =	vst v63  }
0xcc: {  	_ =	swait.ge [sflag:s24], $0x100  }
0xcd: {  	[sflag:s24] =	ssyncset.done $0x0  }
0xce: {  	[sflag:s24] =	ssyncadd.s32 $0xFFFFFF00  }
0xcf: {  	[tilespmem:s21], [sflag:$0x5] =	stream.indirect.gather [hbm4b:s4+s25], $0x80, s3, s25, $0xb8;
	[tilespmem:$0x1C400] =	vst v63  }
0xd0: {  	_ =	swait.ge [sflag:s1], $0x4000  }
0xd1: {  	[sflag:s1] =	ssyncset.done $0x0  }
0xd2: {  	[sflag:s1] =	ssyncadd.s32 $0xFFFFC000  }
0xd3: {  	[spmem:s2] =	stream.indirect.scatter.add.f32 [tilespmem:s29], [sflag:$0x7], $0x80, s11, s25, $0xb8;
	[tilespmem:$0x1C400] =	vst v63  }
0xd4: {  	_ =	swait.ge [sflag:s22], $0x4000  }
0xd5: {  	[sflag:s22] =	ssyncset.done $0x0  }
0xd6: {  	[sflag:s22] =	ssyncadd.s32 $0xFFFFC000  }
0xd7: {  	_ =	swait.ge [sflag:s28], $0x100  }
0xd8: {  	[sflag:s28] =	ssyncset.done $0x0  }
0xd9: {  	[sflag:s28] =	ssyncadd.s32 $0xFFFFFF00  }
0xda: {  	[tilespmem:s29], [sflag:$0x6] =	stream.indirect.gather [hbm4b:s4+s25], $0x80, s23, s25, $0xb8;
	[tilespmem:$0x1C400] =	vst v63  }
0xdb: {  	_ =	swait.ge [sflag:s30], $0x4000  }
0xdc: {  	[sflag:s30] =	ssyncset.done $0x0  }
0xdd: {  	[sflag:s30] =	ssyncadd.s32 $0xFFFFC000  }
0xde: {  	[spmem:s2] =	stream.indirect.scatter.add.f32 [tilespmem:s21], [sflag:$0x7], $0x80, s25, s25, $0xb8;
	[tilespmem:$0x1C400] =	vst v63  }
0xdf: {  	_ =	swait.ge [sflag:s22], $0x4000  }
0xe0: {  	[sflag:s22] =	ssyncset.done $0x0  }
0xe1: {  	[sflag:s22] =	ssyncadd.s32 $0xFFFFC000  }
0xe2: {  	_ =	swait.ge [sflag:s1], $0x4000  }
0xe3: {  	[sflag:s1] =	ssyncset.done $0x0  }
0xe4: {  	[sflag:s1] =	ssyncadd.s32 $0xFFFFC000  }
0xe5: {  	[spmem:s2] =	stream.indirect.scatter.add.f32 [tilespmem:s29], [sflag:$0x7], $0x80, s7, s25, $0xb8;
	[tilespmem:$0x1C400] =	vst v63  }
0xe6: {  	_ =	swait.ge [sflag:s22], $0x4000  }
0xe7: {  	[sflag:s22] =	ssyncset.done $0x0  }
0xe8: {  	s13 =	simm.s32 @!p0 $0x0;
	s14 =	simm.s32 @!p0 $0x7;
	[sflag:s22] =	ssyncadd.s32 $0xFFFFC000  }
0xe9: {  	[tilespmem:s13], [sflag:$0x7] =	stream.linear.gather @!p0 [hbm4b:s17+s13], $0x100, $0x38;
	[tilespmem:$0x1C400] =	vst v63  }
0xea: {  	_ =	swait.ge @!p0 [sflag:s14], $0x100  }
0xeb: {  	[sflag:s14] =	ssyncset.done @!p0 $0x0  }
0xec: {  	s15 =	simm.s32 @!p0 $0x80;
	s16 =	simm.s32 @!p0 $0x400;
	[sflag:s14] =	ssyncadd.s32 @!p0 $0xFFFFFF00  }
0xed: {  	[tilespmem:s16], [sflag:$0x5] =	stream.indirect.gather @!p0 [hbm4b:s4+s15], $0x80, s13, s15, $0xb8;
	[tilespmem:$0x1C400] =	vst v63  }
0xee: {  	s13 =	simm.s32 @!p0 $0x5  }
0xef: {  	_ =	swait.ge @!p0 [sflag:s13], $0x4000  }
0xf0: {  	[sflag:s13] =	ssyncset.done @!p0 $0x0  }
0xf1: {  	[sflag:s13] =	ssyncadd.s32 @!p0 $0xFFFFC000  }
0xf2: {  	[spmem:s2] =	stream.indirect.scatter.add.f32 @!p0 [tilespmem:s16], [sflag:$0x7], $0x80, s15, s15, $0xb8;
	[tilespmem:$0x1C400] =	vst v63  }
0xf3: {  	_ =	swait.ge @!p0 [sflag:s14], $0x4000  }
0xf4: {  	s12 =	sadd.s32 $0x1, s12;
	[sflag:s14] =	ssyncset.done @!p0 $0x0  }
0xf5: {  	p1 =	sne.s32 s12, s19;
	s15 =	sor.u32 $0x1C07, s5;
	[sflag:s14] =	ssyncadd.s32 @!p0 $0xFFFFC000  }
.Ltmp2:
0xf6: {  	s16 =	sshrl.u32 s6, $0x3;
	[bflag:$0x0] =	sbarrier.arrive $0xFFFF;
	(pc) =	sbr.rel @p1 .LBB2_1-.Ltmp2, $4  }
0xf7: {  	[hbm:s18], [sflag:s15] =	dma.local [spmem:s16], $0x2800  }
0xf8: {  	_ =	swait.ge [sflag:s22], $0x2800  }
0xf9: {  	[sflag:s22] =	ssyncset.done $0x0  }
0xfa: {  	[sflag:s22] =	ssyncadd.s32 $0xFFFFD800  }
0xfb: {  	_ =	sfence.sel $0x180000  }
0xfc: {  	[bflag:$0x0] =	sbarrier.arrive $0xFFFF  }
0xfd: {  	_ =	strace $0x9000004A  }
0xfe: {  	s0 =	stileid.u32;
	[bflag:$0x2] =	sbarrier.arrive $0xFFFF  }
0xff: {  	p0 =	sne.s32 s0, $0x0;
	s0 =	rddreg [dreg:$0x3]  }
0x100: {  	s0 =	sadd.s32 @!p0 $0x100000, s0  }
0x101: {  	[sflag:s0] =	ssyncadd.tile.s32 @!p0 $0x1;
	_ =	shalt  }
.Lfunc_end2:
_tile_overlayer_lowered:
.L_overlay_start_2:
0x102: {  	(tag) =	ssettag $0x2  }
0x103: {  	s0 =	rddreg [dreg:$0x0];
	s2 =	stileid.u32  }
0x104: {  	s1 =	rddreg [dreg:$0x1];
	p0 =	sne.s32 s2, $0x0  }
0x105: {  	s3 =	rddreg [dreg:$0x2];
	[bflag:$0x3] =	sbarrier.arrive $0xFFFF;
	s2 =	simm.s32 @!p0 $0x1C07  }
0x106: {  	[timem:s3], [sflag:s2] =	dma.local @!p0 [hbm:s0], s1  }
0x107: {  	s0 =	simm.s32 @!p0 $0x7  }
0x108: {  	_ =	swait.ge @!p0 [sflag:s0], s1  }
0x109: {  	s1 =	ssub.s32 @!p0 $0x0, s1;
	[sflag:s0] =	ssyncset.done @!p0 $0x0  }
0x10a: {  	[sflag:s0] =	ssyncadd.s32 @!p0 s1  }
0x10b: {  	[bflag:$0x3] =	sbarrier.arrive $0xFFFF  }
0x10c: {  	_ =	shalt  }

</sc_bundles>
